<compile_context>
chip_gen: v7x
topology: tpu7x:2x2x1
jax: 0.10.2.dev20260603
libtpu: 0.0.44.dev20260713+nightly
codegen_flags: <defaults>
</compile_context>

<pallas_src>
import functools

import jax
import jax.numpy as jnp
from jax import lax
from jax.experimental import pallas as pl
from jax.experimental.pallas import tpu as pltpu
from jax.experimental.pallas import tpu_sc as plsc

PANEL_W = 512
RING = 128
L = 16


@functools.cache
def _make_gather(batch, vocab, dim):
    info = plsc.get_sparse_core_info()
    nc, ns = info.num_cores, info.num_subcores
    nw = nc * ns
    n_full = vocab // PANEL_W
    tail_w = vocab - n_full * PANEL_W
    per, rem = divmod(n_full, nw)
    out_rows = batch + nw
    assert out_rows % 8 == 0 and batch % L == 0

    mesh = plsc.VectorSubcoreMesh(core_axis_name="c", subcore_axis_name="s")

    @functools.partial(
        pl.kernel,
        mesh=mesh,
        out_type=jax.ShapeDtypeStruct((out_rows, 2 * dim), jnp.float32),
        scratch_types=[
            pltpu.VMEM((batch,), jnp.int32),
            pltpu.VMEM((batch + L,), jnp.int32),
            pltpu.VMEM((batch + L,), jnp.int32),
            pltpu.VMEM((dim, PANEL_W), jnp.float32),
            pltpu.VMEM((dim, max(tail_w, 1)), jnp.float32),
            pltpu.VMEM((RING, 2 * dim), jnp.float32),
            pltpu.VMEM((1, RING), jnp.int32),
            pltpu.VMEM((L,), jnp.int32),
            pltpu.VMEM((L,), jnp.int32),
            pltpu.SemaphoreType.DMA,
        ],
        compiler_params=pltpu.CompilerParams(use_tc_tiling_on_sc=True,
                                             needs_layout_passes=False),
    )
    def k(idx_hbm, tt_hbm, tail_hbm, out_hbm,
          idx_v, bkt_i, bkt_b, panel_v, tail_v, ring_v, rd_v, st_c, st_b,
          sem):
        wid = lax.axis_index("s") * nc + lax.axis_index("c")
        iota = lax.broadcasted_iota(jnp.int32, (L,), 0)
        zeros = jnp.zeros((L,), jnp.int32)
        dummy = jnp.full((L,), batch + wid, jnp.int32)
        lane0 = iota == 0

        n_my = per + jnp.where(wid < rem, 1, 0)
        p0 = wid * per + jnp.minimum(wid, rem)
        lo = p0 * PANEL_W
        hi = lo + n_my * PANEL_W
        hi = jnp.where(wid == nw - 1, vocab, hi)

        pltpu.sync_copy(idx_hbm, idx_v)

        def reset_rd():
            for g in range(RING // L):
                plsc.store_scatter(rd_v.at[...], [zeros, iota + g * L], dummy)

        reset_rd()

        def scan_body(kk, blen):
            iv = idx_v[pl.ds(kk * L, L)]
            bv = iota + kk * L
            m = (iv >= lo) & (iv < hi)
            plsc.store_compressed(bkt_i.at[pl.ds(blen, L)], iv, mask=m)
            plsc.store_compressed(bkt_b.at[pl.ds(blen, L)], bv, mask=m)
            return blen + plsc.all_reduce_population_count(m)[0]

        blen = lax.fori_loop(0, batch // L, scan_body, jnp.int32(0))
        nk = (blen + L - 1) // L

        def flush(rp):
            pltpu.sync_copy(ring_v, out_hbm.at[rd_v.at[0]])
            reset_rd()
            return rp

        def extract(panel_ref, off, width, rp):

            def rescan_body(kk, rp):
                iv = bkt_i[pl.ds(kk * L, L)]
                bv = bkt_b[pl.ds(kk * L, L)]
                valid = (iota + kk * L) < blen
                m = valid & (iv >= off) & (iv < off + width)
                cnt = plsc.all_reduce_population_count(m)[0]
                plsc.store_compressed(st_c.at[...], iv - off, mask=m)
                plsc.store_compressed(st_b.at[...], bv, mask=m)

                def match_body(t, rp):
                    tv = jnp.full((L,), t, jnp.int32)
                    cvec = plsc.load_gather(st_c.at[...], [tv])
                    bvec = plsc.load_gather(st_b.at[...], [tv])
                    rpv = jnp.full((L,), rp, jnp.int32)
                    for g in range(dim // L):
                        dvec = iota + g * L
                        vals = plsc.load_gather(panel_ref.at[...], [dvec, cvec])
                        plsc.store_scatter(ring_v.at[...], [rpv, dvec], vals)
                    plsc.store_scatter(rd_v.at[...], [zeros, rpv], bvec,
                                       mask=lane0)
                    rp = rp + 1

                    @pl.when(rp == RING)
                    def _():
                        flush(rp)

                    return jnp.where(rp == RING, 0, rp)

                return lax.fori_loop(0, cnt, match_body, rp)

            return lax.fori_loop(0, nk, rescan_body, rp)

        def panel_body(p, rp):
            off = pl.multiple_of((p0 + p) * PANEL_W, PANEL_W)
            pltpu.sync_copy(tt_hbm.at[:, pl.ds(off, PANEL_W)], panel_v)
            return extract(panel_v, off, PANEL_W, rp)

        rp = lax.fori_loop(0, n_my, panel_body, jnp.int32(0))

        if tail_w:
            @pl.when(wid == nw - 1)
            def _():
                pltpu.sync_copy(tail_hbm, tail_v)

            eff_w = jnp.where(wid == nw - 1, tail_w, 0)
            rp = extract(tail_v, jnp.int32(n_full * PANEL_W), eff_w, rp)

        flush(rp)

    return k


def kernel(unique_ids, table):
    batch, = unique_ids.shape
    vocab, dim = table.shape
    tail_start = (vocab // PANEL_W) * PANEL_W
    idx = unique_ids.astype(jnp.int32)
    tt = table.T
    tail = table[tail_start:].T if tail_start < vocab else table[:1].T
    out_wide = _make_gather(batch, vocab, dim)(idx, tt, tail)
    return out_wide[:batch, :dim]

# --- scband reference (transcript-rebuilt; emitter-appended) ---
"""Pipeline reference for scband-unique-id-encoder-89670327205889 (READ-ONLY COPY).

The authoritative reference and input builder live on the scoring server;
editing this copy changes nothing except your own understanding.
"""

import jax, jax.numpy as jnp
import numpy as np

NUM_TO_ENCODE = 1000000
EMBEDDING_DIM = 64
BATCH = 16384


def setup_inputs(seed: int = 0) -> dict:
    key = jax.random.key(seed)
    k_idx, k_tab = jax.random.split(key)
    unique_ids = jax.random.randint(k_idx, (BATCH,), 0, NUM_TO_ENCODE, dtype=jnp.int64 if jax.config.jax_enable_x64 else jnp.int32)
    # nn.Embedding default init: N(0, 1)
    table = jax.random.normal(k_tab, (NUM_TO_ENCODE, EMBEDDING_DIM), dtype=jnp.float32)
    return {"unique_ids": unique_ids, "table": table}


def reference(unique_ids, table):
    # embeddings = self.feature_embedding(unique_ids)
    embeddings = jnp.take(table, unique_ids, axis=0)
    return embeddings

if __name__ == "__main__":
    import jax
    _d = setup_inputs()
    print(jax.jit(kernel)(*tuple(_d.values())))

</pallas_src>

<mosaic_0001>
#map = affine_map<(d0, d1) -> (0)>
#map1 = affine_map<(d0, d1) -> (0, 0)>
module attributes {stable_mosaic.version = 14 : i64} {
  func.func @k(%arg0: i32, %arg1: i32, %arg2: memref<16384xi32, #tpu.memory_space<hbm>>, %arg3: memref<64x1000000xf32, #tpu.memory_space<hbm>>, %arg4: memref<64x64xf32, #tpu.memory_space<hbm>>, %arg5: memref<16416x128xf32, #tpu.memory_space<hbm>>, %arg6: memref<16384xi32, #tpu.memory_space<vmem>>, %arg7: memref<16400xi32, #tpu.memory_space<vmem>>, %arg8: memref<16400xi32, #tpu.memory_space<vmem>>, %arg9: memref<64x512xf32, #tpu.memory_space<vmem>>, %arg10: memref<64x64xf32, #tpu.memory_space<vmem>>, %arg11: memref<128x128xf32, #tpu.memory_space<vmem>>, %arg12: memref<1x128xi32, #tpu.memory_space<vmem>>, %arg13: memref<16xi32, #tpu.memory_space<vmem>>, %arg14: memref<16xi32, #tpu.memory_space<vmem>>, %arg15: memref<!tpu.dma_semaphore, #tpu.memory_space<semaphore_mem>>) attributes {dimension_semantics = [#tpu.dimension_semantics<core_parallel>, #tpu.dimension_semantics<subcore_parallel>], iteration_bounds = array<i64: 2, 16>, scalar_prefetch = 0 : i64, scratch_operands = 10 : i64, tpu.core_type = #tpu.core_type<sc_vector_subcore>, window_params = [{transform_indices = #map}, {transform_indices = #map1}, {transform_indices = #map1}, {transform_indices = #map1}]} {
    %mul3A = arith.constant 2 : i32
    %mul3A_0 = arith.muli %arg1, %mul3A : i32
    %add3A = arith.addi %mul3A_0, %arg0 : i32
    %iota3A = tpu.iota {dimensions = array<i32: 0>} : vector<16xi32>
    %broadcast_in_dim3A = arith.constant 0 : i32
    %broadcast_in_dim3A_1 = vector.broadcast %broadcast_in_dim3A : i32 to vector<16xi32>
    %add3A_2 = arith.constant 16384 : i32
    %add3A_3 = arith.addi %add3A_2, %add3A : i32
    %broadcast_in_dim3A_4 = vector.broadcast %add3A_3 : i32 to vector<16xi32>
    %eq3A = arith.constant 0 : i32
    %eq3A_5 = vector.broadcast %eq3A : i32 to vector<16xi32>
    %eq3A_6 = arith.cmpi eq, %iota3A, %eq3A_5 : vector<16xi32>
    %lt3A = arith.constant 1 : i32
    %lt3A_7 = arith.cmpi slt, %add3A, %lt3A : i32
    %jit3A = arith.constant 1 : i32
    %jit3A_8 = arith.constant 0 : i32
    %select_n3A = arith.select %lt3A_7, %jit3A, %jit3A_8 : i32
    %add3A_9 = arith.constant 61 : i32
    %add3A_10 = arith.addi %add3A_9, %select_n3A : i32
    %mul3A_11 = arith.constant 61 : i32
    %mul3A_12 = arith.muli %add3A, %mul3A_11 : i32
    %min3A = arith.constant 1 : i32
    %min3A_13 = arith.minsi %add3A, %min3A : i32
    %add3A_14 = arith.addi %mul3A_12, %min3A_13 : i32
    %mul3A_15 = arith.constant 512 : i32
    %mul3A_16 = arith.muli %add3A_14, %mul3A_15 : i32
    %mul3A_17 = arith.constant 512 : i32
    %mul3A_18 = arith.muli %add3A_10, %mul3A_17 : i32
    %add3A_19 = arith.addi %mul3A_16, %mul3A_18 : i32
    %eq3A_20 = arith.constant 31 : i32
    %eq3A_21 = arith.cmpi eq, %add3A, %eq3A_20 : i32
    %jit3A_22 = arith.constant 1000000 : i32
    %select_n3A_23 = arith.select %eq3A_21, %jit3A_22, %add3A_19 : i32
    "tpu.region"() ({
      %run_scoped3A_178 = tpu.sem_alloc : memref<!tpu.dma_semaphore, #tpu.memory_space<semaphore_mem>>
      tpu.enqueue_dma source(%arg2 : memref<16384xi32, #tpu.memory_space<hbm>>) target(%arg6 : memref<16384xi32, #tpu.memory_space<vmem>>) target_semaphore(%run_scoped3A_178 : memref<!tpu.dma_semaphore, #tpu.memory_space<semaphore_mem>>)
      tpu.wait_dma2 semaphore(%run_scoped3A_178 : memref<!tpu.dma_semaphore, #tpu.memory_space<semaphore_mem>>) src(%arg2 : memref<16384xi32, #tpu.memory_space<hbm>>) dst(%arg6 : memref<16384xi32, #tpu.memory_space<vmem>>)
      tpu.yield
    }) : () -> ()
    %add3A_24 = arith.constant 0 : i32
    %add3A_25 = vector.broadcast %add3A_24 : i32 to vector<16xi32>
    %add3A_26 = arith.addi %iota3A, %add3A_25 : vector<16xi32>
    %scatter3A = arith.constant 0 : i32
    %scatter3A_27 = arith.constant 0 : i32
    %scatter3A_28 = tpu.memref_slice %arg12[%scatter3A, %scatter3A_27] : memref<1x128xi32, #tpu.memory_space<vmem>> -> memref<1x128xi32, #tpu.memory_space<vmem>>
    tpu.vector_store_idx %scatter3A_28[%broadcast_in_dim3A_1, %add3A_26], %broadcast_in_dim3A_4 : memref<1x128xi32, #tpu.memory_space<vmem>>[vector<16xi32>, vector<16xi32>], vector<16xi32>,
    %add3A_29 = arith.constant 16 : i32
    %add3A_30 = vector.broadcast %add3A_29 : i32 to vector<16xi32>
    %add3A_31 = arith.addi %iota3A, %add3A_30 : vector<16xi32>
    %scatter3A_32 = arith.constant 0 : i32
    %scatter3A_33 = arith.constant 0 : i32
    %scatter3A_34 = tpu.memref_slice %arg12[%scatter3A_32, %scatter3A_33] : memref<1x128xi32, #tpu.memory_space<vmem>> -> memref<1x128xi32, #tpu.memory_space<vmem>>
    tpu.vector_store_idx %scatter3A_34[%broadcast_in_dim3A_1, %add3A_31], %broadcast_in_dim3A_4 : memref<1x128xi32, #tpu.memory_space<vmem>>[vector<16xi32>, vector<16xi32>], vector<16xi32>,
    %add3A_35 = arith.constant 32 : i32
    %add3A_36 = vector.broadcast %add3A_35 : i32 to vector<16xi32>
    %add3A_37 = arith.addi %iota3A, %add3A_36 : vector<16xi32>
    %scatter3A_38 = arith.constant 0 : i32
    %scatter3A_39 = arith.constant 0 : i32
    %scatter3A_40 = tpu.memref_slice %arg12[%scatter3A_38, %scatter3A_39] : memref<1x128xi32, #tpu.memory_space<vmem>> -> memref<1x128xi32, #tpu.memory_space<vmem>>
    tpu.vector_store_idx %scatter3A_40[%broadcast_in_dim3A_1, %add3A_37], %broadcast_in_dim3A_4 : memref<1x128xi32, #tpu.memory_space<vmem>>[vector<16xi32>, vector<16xi32>], vector<16xi32>,
    %add3A_41 = arith.constant 48 : i32
    %add3A_42 = vector.broadcast %add3A_41 : i32 to vector<16xi32>
    %add3A_43 = arith.addi %iota3A, %add3A_42 : vector<16xi32>
    %scatter3A_44 = arith.constant 0 : i32
    %scatter3A_45 = arith.constant 0 : i32
    %scatter3A_46 = tpu.memref_slice %arg12[%scatter3A_44, %scatter3A_45] : memref<1x128xi32, #tpu.memory_space<vmem>> -> memref<1x128xi32, #tpu.memory_space<vmem>>
    tpu.vector_store_idx %scatter3A_46[%broadcast_in_dim3A_1, %add3A_43], %broadcast_in_dim3A_4 : memref<1x128xi32, #tpu.memory_space<vmem>>[vector<16xi32>, vector<16xi32>], vector<16xi32>,
    %add3A_47 = arith.constant 64 : i32
    %add3A_48 = vector.broadcast %add3A_47 : i32 to vector<16xi32>
    %add3A_49 = arith.addi %iota3A, %add3A_48 : vector<16xi32>
    %scatter3A_50 = arith.constant 0 : i32
    %scatter3A_51 = arith.constant 0 : i32
    %scatter3A_52 = tpu.memref_slice %arg12[%scatter3A_50, %scatter3A_51] : memref<1x128xi32, #tpu.memory_space<vmem>> -> memref<1x128xi32, #tpu.memory_space<vmem>>
    tpu.vector_store_idx %scatter3A_52[%broadcast_in_dim3A_1, %add3A_49], %broadcast_in_dim3A_4 : memref<1x128xi32, #tpu.memory_space<vmem>>[vector<16xi32>, vector<16xi32>], vector<16xi32>,
    %add3A_53 = arith.constant 80 : i32
    %add3A_54 = vector.broadcast %add3A_53 : i32 to vector<16xi32>
    %add3A_55 = arith.addi %iota3A, %add3A_54 : vector<16xi32>
    %scatter3A_56 = arith.constant 0 : i32
    %scatter3A_57 = arith.constant 0 : i32
    %scatter3A_58 = tpu.memref_slice %arg12[%scatter3A_56, %scatter3A_57] : memref<1x128xi32, #tpu.memory_space<vmem>> -> memref<1x128xi32, #tpu.memory_space<vmem>>
    tpu.vector_store_idx %scatter3A_58[%broadcast_in_dim3A_1, %add3A_55], %broadcast_in_dim3A_4 : memref<1x128xi32, #tpu.memory_space<vmem>>[vector<16xi32>, vector<16xi32>], vector<16xi32>,
    %add3A_59 = arith.constant 96 : i32
    %add3A_60 = vector.broadcast %add3A_59 : i32 to vector<16xi32>
    %add3A_61 = arith.addi %iota3A, %add3A_60 : vector<16xi32>
    %scatter3A_62 = arith.constant 0 : i32
    %scatter3A_63 = arith.constant 0 : i32
    %scatter3A_64 = tpu.memref_slice %arg12[%scatter3A_62, %scatter3A_63] : memref<1x128xi32, #tpu.memory_space<vmem>> -> memref<1x128xi32, #tpu.memory_space<vmem>>
    tpu.vector_store_idx %scatter3A_64[%broadcast_in_dim3A_1, %add3A_61], %broadcast_in_dim3A_4 : memref<1x128xi32, #tpu.memory_space<vmem>>[vector<16xi32>, vector<16xi32>], vector<16xi32>,
    %add3A_65 = arith.constant 112 : i32
    %add3A_66 = vector.broadcast %add3A_65 : i32 to vector<16xi32>
    %add3A_67 = arith.addi %iota3A, %add3A_66 : vector<16xi32>
    %scatter3A_68 = arith.constant 0 : i32
    %scatter3A_69 = arith.constant 0 : i32
    %scatter3A_70 = tpu.memref_slice %arg12[%scatter3A_68, %scatter3A_69] : memref<1x128xi32, #tpu.memory_space<vmem>> -> memref<1x128xi32, #tpu.memory_space<vmem>>
    tpu.vector_store_idx %scatter3A_70[%broadcast_in_dim3A_1, %add3A_67], %broadcast_in_dim3A_4 : memref<1x128xi32, #tpu.memory_space<vmem>>[vector<16xi32>, vector<16xi32>], vector<16xi32>,
    %scan3A = arith.constant 0 : i32
    %scan3A_71 = arith.constant 0 : i32
    %scan3A_72 = arith.constant 1024 : i32
    %scan3A_73 = arith.addi %scan3A_71, %scan3A_72 : i32
    %scan3A_74 = arith.constant 1 : i32
    %scan3A_75 = scf.for %scan3A_178 = %scan3A_71 to %scan3A_73 step %scan3A_74 iter_args(%scan3A_179 = %scan3A) -> (i32)  : i32 {
      %mul3A_180 = arith.constant 16 : i32
      %mul3A_181 = arith.muli %scan3A_178, %mul3A_180 : i32
      %get3A = arith.index_cast %mul3A_181 : i32 to index
      %get3A_182 = tpu.vector_load %arg6[%get3A] {strides = array<i32>} : memref<16384xi32, #tpu.memory_space<vmem>>, vector<16xi32>,
      %mul3A_183 = arith.constant 16 : i32
      %mul3A_184 = arith.muli %scan3A_178, %mul3A_183 : i32
      %add3A_185 = vector.broadcast %mul3A_184 : i32 to vector<16xi32>
      %add3A_186 = arith.addi %iota3A, %add3A_185 : vector<16xi32>
      %ge3A = vector.broadcast %mul3A_16 : i32 to vector<16xi32>
      %ge3A_187 = arith.cmpi sge, %get3A_182, %ge3A : vector<16xi32>
      %lt3A_188 = vector.broadcast %select_n3A_23 : i32 to vector<16xi32>
      %lt3A_189 = arith.cmpi slt, %get3A_182, %lt3A_188 : vector<16xi32>
      %and3A_190 = arith.andi %ge3A_187, %lt3A_189 : vector<16xi1>
      %swap3A = arith.index_cast %scan3A_179 : i32 to index
      %swap3A_191 = tpu.vector_load %arg7[%swap3A] masked %and3A_190 {strides = array<i32>} : memref<16400xi32, #tpu.memory_space<vmem>>, vector<16xi32>, vector<16xi1>
      tpu.vector_store %arg7[%swap3A], %get3A_182 masked %and3A_190 {strides = array<i32>} : memref<16400xi32, #tpu.memory_space<vmem>>, vector<16xi32>, vector<16xi1>
      %swap3A_192 = arith.index_cast %scan3A_179 : i32 to index
      %swap3A_193 = tpu.vector_load %arg8[%swap3A_192] masked %and3A_190 {strides = array<i32>} : memref<16400xi32, #tpu.memory_space<vmem>>, vector<16xi32>, vector<16xi1>
      tpu.vector_store %arg8[%swap3A_192], %add3A_186 masked %and3A_190 {strides = array<i32>} : memref<16400xi32, #tpu.memory_space<vmem>>, vector<16xi32>, vector<16xi1>
      %all_reduce_population_count3A = tpu.all_reduce %and3A_190 {dim = 0 : i64, kind = #tpu.reduction_kind<sum>} : vector<16xi1> -> vector<16xi32>
      %slice3A = vector.extract_strided_slice %all_reduce_population_count3A {offsets = [0], sizes = [1], strides = [1]} : vector<16xi32> to vector<1xi32>
      %squeeze3A = vector.extract %slice3A[0] : i32 from vector<1xi32>
      %add3A_194 = arith.addi %scan3A_179, %squeeze3A : i32
      scf.yield %add3A_194 : i32
    }
    %scan3A_76 = arith.constant 1024 : i32
    %add3A_77 = arith.constant 16 : i32
    %add3A_78 = arith.addi %scan3A_75, %add3A_77 : i32
    %sub3A = arith.constant 1 : i32
    %sub3A_79 = arith.subi %add3A_78, %sub3A : i32
    %jit3A_80 = arith.constant 16 : i32
    %div3A = arith.divsi %sub3A_79, %jit3A_80 : i32
    %sign3A = arith.constant 0 : i32
    %sign3A_81 = arith.cmpi sgt, %sub3A_79, %sign3A : i32
    %sign3A_82 = arith.extui %sign3A_81 : i1 to i32
    %sign3A_83 = arith.constant 0 : i32
    %sign3A_84 = arith.cmpi slt, %sub3A_79, %sign3A_83 : i32
    %sign3A_85 = arith.extui %sign3A_84 : i1 to i32
    %sign3A_86 = arith.subi %sign3A_82, %sign3A_85 : i32
    %sign3A_87 = arith.constant 0 : i32
    %sign3A_88 = arith.cmpi sgt, %jit3A_80, %sign3A_87 : i32
    %sign3A_89 = arith.extui %sign3A_88 : i1 to i32
    %sign3A_90 = arith.constant 0 : i32
    %sign3A_91 = arith.cmpi slt, %jit3A_80, %sign3A_90 : i32
    %sign3A_92 = arith.extui %sign3A_91 : i1 to i32
    %sign3A_93 = arith.subi %sign3A_89, %sign3A_92 : i32
    %ne3A = arith.cmpi ne, %sign3A_86, %sign3A_93 : i32
    %rem3A = arith.remsi %sub3A_79, %jit3A_80 : i32
    %ne3A_94 = arith.constant 0 : i32
    %ne3A_95 = arith.cmpi ne, %rem3A, %ne3A_94 : i32
    %and3A = arith.andi %ne3A, %ne3A_95 : i1
    %sub3A_96 = arith.constant 1 : i32
    %sub3A_97 = arith.subi %div3A, %sub3A_96 : i32
    %select_n3A_98 = arith.select %and3A, %sub3A_97, %div3A : i32
    %while3A = arith.constant 0 : i32
    %while3A_99 = arith.constant 0 : i32
    %while3A_100 = arith.subi %add3A_10, %while3A : i32
    %while3A_101 = arith.addi %while3A, %while3A_100 : i32
    %while3A_102 = arith.constant 1 : i32
    %while3A_103 = arith.divsi %while3A_100, %while3A_102 : i32
    %while3A_104 = arith.muli %while3A_103, %while3A_102 : i32
    %while3A_105 = arith.addi %while3A, %while3A_104 : i32
    %while3A_106 = arith.constant 1 : i32
    %while3A_107 = scf.for %while3A_178 = %while3A to %while3A_105 step %while3A_106 iter_args(%while3A_179 = %while3A_99) -> (i32)  : i32 {
      %add3A_180 = arith.addi %add3A_14, %while3A_178 : i32
      %mul3A_181 = arith.constant 512 : i32
      %mul3A_182 = arith.muli %add3A_180, %mul3A_181 : i32
      %multiple_of3A = tpu.assume_multiple %mul3A_182, 512 : i32
      "tpu.region"() ({
        %run_scoped3A_194 = tpu.sem_alloc : memref<!tpu.dma_semaphore, #tpu.memory_space<semaphore_mem>>
        %dma_start3A = arith.constant 0 : i32
        %dma_start3A_195 = tpu.memref_slice %arg3[%dma_start3A, %multiple_of3A] : memref<64x1000000xf32, #tpu.memory_space<hbm>> -> memref<64x512xf32, #tpu.memory_space<hbm>>
        %dma_start3A_196 = arith.constant 0 : i32
        %dma_start3A_197 = tpu.memref_slice %arg3[%dma_start3A_196, %multiple_of3A] : memref<64x1000000xf32, #tpu.memory_space<hbm>> -> memref<64x512xf32, #tpu.memory_space<hbm>>
        tpu.enqueue_dma source(%dma_start3A_197 : memref<64x512xf32, #tpu.memory_space<hbm>>) target(%arg9 : memref<64x512xf32, #tpu.memory_space<vmem>>) target_semaphore(%run_scoped3A_194 : memref<!tpu.dma_semaphore, #tpu.memory_space<semaphore_mem>>)
        %dma_wait3A = arith.constant 0 : i32
        %dma_wait3A_198 = tpu.memref_slice %arg3[%dma_wait3A, %multiple_of3A] : memref<64x1000000xf32, #tpu.memory_space<hbm>> -> memref<64x512xf32, #tpu.memory_space<hbm>>
        %dma_wait3A_199 = arith.constant 0 : i32
        %dma_wait3A_200 = tpu.memref_slice %arg3[%dma_wait3A_199, %multiple_of3A] : memref<64x1000000xf32, #tpu.memory_space<hbm>> -> memref<64x512xf32, #tpu.memory_space<hbm>>
        tpu.wait_dma2 semaphore(%run_scoped3A_194 : memref<!tpu.dma_semaphore, #tpu.memory_space<semaphore_mem>>) src(%dma_wait3A_200 : memref<64x512xf32, #tpu.memory_space<hbm>>) dst(%arg9 : memref<64x512xf32, #tpu.memory_space<vmem>>)
        tpu.yield
      }) : () -> ()
      %while3A_183 = arith.constant 0 : i32
      %while3A_184 = arith.subi %select_n3A_98, %while3A_183 : i32
      %while3A_185 = arith.addi %while3A_183, %while3A_184 : i32
      %while3A_186 = arith.constant 1 : i32
      %while3A_187 = arith.divsi %while3A_184, %while3A_186 : i32
      %while3A_188 = arith.muli %while3A_187, %while3A_186 : i32
      %while3A_189 = arith.addi %while3A_183, %while3A_188 : i32
      %while3A_190 = arith.constant 1 : i32
      %while3A_191 = scf.for %while3A_194 = %while3A_183 to %while3A_189 step %while3A_190 iter_args(%while3A_195 = %while3A_179) -> (i32)  : i32 {
        %mul3A_196 = arith.constant 16 : i32
        %mul3A_197 = arith.muli %while3A_194, %mul3A_196 : i32
        %get3A = arith.index_cast %mul3A_197 : i32 to index
        %get3A_198 = tpu.vector_load %arg7[%get3A] {strides = array<i32>} : memref<16400xi32, #tpu.memory_space<vmem>>, vector<16xi32>,
        %mul3A_199 = arith.constant 16 : i32
        %mul3A_200 = arith.muli %while3A_194, %mul3A_199 : i32
        %get3A_201 = arith.index_cast %mul3A_200 : i32 to index
        %get3A_202 = tpu.vector_load %arg8[%get3A_201] {strides = array<i32>} : memref<16400xi32, #tpu.memory_space<vmem>>, vector<16xi32>,
        %mul3A_203 = arith.constant 16 : i32
        %mul3A_204 = arith.muli %while3A_194, %mul3A_203 : i32
        %add3A_205 = vector.broadcast %mul3A_204 : i32 to vector<16xi32>
        %add3A_206 = arith.addi %iota3A, %add3A_205 : vector<16xi32>
        %lt3A_207 = vector.broadcast %scan3A_75 : i32 to vector<16xi32>
        %lt3A_208 = arith.cmpi slt, %add3A_206, %lt3A_207 : vector<16xi32>
        %ge3A = vector.broadcast %multiple_of3A : i32 to vector<16xi32>
        %ge3A_209 = arith.cmpi sge, %get3A_198, %ge3A : vector<16xi32>
        %and3A_210 = arith.andi %lt3A_208, %ge3A_209 : vector<16xi1>
        %add3A_211 = arith.constant 512 : i32
        %add3A_212 = arith.addi %multiple_of3A, %add3A_211 : i32
        %lt3A_213 = vector.broadcast %add3A_212 : i32 to vector<16xi32>
        %lt3A_214 = arith.cmpi slt, %get3A_198, %lt3A_213 : vector<16xi32>
        %and3A_215 = arith.andi %and3A_210, %lt3A_214 : vector<16xi1>
        %all_reduce_population_count3A = tpu.all_reduce %and3A_215 {dim = 0 : i64, kind = #tpu.reduction_kind<sum>} : vector<16xi1> -> vector<16xi32>
        %slice3A = vector.extract_strided_slice %all_reduce_population_count3A {offsets = [0], sizes = [1], strides = [1]} : vector<16xi32> to vector<1xi32>
        %squeeze3A = vector.extract %slice3A[0] : i32 from vector<1xi32>
        %sub3A_216 = vector.broadcast %multiple_of3A : i32 to vector<16xi32>
        %sub3A_217 = arith.subi %get3A_198, %sub3A_216 : vector<16xi32>
        %swap3A = arith.constant 0 : index
        %swap3A_218 = tpu.vector_load %arg13[%swap3A] masked %and3A_215 {strides = array<i32>} : memref<16xi32, #tpu.memory_space<vmem>>, vector<16xi32>, vector<16xi1>
        tpu.vector_store %arg13[%swap3A], %sub3A_217 masked %and3A_215 {strides = array<i32>} : memref<16xi32, #tpu.memory_space<vmem>>, vector<16xi32>, vector<16xi1>
        %swap3A_219 = arith.constant 0 : index
        %swap3A_220 = tpu.vector_load %arg14[%swap3A_219] masked %and3A_215 {strides = array<i32>} : memref<16xi32, #tpu.memory_space<vmem>>, vector<16xi32>, vector<16xi1>
        tpu.vector_store %arg14[%swap3A_219], %get3A_202 masked %and3A_215 {strides = array<i32>} : memref<16xi32, #tpu.memory_space<vmem>>, vector<16xi32>, vector<16xi1>
        %while3A_221 = arith.constant 0 : i32
        %while3A_222 = arith.subi %squeeze3A, %while3A_221 : i32
        %while3A_223 = arith.addi %while3A_221, %while3A_222 : i32
        %while3A_224 = arith.constant 1 : i32
        %while3A_225 = arith.divsi %while3A_222, %while3A_224 : i32
        %while3A_226 = arith.muli %while3A_225, %while3A_224 : i32
        %while3A_227 = arith.addi %while3A_221, %while3A_226 : i32
        %while3A_228 = arith.constant 1 : i32
        %while3A_229 = scf.for %while3A_232 = %while3A_221 to %while3A_227 step %while3A_228 iter_args(%while3A_233 = %while3A_195) -> (i32)  : i32 {
          %broadcast_in_dim3A_234 = vector.broadcast %while3A_232 : i32 to vector<16xi32>
          %gather3A = arith.constant 0 : i32
          %gather3A_235 = tpu.memref_slice %arg13[%gather3A] : memref<16xi32, #tpu.memory_space<vmem>> -> memref<16xi32, #tpu.memory_space<vmem>>
          %gather3A_236 = tpu.vector_load_idx %gather3A_235[%broadcast_in_dim3A_234] : memref<16xi32, #tpu.memory_space<vmem>>[vector<16xi32>], vector<16xi32>,
          %gather3A_237 = arith.constant 0 : i32
          %gather3A_238 = tpu.memref_slice %arg14[%gather3A_237] : memref<16xi32, #tpu.memory_space<vmem>> -> memref<16xi32, #tpu.memory_space<vmem>>
          %gather3A_239 = tpu.vector_load_idx %gather3A_238[%broadcast_in_dim3A_234] : memref<16xi32, #tpu.memory_space<vmem>>[vector<16xi32>], vector<16xi32>,
          %broadcast_in_dim3A_240 = vector.broadcast %while3A_233 : i32 to vector<16xi32>
          %add3A_241 = arith.constant 0 : i32
          %add3A_242 = vector.broadcast %add3A_241 : i32 to vector<16xi32>
          %add3A_243 = arith.addi %iota3A, %add3A_242 : vector<16xi32>
          %gather3A_244 = arith.constant 0 : i32
          %gather3A_245 = arith.constant 0 : i32
          %gather3A_246 = tpu.memref_slice %arg9[%gather3A_244, %gather3A_245] : memref<64x512xf32, #tpu.memory_space<vmem>> -> memref<64x512xf32, #tpu.memory_space<vmem>>
          %gather3A_247 = tpu.vector_load_idx %gather3A_246[%add3A_243, %gather3A_236] : memref<64x512xf32, #tpu.memory_space<vmem>>[vector<16xi32>, vector<16xi32>], vector<16xf32>,
          %scatter3A_248 = arith.constant 0 : i32
          %scatter3A_249 = arith.constant 0 : i32
          %scatter3A_250 = tpu.memref_slice %arg11[%scatter3A_248, %scatter3A_249] : memref<128x128xf32, #tpu.memory_space<vmem>> -> memref<128x128xf32, #tpu.memory_space<vmem>>
          tpu.vector_store_idx %scatter3A_250[%broadcast_in_dim3A_240, %add3A_243], %gather3A_247 : memref<128x128xf32, #tpu.memory_space<vmem>>[vector<16xi32>, vector<16xi32>], vector<16xf32>,
          %add3A_251 = arith.constant 16 : i32
          %add3A_252 = vector.broadcast %add3A_251 : i32 to vector<16xi32>
          %add3A_253 = arith.addi %iota3A, %add3A_252 : vector<16xi32>
          %gather3A_254 = arith.constant 0 : i32
          %gather3A_255 = arith.constant 0 : i32
          %gather3A_256 = tpu.memref_slice %arg9[%gather3A_254, %gather3A_255] : memref<64x512xf32, #tpu.memory_space<vmem>> -> memref<64x512xf32, #tpu.memory_space<vmem>>
          %gather3A_257 = tpu.vector_load_idx %gather3A_256[%add3A_253, %gather3A_236] : memref<64x512xf32, #tpu.memory_space<vmem>>[vector<16xi32>, vector<16xi32>], vector<16xf32>,
          %scatter3A_258 = arith.constant 0 : i32
          %scatter3A_259 = arith.constant 0 : i32
          %scatter3A_260 = tpu.memref_slice %arg11[%scatter3A_258, %scatter3A_259] : memref<128x128xf32, #tpu.memory_space<vmem>> -> memref<128x128xf32, #tpu.memory_space<vmem>>
          tpu.vector_store_idx %scatter3A_260[%broadcast_in_dim3A_240, %add3A_253], %gather3A_257 : memref<128x128xf32, #tpu.memory_space<vmem>>[vector<16xi32>, vector<16xi32>], vector<16xf32>,
          %add3A_261 = arith.constant 32 : i32
          %add3A_262 = vector.broadcast %add3A_261 : i32 to vector<16xi32>
          %add3A_263 = arith.addi %iota3A, %add3A_262 : vector<16xi32>
          %gather3A_264 = arith.constant 0 : i32
          %gather3A_265 = arith.constant 0 : i32
          %gather3A_266 = tpu.memref_slice %arg9[%gather3A_264, %gather3A_265] : memref<64x512xf32, #tpu.memory_space<vmem>> -> memref<64x512xf32, #tpu.memory_space<vmem>>
          %gather3A_267 = tpu.vector_load_idx %gather3A_266[%add3A_263, %gather3A_236] : memref<64x512xf32, #tpu.memory_space<vmem>>[vector<16xi32>, vector<16xi32>], vector<16xf32>,
          %scatter3A_268 = arith.constant 0 : i32
          %scatter3A_269 = arith.constant 0 : i32
          %scatter3A_270 = tpu.memref_slice %arg11[%scatter3A_268, %scatter3A_269] : memref<128x128xf32, #tpu.memory_space<vmem>> -> memref<128x128xf32, #tpu.memory_space<vmem>>
          tpu.vector_store_idx %scatter3A_270[%broadcast_in_dim3A_240, %add3A_263], %gather3A_267 : memref<128x128xf32, #tpu.memory_space<vmem>>[vector<16xi32>, vector<16xi32>], vector<16xf32>,
          %add3A_271 = arith.constant 48 : i32
          %add3A_272 = vector.broadcast %add3A_271 : i32 to vector<16xi32>
          %add3A_273 = arith.addi %iota3A, %add3A_272 : vector<16xi32>
          %gather3A_274 = arith.constant 0 : i32
          %gather3A_275 = arith.constant 0 : i32
          %gather3A_276 = tpu.memref_slice %arg9[%gather3A_274, %gather3A_275] : memref<64x512xf32, #tpu.memory_space<vmem>> -> memref<64x512xf32, #tpu.memory_space<vmem>>
          %gather3A_277 = tpu.vector_load_idx %gather3A_276[%add3A_273, %gather3A_236] : memref<64x512xf32, #tpu.memory_space<vmem>>[vector<16xi32>, vector<16xi32>], vector<16xf32>,
          %scatter3A_278 = arith.constant 0 : i32
          %scatter3A_279 = arith.constant 0 : i32
          %scatter3A_280 = tpu.memref_slice %arg11[%scatter3A_278, %scatter3A_279] : memref<128x128xf32, #tpu.memory_space<vmem>> -> memref<128x128xf32, #tpu.memory_space<vmem>>
          tpu.vector_store_idx %scatter3A_280[%broadcast_in_dim3A_240, %add3A_273], %gather3A_277 : memref<128x128xf32, #tpu.memory_space<vmem>>[vector<16xi32>, vector<16xi32>], vector<16xf32>,
          %scatter3A_281 = arith.constant 0 : i32
          %scatter3A_282 = arith.constant 0 : i32
          %scatter3A_283 = tpu.memref_slice %arg12[%scatter3A_281, %scatter3A_282] : memref<1x128xi32, #tpu.memory_space<vmem>> -> memref<1x128xi32, #tpu.memory_space<vmem>>
          tpu.vector_store_idx %scatter3A_283[%broadcast_in_dim3A_1, %broadcast_in_dim3A_240], %gather3A_239 masked %eq3A_6 : memref<1x128xi32, #tpu.memory_space<vmem>>[vector<16xi32>, vector<16xi32>], vector<16xi32>, vector<16xi1>
          %add3A_284 = arith.constant 1 : i32
          %add3A_285 = arith.addi %while3A_233, %add3A_284 : i32
          %eq3A_286 = arith.constant 128 : i32
          %eq3A_287 = arith.cmpi eq, %add3A_285, %eq3A_286 : i32
          %convert_element_type3A_288 = arith.extui %eq3A_287 : i1 to i32
          %cond3A_289 = arith.constant 0 : i32
          %cond3A_290 = arith.cmpi ne, %convert_element_type3A_288, %cond3A_289 : i32
          scf.if %cond3A_290 {
            %run_scoped3A_295 = arith.constant 0 : i32
            "tpu.region"() ({
              %run_scoped3A_344 = tpu.sem_alloc : memref<!tpu.dma_semaphore, #tpu.memory_space<semaphore_mem>>
              %dma_start3A = arith.constant 0 : i32
              %dma_start3A_345 = tpu.memref_slice %arg12[%run_scoped3A_295, %dma_start3A] : memref<1x128xi32, #tpu.memory_space<vmem>> -> memref<1x128xi32, #tpu.memory_space<vmem>>
              %dma_start3A_346 = tpu.memref_squeeze %dma_start3A_345 : memref<1x128xi32, #tpu.memory_space<vmem>> -> memref<128xi32, #tpu.memory_space<vmem>>
              %dma_start3A_347 = arith.constant 0 : i32
              %dma_start3A_348 = arith.constant 0 : i32
              %dma_start3A_349 = tpu.memref_slice %arg5[%dma_start3A_347, %dma_start3A_348] : memref<16416x128xf32, #tpu.memory_space<hbm>> -> memref<16416x128xf32, #tpu.memory_space<hbm>>
              tpu.enqueue_indirect_dma source(%arg11 : memref<128x128xf32, #tpu.memory_space<vmem>>) target(%dma_start3A_349 : memref<16416x128xf32, #tpu.memory_space<hbm>>) offsets(%dma_start3A_346 : memref<128xi32, #tpu.memory_space<vmem>>) semaphore(%run_scoped3A_344 : memref<!tpu.dma_semaphore, #tpu.memory_space<semaphore_mem>>)
              %dma_wait3A = arith.constant 0 : i32
              %dma_wait3A_350 = tpu.memref_slice %arg12[%run_scoped3A_295, %dma_wait3A] : memref<1x128xi32, #tpu.memory_space<vmem>> -> memref<1x128xi32, #tpu.memory_space<vmem>>
              %dma_wait3A_351 = tpu.memref_squeeze %dma_wait3A_350 : memref<1x128xi32, #tpu.memory_space<vmem>> -> memref<128xi32, #tpu.memory_space<vmem>>
              %dma_wait3A_352 = arith.constant 0 : i32
              %dma_wait3A_353 = arith.constant 0 : i32
              %dma_wait3A_354 = tpu.memref_slice %arg5[%dma_wait3A_352, %dma_wait3A_353] : memref<16416x128xf32, #tpu.memory_space<hbm>> -> memref<16416x128xf32, #tpu.memory_space<hbm>>
              tpu.wait_indirect_dma semaphore(%run_scoped3A_344 : memref<!tpu.dma_semaphore, #tpu.memory_space<semaphore_mem>>) src(%arg11 : memref<128x128xf32, #tpu.memory_space<vmem>>) dst(%dma_wait3A_354 : memref<16416x128xf32, #tpu.memory_space<hbm>>)
              tpu.yield
            }) : () -> ()
            %add3A_296 = arith.constant 0 : i32
            %add3A_297 = vector.broadcast %add3A_296 : i32 to vector<16xi32>
            %add3A_298 = arith.addi %iota3A, %add3A_297 : vector<16xi32>
            %scatter3A_299 = arith.constant 0 : i32
            %scatter3A_300 = arith.constant 0 : i32
            %scatter3A_301 = tpu.memref_slice %arg12[%scatter3A_299, %scatter3A_300] : memref<1x128xi32, #tpu.memory_space<vmem>> -> memref<1x128xi32, #tpu.memory_space<vmem>>
            tpu.vector_store_idx %scatter3A_301[%broadcast_in_dim3A_1, %add3A_298], %broadcast_in_dim3A_4 : memref<1x128xi32, #tpu.memory_space<vmem>>[vector<16xi32>, vector<16xi32>], vector<16xi32>,
            %add3A_302 = arith.constant 16 : i32
            %add3A_303 = vector.broadcast %add3A_302 : i32 to vector<16xi32>
            %add3A_304 = arith.addi %iota3A, %add3A_303 : vector<16xi32>
            %scatter3A_305 = arith.constant 0 : i32
            %scatter3A_306 = arith.constant 0 : i32
            %scatter3A_307 = tpu.memref_slice %arg12[%scatter3A_305, %scatter3A_306] : memref<1x128xi32, #tpu.memory_space<vmem>> -> memref<1x128xi32, #tpu.memory_space<vmem>>
            tpu.vector_store_idx %scatter3A_307[%broadcast_in_dim3A_1, %add3A_304], %broadcast_in_dim3A_4 : memref<1x128xi32, #tpu.memory_space<vmem>>[vector<16xi32>, vector<16xi32>], vector<16xi32>,
            %add3A_308 = arith.constant 32 : i32
            %add3A_309 = vector.broadcast %add3A_308 : i32 to vector<16xi32>
            %add3A_310 = arith.addi %iota3A, %add3A_309 : vector<16xi32>
            %scatter3A_311 = arith.constant 0 : i32
            %scatter3A_312 = arith.constant 0 : i32
            %scatter3A_313 = tpu.memref_slice %arg12[%scatter3A_311, %scatter3A_312] : memref<1x128xi32, #tpu.memory_space<vmem>> -> memref<1x128xi32, #tpu.memory_space<vmem>>
            tpu.vector_store_idx %scatter3A_313[%broadcast_in_dim3A_1, %add3A_310], %broadcast_in_dim3A_4 : memref<1x128xi32, #tpu.memory_space<vmem>>[vector<16xi32>, vector<16xi32>], vector<16xi32>,
            %add3A_314 = arith.constant 48 : i32
            %add3A_315 = vector.broadcast %add3A_314 : i32 to vector<16xi32>
            %add3A_316 = arith.addi %iota3A, %add3A_315 : vector<16xi32>
            %scatter3A_317 = arith.constant 0 : i32
            %scatter3A_318 = arith.constant 0 : i32
            %scatter3A_319 = tpu.memref_slice %arg12[%scatter3A_317, %scatter3A_318] : memref<1x128xi32, #tpu.memory_space<vmem>> -> memref<1x128xi32, #tpu.memory_space<vmem>>
            tpu.vector_store_idx %scatter3A_319[%broadcast_in_dim3A_1, %add3A_316], %broadcast_in_dim3A_4 : memref<1x128xi32, #tpu.memory_space<vmem>>[vector<16xi32>, vector<16xi32>], vector<16xi32>,
            %add3A_320 = arith.constant 64 : i32
            %add3A_321 = vector.broadcast %add3A_320 : i32 to vector<16xi32>
            %add3A_322 = arith.addi %iota3A, %add3A_321 : vector<16xi32>
            %scatter3A_323 = arith.constant 0 : i32
            %scatter3A_324 = arith.constant 0 : i32
            %scatter3A_325 = tpu.memref_slice %arg12[%scatter3A_323, %scatter3A_324] : memref<1x128xi32, #tpu.memory_space<vmem>> -> memref<1x128xi32, #tpu.memory_space<vmem>>
            tpu.vector_store_idx %scatter3A_325[%broadcast_in_dim3A_1, %add3A_322], %broadcast_in_dim3A_4 : memref<1x128xi32, #tpu.memory_space<vmem>>[vector<16xi32>, vector<16xi32>], vector<16xi32>,
            %add3A_326 = arith.constant 80 : i32
            %add3A_327 = vector.broadcast %add3A_326 : i32 to vector<16xi32>
            %add3A_328 = arith.addi %iota3A, %add3A_327 : vector<16xi32>
            %scatter3A_329 = arith.constant 0 : i32
            %scatter3A_330 = arith.constant 0 : i32
            %scatter3A_331 = tpu.memref_slice %arg12[%scatter3A_329, %scatter3A_330] : memref<1x128xi32, #tpu.memory_space<vmem>> -> memref<1x128xi32, #tpu.memory_space<vmem>>
            tpu.vector_store_idx %scatter3A_331[%broadcast_in_dim3A_1, %add3A_328], %broadcast_in_dim3A_4 : memref<1x128xi32, #tpu.memory_space<vmem>>[vector<16xi32>, vector<16xi32>], vector<16xi32>,
            %add3A_332 = arith.constant 96 : i32
            %add3A_333 = vector.broadcast %add3A_332 : i32 to vector<16xi32>
            %add3A_334 = arith.addi %iota3A, %add3A_333 : vector<16xi32>
            %scatter3A_335 = arith.constant 0 : i32
            %scatter3A_336 = arith.constant 0 : i32
            %scatter3A_337 = tpu.memref_slice %arg12[%scatter3A_335, %scatter3A_336] : memref<1x128xi32, #tpu.memory_space<vmem>> -> memref<1x128xi32, #tpu.memory_space<vmem>>
            tpu.vector_store_idx %scatter3A_337[%broadcast_in_dim3A_1, %add3A_334], %broadcast_in_dim3A_4 : memref<1x128xi32, #tpu.memory_space<vmem>>[vector<16xi32>, vector<16xi32>], vector<16xi32>,
            %add3A_338 = arith.constant 112 : i32
            %add3A_339 = vector.broadcast %add3A_338 : i32 to vector<16xi32>
            %add3A_340 = arith.addi %iota3A, %add3A_339 : vector<16xi32>
            %scatter3A_341 = arith.constant 0 : i32
            %scatter3A_342 = arith.constant 0 : i32
            %scatter3A_343 = tpu.memref_slice %arg12[%scatter3A_341, %scatter3A_342] : memref<1x128xi32, #tpu.memory_space<vmem>> -> memref<1x128xi32, #tpu.memory_space<vmem>>
            tpu.vector_store_idx %scatter3A_343[%broadcast_in_dim3A_1, %add3A_340], %broadcast_in_dim3A_4 : memref<1x128xi32, #tpu.memory_space<vmem>>[vector<16xi32>, vector<16xi32>], vector<16xi32>,
          } else {
          }
          %eq3A_291 = arith.constant 128 : i32
          %eq3A_292 = arith.cmpi eq, %add3A_285, %eq3A_291 : i32
          %jit3A_293 = arith.constant 0 : i32
          %select_n3A_294 = arith.select %eq3A_292, %jit3A_293, %add3A_285 : i32
          scf.yield %select_n3A_294 : i32
        }
        %while3A_230 = arith.constant 1 : i32
        %while3A_231 = scf.for %while3A_232 = %while3A_227 to %while3A_223 step %while3A_230 iter_args(%while3A_233 = %while3A_229) -> (i32)  : i32 {
          %broadcast_in_dim3A_234 = vector.broadcast %while3A_232 : i32 to vector<16xi32>
          %gather3A = arith.constant 0 : i32
          %gather3A_235 = tpu.memref_slice %arg13[%gather3A] : memref<16xi32, #tpu.memory_space<vmem>> -> memref<16xi32, #tpu.memory_space<vmem>>
          %gather3A_236 = tpu.vector_load_idx %gather3A_235[%broadcast_in_dim3A_234] : memref<16xi32, #tpu.memory_space<vmem>>[vector<16xi32>], vector<16xi32>,
          %gather3A_237 = arith.constant 0 : i32
          %gather3A_238 = tpu.memref_slice %arg14[%gather3A_237] : memref<16xi32, #tpu.memory_space<vmem>> -> memref<16xi32, #tpu.memory_space<vmem>>
          %gather3A_239 = tpu.vector_load_idx %gather3A_238[%broadcast_in_dim3A_234] : memref<16xi32, #tpu.memory_space<vmem>>[vector<16xi32>], vector<16xi32>,
          %broadcast_in_dim3A_240 = vector.broadcast %while3A_233 : i32 to vector<16xi32>
          %add3A_241 = arith.constant 0 : i32
          %add3A_242 = vector.broadcast %add3A_241 : i32 to vector<16xi32>
          %add3A_243 = arith.addi %iota3A, %add3A_242 : vector<16xi32>
          %gather3A_244 = arith.constant 0 : i32
          %gather3A_245 = arith.constant 0 : i32
          %gather3A_246 = tpu.memref_slice %arg9[%gather3A_244, %gather3A_245] : memref<64x512xf32, #tpu.memory_space<vmem>> -> memref<64x512xf32, #tpu.memory_space<vmem>>
          %gather3A_247 = tpu.vector_load_idx %gather3A_246[%add3A_243, %gather3A_236] : memref<64x512xf32, #tpu.memory_space<vmem>>[vector<16xi32>, vector<16xi32>], vector<16xf32>,
          %scatter3A_248 = arith.constant 0 : i32
          %scatter3A_249 = arith.constant 0 : i32
          %scatter3A_250 = tpu.memref_slice %arg11[%scatter3A_248, %scatter3A_249] : memref<128x128xf32, #tpu.memory_space<vmem>> -> memref<128x128xf32, #tpu.memory_space<vmem>>
          tpu.vector_store_idx %scatter3A_250[%broadcast_in_dim3A_240, %add3A_243], %gather3A_247 : memref<128x128xf32, #tpu.memory_space<vmem>>[vector<16xi32>, vector<16xi32>], vector<16xf32>,
          %add3A_251 = arith.constant 16 : i32
          %add3A_252 = vector.broadcast %add3A_251 : i32 to vector<16xi32>
          %add3A_253 = arith.addi %iota3A, %add3A_252 : vector<16xi32>
          %gather3A_254 = arith.constant 0 : i32
          %gather3A_255 = arith.constant 0 : i32
          %gather3A_256 = tpu.memref_slice %arg9[%gather3A_254, %gather3A_255] : memref<64x512xf32, #tpu.memory_space<vmem>> -> memref<64x512xf32, #tpu.memory_space<vmem>>
          %gather3A_257 = tpu.vector_load_idx %gather3A_256[%add3A_253, %gather3A_236] : memref<64x512xf32, #tpu.memory_space<vmem>>[vector<16xi32>, vector<16xi32>], vector<16xf32>,
          %scatter3A_258 = arith.constant 0 : i32
          %scatter3A_259 = arith.constant 0 : i32
          %scatter3A_260 = tpu.memref_slice %arg11[%scatter3A_258, %scatter3A_259] : memref<128x128xf32, #tpu.memory_space<vmem>> -> memref<128x128xf32, #tpu.memory_space<vmem>>
          tpu.vector_store_idx %scatter3A_260[%broadcast_in_dim3A_240, %add3A_253], %gather3A_257 : memref<128x128xf32, #tpu.memory_space<vmem>>[vector<16xi32>, vector<16xi32>], vector<16xf32>,
          %add3A_261 = arith.constant 32 : i32
          %add3A_262 = vector.broadcast %add3A_261 : i32 to vector<16xi32>
          %add3A_263 = arith.addi %iota3A, %add3A_262 : vector<16xi32>
          %gather3A_264 = arith.constant 0 : i32
          %gather3A_265 = arith.constant 0 : i32
          %gather3A_266 = tpu.memref_slice %arg9[%gather3A_264, %gather3A_265] : memref<64x512xf32, #tpu.memory_space<vmem>> -> memref<64x512xf32, #tpu.memory_space<vmem>>
          %gather3A_267 = tpu.vector_load_idx %gather3A_266[%add3A_263, %gather3A_236] : memref<64x512xf32, #tpu.memory_space<vmem>>[vector<16xi32>, vector<16xi32>], vector<16xf32>,
          %scatter3A_268 = arith.constant 0 : i32
          %scatter3A_269 = arith.constant 0 : i32
          %scatter3A_270 = tpu.memref_slice %arg11[%scatter3A_268, %scatter3A_269] : memref<128x128xf32, #tpu.memory_space<vmem>> -> memref<128x128xf32, #tpu.memory_space<vmem>>
          tpu.vector_store_idx %scatter3A_270[%broadcast_in_dim3A_240, %add3A_263], %gather3A_267 : memref<128x128xf32, #tpu.memory_space<vmem>>[vector<16xi32>, vector<16xi32>], vector<16xf32>,
          %add3A_271 = arith.constant 48 : i32
          %add3A_272 = vector.broadcast %add3A_271 : i32 to vector<16xi32>
          %add3A_273 = arith.addi %iota3A, %add3A_272 : vector<16xi32>
          %gather3A_274 = arith.constant 0 : i32
          %gather3A_275 = arith.constant 0 : i32
          %gather3A_276 = tpu.memref_slice %arg9[%gather3A_274, %gather3A_275] : memref<64x512xf32, #tpu.memory_space<vmem>> -> memref<64x512xf32, #tpu.memory_space<vmem>>
          %gather3A_277 = tpu.vector_load_idx %gather3A_276[%add3A_273, %gather3A_236] : memref<64x512xf32, #tpu.memory_space<vmem>>[vector<16xi32>, vector<16xi32>], vector<16xf32>,
          %scatter3A_278 = arith.constant 0 : i32
          %scatter3A_279 = arith.constant 0 : i32
          %scatter3A_280 = tpu.memref_slice %arg11[%scatter3A_278, %scatter3A_279] : memref<128x128xf32, #tpu.memory_space<vmem>> -> memref<128x128xf32, #tpu.memory_space<vmem>>
          tpu.vector_store_idx %scatter3A_280[%broadcast_in_dim3A_240, %add3A_273], %gather3A_277 : memref<128x128xf32, #tpu.memory_space<vmem>>[vector<16xi32>, vector<16xi32>], vector<16xf32>,
          %scatter3A_281 = arith.constant 0 : i32
          %scatter3A_282 = arith.constant 0 : i32
          %scatter3A_283 = tpu.memref_slice %arg12[%scatter3A_281, %scatter3A_282] : memref<1x128xi32, #tpu.memory_space<vmem>> -> memref<1x128xi32, #tpu.memory_space<vmem>>
          tpu.vector_store_idx %scatter3A_283[%broadcast_in_dim3A_1, %broadcast_in_dim3A_240], %gather3A_239 masked %eq3A_6 : memref<1x128xi32, #tpu.memory_space<vmem>>[vector<16xi32>, vector<16xi32>], vector<16xi32>, vector<16xi1>
          %add3A_284 = arith.constant 1 : i32
          %add3A_285 = arith.addi %while3A_233, %add3A_284 : i32
          %eq3A_286 = arith.constant 128 : i32
          %eq3A_287 = arith.cmpi eq, %add3A_285, %eq3A_286 : i32
          %convert_element_type3A_288 = arith.extui %eq3A_287 : i1 to i32
          %cond3A_289 = arith.constant 0 : i32
          %cond3A_290 = arith.cmpi ne, %convert_element_type3A_288, %cond3A_289 : i32
          scf.if %cond3A_290 {
            %run_scoped3A_295 = arith.constant 0 : i32
            "tpu.region"() ({
              %run_scoped3A_344 = tpu.sem_alloc : memref<!tpu.dma_semaphore, #tpu.memory_space<semaphore_mem>>
              %dma_start3A = arith.constant 0 : i32
              %dma_start3A_345 = tpu.memref_slice %arg12[%run_scoped3A_295, %dma_start3A] : memref<1x128xi32, #tpu.memory_space<vmem>> -> memref<1x128xi32, #tpu.memory_space<vmem>>
              %dma_start3A_346 = tpu.memref_squeeze %dma_start3A_345 : memref<1x128xi32, #tpu.memory_space<vmem>> -> memref<128xi32, #tpu.memory_space<vmem>>
              %dma_start3A_347 = arith.constant 0 : i32
              %dma_start3A_348 = arith.constant 0 : i32
              %dma_start3A_349 = tpu.memref_slice %arg5[%dma_start3A_347, %dma_start3A_348] : memref<16416x128xf32, #tpu.memory_space<hbm>> -> memref<16416x128xf32, #tpu.memory_space<hbm>>
              tpu.enqueue_indirect_dma source(%arg11 : memref<128x128xf32, #tpu.memory_space<vmem>>) target(%dma_start3A_349 : memref<16416x128xf32, #tpu.memory_space<hbm>>) offsets(%dma_start3A_346 : memref<128xi32, #tpu.memory_space<vmem>>) semaphore(%run_scoped3A_344 : memref<!tpu.dma_semaphore, #tpu.memory_space<semaphore_mem>>)
              %dma_wait3A = arith.constant 0 : i32
              %dma_wait3A_350 = tpu.memref_slice %arg12[%run_scoped3A_295, %dma_wait3A] : memref<1x128xi32, #tpu.memory_space<vmem>> -> memref<1x128xi32, #tpu.memory_space<vmem>>
              %dma_wait3A_351 = tpu.memref_squeeze %dma_wait3A_350 : memref<1x128xi32, #tpu.memory_space<vmem>> -> memref<128xi32, #tpu.memory_space<vmem>>
              %dma_wait3A_352 = arith.constant 0 : i32
              %dma_wait3A_353 = arith.constant 0 : i32
              %dma_wait3A_354 = tpu.memref_slice %arg5[%dma_wait3A_352, %dma_wait3A_353] : memref<16416x128xf32, #tpu.memory_space<hbm>> -> memref<16416x128xf32, #tpu.memory_space<hbm>>
              tpu.wait_indirect_dma semaphore(%run_scoped3A_344 : memref<!tpu.dma_semaphore, #tpu.memory_space<semaphore_mem>>) src(%arg11 : memref<128x128xf32, #tpu.memory_space<vmem>>) dst(%dma_wait3A_354 : memref<16416x128xf32, #tpu.memory_space<hbm>>)
              tpu.yield
            }) : () -> ()
            %add3A_296 = arith.constant 0 : i32
            %add3A_297 = vector.broadcast %add3A_296 : i32 to vector<16xi32>
            %add3A_298 = arith.addi %iota3A, %add3A_297 : vector<16xi32>
            %scatter3A_299 = arith.constant 0 : i32
            %scatter3A_300 = arith.constant 0 : i32
            %scatter3A_301 = tpu.memref_slice %arg12[%scatter3A_299, %scatter3A_300] : memref<1x128xi32, #tpu.memory_space<vmem>> -> memref<1x128xi32, #tpu.memory_space<vmem>>
            tpu.vector_store_idx %scatter3A_301[%broadcast_in_dim3A_1, %add3A_298], %broadcast_in_dim3A_4 : memref<1x128xi32, #tpu.memory_space<vmem>>[vector<16xi32>, vector<16xi32>], vector<16xi32>,
            %add3A_302 = arith.constant 16 : i32
            %add3A_303 = vector.broadcast %add3A_302 : i32 to vector<16xi32>
            %add3A_304 = arith.addi %iota3A, %add3A_303 : vector<16xi32>
            %scatter3A_305 = arith.constant 0 : i32
            %scatter3A_306 = arith.constant 0 : i32
            %scatter3A_307 = tpu.memref_slice %arg12[%scatter3A_305, %scatter3A_306] : memref<1x128xi32, #tpu.memory_space<vmem>> -> memref<1x128xi32, #tpu.memory_space<vmem>>
            tpu.vector_store_idx %scatter3A_307[%broadcast_in_dim3A_1, %add3A_304], %broadcast_in_dim3A_4 : memref<1x128xi32, #tpu.memory_space<vmem>>[vector<16xi32>, vector<16xi32>], vector<16xi32>,
            %add3A_308 = arith.constant 32 : i32
            %add3A_309 = vector.broadcast %add3A_308 : i32 to vector<16xi32>
            %add3A_310 = arith.addi %iota3A, %add3A_309 : vector<16xi32>
            %scatter3A_311 = arith.constant 0 : i32
            %scatter3A_312 = arith.constant 0 : i32
            %scatter3A_313 = tpu.memref_slice %arg12[%scatter3A_311, %scatter3A_312] : memref<1x128xi32, #tpu.memory_space<vmem>> -> memref<1x128xi32, #tpu.memory_space<vmem>>
            tpu.vector_store_idx %scatter3A_313[%broadcast_in_dim3A_1, %add3A_310], %broadcast_in_dim3A_4 : memref<1x128xi32, #tpu.memory_space<vmem>>[vector<16xi32>, vector<16xi32>], vector<16xi32>,
            %add3A_314 = arith.constant 48 : i32
            %add3A_315 = vector.broadcast %add3A_314 : i32 to vector<16xi32>
            %add3A_316 = arith.addi %iota3A, %add3A_315 : vector<16xi32>
            %scatter3A_317 = arith.constant 0 : i32
            %scatter3A_318 = arith.constant 0 : i32
            %scatter3A_319 = tpu.memref_slice %arg12[%scatter3A_317, %scatter3A_318] : memref<1x128xi32, #tpu.memory_space<vmem>> -> memref<1x128xi32, #tpu.memory_space<vmem>>
            tpu.vector_store_idx %scatter3A_319[%broadcast_in_dim3A_1, %add3A_316], %broadcast_in_dim3A_4 : memref<1x128xi32, #tpu.memory_space<vmem>>[vector<16xi32>, vector<16xi32>], vector<16xi32>,
            %add3A_320 = arith.constant 64 : i32
            %add3A_321 = vector.broadcast %add3A_320 : i32 to vector<16xi32>
            %add3A_322 = arith.addi %iota3A, %add3A_321 : vector<16xi32>
            %scatter3A_323 = arith.constant 0 : i32
            %scatter3A_324 = arith.constant 0 : i32
            %scatter3A_325 = tpu.memref_slice %arg12[%scatter3A_323, %scatter3A_324] : memref<1x128xi32, #tpu.memory_space<vmem>> -> memref<1x128xi32, #tpu.memory_space<vmem>>
            tpu.vector_store_idx %scatter3A_325[%broadcast_in_dim3A_1, %add3A_322], %broadcast_in_dim3A_4 : memref<1x128xi32, #tpu.memory_space<vmem>>[vector<16xi32>, vector<16xi32>], vector<16xi32>,
            %add3A_326 = arith.constant 80 : i32
            %add3A_327 = vector.broadcast %add3A_326 : i32 to vector<16xi32>
            %add3A_328 = arith.addi %iota3A, %add3A_327 : vector<16xi32>
            %scatter3A_329 = arith.constant 0 : i32
            %scatter3A_330 = arith.constant 0 : i32
            %scatter3A_331 = tpu.memref_slice %arg12[%scatter3A_329, %scatter3A_330] : memref<1x128xi32, #tpu.memory_space<vmem>> -> memref<1x128xi32, #tpu.memory_space<vmem>>
            tpu.vector_store_idx %scatter3A_331[%broadcast_in_dim3A_1, %add3A_328], %broadcast_in_dim3A_4 : memref<1x128xi32, #tpu.memory_space<vmem>>[vector<16xi32>, vector<16xi32>], vector<16xi32>,
            %add3A_332 = arith.constant 96 : i32
            %add3A_333 = vector.broadcast %add3A_332 : i32 to vector<16xi32>
            %add3A_334 = arith.addi %iota3A, %add3A_333 : vector<16xi32>
            %scatter3A_335 = arith.constant 0 : i32
            %scatter3A_336 = arith.constant 0 : i32
            %scatter3A_337 = tpu.memref_slice %arg12[%scatter3A_335, %scatter3A_336] : memref<1x128xi32, #tpu.memory_space<vmem>> -> memref<1x128xi32, #tpu.memory_space<vmem>>
            tpu.vector_store_idx %scatter3A_337[%broadcast_in_dim3A_1, %add3A_334], %broadcast_in_dim3A_4 : memref<1x128xi32, #tpu.memory_space<vmem>>[vector<16xi32>, vector<16xi32>], vector<16xi32>,
            %add3A_338 = arith.constant 112 : i32
            %add3A_339 = vector.broadcast %add3A_338 : i32 to vector<16xi32>
            %add3A_340 = arith.addi %iota3A, %add3A_339 : vector<16xi32>
            %scatter3A_341 = arith.constant 0 : i32
            %scatter3A_342 = arith.constant 0 : i32
            %scatter3A_343 = tpu.memref_slice %arg12[%scatter3A_341, %scatter3A_342] : memref<1x128xi32, #tpu.memory_space<vmem>> -> memref<1x128xi32, #tpu.memory_space<vmem>>
            tpu.vector_store_idx %scatter3A_343[%broadcast_in_dim3A_1, %add3A_340], %broadcast_in_dim3A_4 : memref<1x128xi32, #tpu.memory_space<vmem>>[vector<16xi32>, vector<16xi32>], vector<16xi32>,
          } else {
          }
          %eq3A_291 = arith.constant 128 : i32
          %eq3A_292 = arith.cmpi eq, %add3A_285, %eq3A_291 : i32
          %jit3A_293 = arith.constant 0 : i32
          %select_n3A_294 = arith.select %eq3A_292, %jit3A_293, %add3A_285 : i32
          scf.yield %select_n3A_294 : i32
        }
        scf.yield %while3A_231 : i32
      }
      %while3A_192 = arith.constant 1 : i32
      %while3A_193 = scf.for %while3A_194 = %while3A_189 to %while3A_185 step %while3A_192 iter_args(%while3A_195 = %while3A_191) -> (i32)  : i32 {
        %mul3A_196 = arith.constant 16 : i32
        %mul3A_197 = arith.muli %while3A_194, %mul3A_196 : i32
        %get3A = arith.index_cast %mul3A_197 : i32 to index
        %get3A_198 = tpu.vector_load %arg7[%get3A] {strides = array<i32>} : memref<16400xi32, #tpu.memory_space<vmem>>, vector<16xi32>,
        %mul3A_199 = arith.constant 16 : i32
        %mul3A_200 = arith.muli %while3A_194, %mul3A_199 : i32
        %get3A_201 = arith.index_cast %mul3A_200 : i32 to index
        %get3A_202 = tpu.vector_load %arg8[%get3A_201] {strides = array<i32>} : memref<16400xi32, #tpu.memory_space<vmem>>, vector<16xi32>,
        %mul3A_203 = arith.constant 16 : i32
        %mul3A_204 = arith.muli %while3A_194, %mul3A_203 : i32
        %add3A_205 = vector.broadcast %mul3A_204 : i32 to vector<16xi32>
        %add3A_206 = arith.addi %iota3A, %add3A_205 : vector<16xi32>
        %lt3A_207 = vector.broadcast %scan3A_75 : i32 to vector<16xi32>
        %lt3A_208 = arith.cmpi slt, %add3A_206, %lt3A_207 : vector<16xi32>
        %ge3A = vector.broadcast %multiple_of3A : i32 to vector<16xi32>
        %ge3A_209 = arith.cmpi sge, %get3A_198, %ge3A : vector<16xi32>
        %and3A_210 = arith.andi %lt3A_208, %ge3A_209 : vector<16xi1>
        %add3A_211 = arith.constant 512 : i32
        %add3A_212 = arith.addi %multiple_of3A, %add3A_211 : i32
        %lt3A_213 = vector.broadcast %add3A_212 : i32 to vector<16xi32>
        %lt3A_214 = arith.cmpi slt, %get3A_198, %lt3A_213 : vector<16xi32>
        %and3A_215 = arith.andi %and3A_210, %lt3A_214 : vector<16xi1>
        %all_reduce_population_count3A = tpu.all_reduce %and3A_215 {dim = 0 : i64, kind = #tpu.reduction_kind<sum>} : vector<16xi1> -> vector<16xi32>
        %slice3A = vector.extract_strided_slice %all_reduce_population_count3A {offsets = [0], sizes = [1], strides = [1]} : vector<16xi32> to vector<1xi32>
        %squeeze3A = vector.extract %slice3A[0] : i32 from vector<1xi32>
        %sub3A_216 = vector.broadcast %multiple_of3A : i32 to vector<16xi32>
        %sub3A_217 = arith.subi %get3A_198, %sub3A_216 : vector<16xi32>
        %swap3A = arith.constant 0 : index
        %swap3A_218 = tpu.vector_load %arg13[%swap3A] masked %and3A_215 {strides = array<i32>} : memref<16xi32, #tpu.memory_space<vmem>>, vector<16xi32>, vector<16xi1>
        tpu.vector_store %arg13[%swap3A], %sub3A_217 masked %and3A_215 {strides = array<i32>} : memref<16xi32, #tpu.memory_space<vmem>>, vector<16xi32>, vector<16xi1>
        %swap3A_219 = arith.constant 0 : index
        %swap3A_220 = tpu.vector_load %arg14[%swap3A_219] masked %and3A_215 {strides = array<i32>} : memref<16xi32, #tpu.memory_space<vmem>>, vector<16xi32>, vector<16xi1>
        tpu.vector_store %arg14[%swap3A_219], %get3A_202 masked %and3A_215 {strides = array<i32>} : memref<16xi32, #tpu.memory_space<vmem>>, vector<16xi32>, vector<16xi1>
        %while3A_221 = arith.constant 0 : i32
        %while3A_222 = arith.subi %squeeze3A, %while3A_221 : i32
        %while3A_223 = arith.addi %while3A_221, %while3A_222 : i32
        %while3A_224 = arith.constant 1 : i32
        %while3A_225 = arith.divsi %while3A_222, %while3A_224 : i32
        %while3A_226 = arith.muli %while3A_225, %while3A_224 : i32
        %while3A_227 = arith.addi %while3A_221, %while3A_226 : i32
        %while3A_228 = arith.constant 1 : i32
        %while3A_229 = scf.for %while3A_232 = %while3A_221 to %while3A_227 step %while3A_228 iter_args(%while3A_233 = %while3A_195) -> (i32)  : i32 {
          %broadcast_in_dim3A_234 = vector.broadcast %while3A_232 : i32 to vector<16xi32>
          %gather3A = arith.constant 0 : i32
          %gather3A_235 = tpu.memref_slice %arg13[%gather3A] : memref<16xi32, #tpu.memory_space<vmem>> -> memref<16xi32, #tpu.memory_space<vmem>>
          %gather3A_236 = tpu.vector_load_idx %gather3A_235[%broadcast_in_dim3A_234] : memref<16xi32, #tpu.memory_space<vmem>>[vector<16xi32>], vector<16xi32>,
          %gather3A_237 = arith.constant 0 : i32
          %gather3A_238 = tpu.memref_slice %arg14[%gather3A_237] : memref<16xi32, #tpu.memory_space<vmem>> -> memref<16xi32, #tpu.memory_space<vmem>>
          %gather3A_239 = tpu.vector_load_idx %gather3A_238[%broadcast_in_dim3A_234] : memref<16xi32, #tpu.memory_space<vmem>>[vector<16xi32>], vector<16xi32>,
          %broadcast_in_dim3A_240 = vector.broadcast %while3A_233 : i32 to vector<16xi32>
          %add3A_241 = arith.constant 0 : i32
          %add3A_242 = vector.broadcast %add3A_241 : i32 to vector<16xi32>
          %add3A_243 = arith.addi %iota3A, %add3A_242 : vector<16xi32>
          %gather3A_244 = arith.constant 0 : i32
          %gather3A_245 = arith.constant 0 : i32
          %gather3A_246 = tpu.memref_slice %arg9[%gather3A_244, %gather3A_245] : memref<64x512xf32, #tpu.memory_space<vmem>> -> memref<64x512xf32, #tpu.memory_space<vmem>>
          %gather3A_247 = tpu.vector_load_idx %gather3A_246[%add3A_243, %gather3A_236] : memref<64x512xf32, #tpu.memory_space<vmem>>[vector<16xi32>, vector<16xi32>], vector<16xf32>,
          %scatter3A_248 = arith.constant 0 : i32
          %scatter3A_249 = arith.constant 0 : i32
          %scatter3A_250 = tpu.memref_slice %arg11[%scatter3A_248, %scatter3A_249] : memref<128x128xf32, #tpu.memory_space<vmem>> -> memref<128x128xf32, #tpu.memory_space<vmem>>
          tpu.vector_store_idx %scatter3A_250[%broadcast_in_dim3A_240, %add3A_243], %gather3A_247 : memref<128x128xf32, #tpu.memory_space<vmem>>[vector<16xi32>, vector<16xi32>], vector<16xf32>,
          %add3A_251 = arith.constant 16 : i32
          %add3A_252 = vector.broadcast %add3A_251 : i32 to vector<16xi32>
          %add3A_253 = arith.addi %iota3A, %add3A_252 : vector<16xi32>
          %gather3A_254 = arith.constant 0 : i32
          %gather3A_255 = arith.constant 0 : i32
          %gather3A_256 = tpu.memref_slice %arg9[%gather3A_254, %gather3A_255] : memref<64x512xf32, #tpu.memory_space<vmem>> -> memref<64x512xf32, #tpu.memory_space<vmem>>
          %gather3A_257 = tpu.vector_load_idx %gather3A_256[%add3A_253, %gather3A_236] : memref<64x512xf32, #tpu.memory_space<vmem>>[vector<16xi32>, vector<16xi32>], vector<16xf32>,
          %scatter3A_258 = arith.constant 0 : i32
          %scatter3A_259 = arith.constant 0 : i32
          %scatter3A_260 = tpu.memref_slice %arg11[%scatter3A_258, %scatter3A_259] : memref<128x128xf32, #tpu.memory_space<vmem>> -> memref<128x128xf32, #tpu.memory_space<vmem>>
          tpu.vector_store_idx %scatter3A_260[%broadcast_in_dim3A_240, %add3A_253], %gather3A_257 : memref<128x128xf32, #tpu.memory_space<vmem>>[vector<16xi32>, vector<16xi32>], vector<16xf32>,
          %add3A_261 = arith.constant 32 : i32
          %add3A_262 = vector.broadcast %add3A_261 : i32 to vector<16xi32>
          %add3A_263 = arith.addi %iota3A, %add3A_262 : vector<16xi32>
          %gather3A_264 = arith.constant 0 : i32
          %gather3A_265 = arith.constant 0 : i32
          %gather3A_266 = tpu.memref_slice %arg9[%gather3A_264, %gather3A_265] : memref<64x512xf32, #tpu.memory_space<vmem>> -> memref<64x512xf32, #tpu.memory_space<vmem>>
          %gather3A_267 = tpu.vector_load_idx %gather3A_266[%add3A_263, %gather3A_236] : memref<64x512xf32, #tpu.memory_space<vmem>>[vector<16xi32>, vector<16xi32>], vector<16xf32>,
          %scatter3A_268 = arith.constant 0 : i32
          %scatter3A_269 = arith.constant 0 : i32
          %scatter3A_270 = tpu.memref_slice %arg11[%scatter3A_268, %scatter3A_269] : memref<128x128xf32, #tpu.memory_space<vmem>> -> memref<128x128xf32, #tpu.memory_space<vmem>>
          tpu.vector_store_idx %scatter3A_270[%broadcast_in_dim3A_240, %add3A_263], %gather3A_267 : memref<128x128xf32, #tpu.memory_space<vmem>>[vector<16xi32>, vector<16xi32>], vector<16xf32>,
          %add3A_271 = arith.constant 48 : i32
          %add3A_272 = vector.broadcast %add3A_271 : i32 to vector<16xi32>
          %add3A_273 = arith.addi %iota3A, %add3A_272 : vector<16xi32>
          %gather3A_274 = arith.constant 0 : i32
          %gather3A_275 = arith.constant 0 : i32
          %gather3A_276 = tpu.memref_slice %arg9[%gather3A_274, %gather3A_275] : memref<64x512xf32, #tpu.memory_space<vmem>> -> memref<64x512xf32, #tpu.memory_space<vmem>>
          %gather3A_277 = tpu.vector_load_idx %gather3A_276[%add3A_273, %gather3A_236] : memref<64x512xf32, #tpu.memory_space<vmem>>[vector<16xi32>, vector<16xi32>], vector<16xf32>,
          %scatter3A_278 = arith.constant 0 : i32
          %scatter3A_279 = arith.constant 0 : i32
          %scatter3A_280 = tpu.memref_slice %arg11[%scatter3A_278, %scatter3A_279] : memref<128x128xf32, #tpu.memory_space<vmem>> -> memref<128x128xf32, #tpu.memory_space<vmem>>
          tpu.vector_store_idx %scatter3A_280[%broadcast_in_dim3A_240, %add3A_273], %gather3A_277 : memref<128x128xf32, #tpu.memory_space<vmem>>[vector<16xi32>, vector<16xi32>], vector<16xf32>,
          %scatter3A_281 = arith.constant 0 : i32
          %scatter3A_282 = arith.constant 0 : i32
          %scatter3A_283 = tpu.memref_slice %arg12[%scatter3A_281, %scatter3A_282] : memref<1x128xi32, #tpu.memory_space<vmem>> -> memref<1x128xi32, #tpu.memory_space<vmem>>
          tpu.vector_store_idx %scatter3A_283[%broadcast_in_dim3A_1, %broadcast_in_dim3A_240], %gather3A_239 masked %eq3A_6 : memref<1x128xi32, #tpu.memory_space<vmem>>[vector<16xi32>, vector<16xi32>], vector<16xi32>, vector<16xi1>
          %add3A_284 = arith.constant 1 : i32
          %add3A_285 = arith.addi %while3A_233, %add3A_284 : i32
          %eq3A_286 = arith.constant 128 : i32
          %eq3A_287 = arith.cmpi eq, %add3A_285, %eq3A_286 : i32
          %convert_element_type3A_288 = arith.extui %eq3A_287 : i1 to i32
          %cond3A_289 = arith.constant 0 : i32
          %cond3A_290 = arith.cmpi ne, %convert_element_type3A_288, %cond3A_289 : i32
          scf.if %cond3A_290 {
            %run_scoped3A_295 = arith.constant 0 : i32
            "tpu.region"() ({
              %run_scoped3A_344 = tpu.sem_alloc : memref<!tpu.dma_semaphore, #tpu.memory_space<semaphore_mem>>
              %dma_start3A = arith.constant 0 : i32
              %dma_start3A_345 = tpu.memref_slice %arg12[%run_scoped3A_295, %dma_start3A] : memref<1x128xi32, #tpu.memory_space<vmem>> -> memref<1x128xi32, #tpu.memory_space<vmem>>
              %dma_start3A_346 = tpu.memref_squeeze %dma_start3A_345 : memref<1x128xi32, #tpu.memory_space<vmem>> -> memref<128xi32, #tpu.memory_space<vmem>>
              %dma_start3A_347 = arith.constant 0 : i32
              %dma_start3A_348 = arith.constant 0 : i32
              %dma_start3A_349 = tpu.memref_slice %arg5[%dma_start3A_347, %dma_start3A_348] : memref<16416x128xf32, #tpu.memory_space<hbm>> -> memref<16416x128xf32, #tpu.memory_space<hbm>>
              tpu.enqueue_indirect_dma source(%arg11 : memref<128x128xf32, #tpu.memory_space<vmem>>) target(%dma_start3A_349 : memref<16416x128xf32, #tpu.memory_space<hbm>>) offsets(%dma_start3A_346 : memref<128xi32, #tpu.memory_space<vmem>>) semaphore(%run_scoped3A_344 : memref<!tpu.dma_semaphore, #tpu.memory_space<semaphore_mem>>)
              %dma_wait3A = arith.constant 0 : i32
              %dma_wait3A_350 = tpu.memref_slice %arg12[%run_scoped3A_295, %dma_wait3A] : memref<1x128xi32, #tpu.memory_space<vmem>> -> memref<1x128xi32, #tpu.memory_space<vmem>>
              %dma_wait3A_351 = tpu.memref_squeeze %dma_wait3A_350 : memref<1x128xi32, #tpu.memory_space<vmem>> -> memref<128xi32, #tpu.memory_space<vmem>>
              %dma_wait3A_352 = arith.constant 0 : i32
              %dma_wait3A_353 = arith.constant 0 : i32
              %dma_wait3A_354 = tpu.memref_slice %arg5[%dma_wait3A_352, %dma_wait3A_353] : memref<16416x128xf32, #tpu.memory_space<hbm>> -> memref<16416x128xf32, #tpu.memory_space<hbm>>
              tpu.wait_indirect_dma semaphore(%run_scoped3A_344 : memref<!tpu.dma_semaphore, #tpu.memory_space<semaphore_mem>>) src(%arg11 : memref<128x128xf32, #tpu.memory_space<vmem>>) dst(%dma_wait3A_354 : memref<16416x128xf32, #tpu.memory_space<hbm>>)
              tpu.yield
            }) : () -> ()
            %add3A_296 = arith.constant 0 : i32
            %add3A_297 = vector.broadcast %add3A_296 : i32 to vector<16xi32>
            %add3A_298 = arith.addi %iota3A, %add3A_297 : vector<16xi32>
            %scatter3A_299 = arith.constant 0 : i32
            %scatter3A_300 = arith.constant 0 : i32
            %scatter3A_301 = tpu.memref_slice %arg12[%scatter3A_299, %scatter3A_300] : memref<1x128xi32, #tpu.memory_space<vmem>> -> memref<1x128xi32, #tpu.memory_space<vmem>>
            tpu.vector_store_idx %scatter3A_301[%broadcast_in_dim3A_1, %add3A_298], %broadcast_in_dim3A_4 : memref<1x128xi32, #tpu.memory_space<vmem>>[vector<16xi32>, vector<16xi32>], vector<16xi32>,
            %add3A_302 = arith.constant 16 : i32
            %add3A_303 = vector.broadcast %add3A_302 : i32 to vector<16xi32>
            %add3A_304 = arith.addi %iota3A, %add3A_303 : vector<16xi32>
            %scatter3A_305 = arith.constant 0 : i32
            %scatter3A_306 = arith.constant 0 : i32
            %scatter3A_307 = tpu.memref_slice %arg12[%scatter3A_305, %scatter3A_306] : memref<1x128xi32, #tpu.memory_space<vmem>> -> memref<1x128xi32, #tpu.memory_space<vmem>>
            tpu.vector_store_idx %scatter3A_307[%broadcast_in_dim3A_1, %add3A_304], %broadcast_in_dim3A_4 : memref<1x128xi32, #tpu.memory_space<vmem>>[vector<16xi32>, vector<16xi32>], vector<16xi32>,
            %add3A_308 = arith.constant 32 : i32
            %add3A_309 = vector.broadcast %add3A_308 : i32 to vector<16xi32>
            %add3A_310 = arith.addi %iota3A, %add3A_309 : vector<16xi32>
            %scatter3A_311 = arith.constant 0 : i32
            %scatter3A_312 = arith.constant 0 : i32
            %scatter3A_313 = tpu.memref_slice %arg12[%scatter3A_311, %scatter3A_312] : memref<1x128xi32, #tpu.memory_space<vmem>> -> memref<1x128xi32, #tpu.memory_space<vmem>>
            tpu.vector_store_idx %scatter3A_313[%broadcast_in_dim3A_1, %add3A_310], %broadcast_in_dim3A_4 : memref<1x128xi32, #tpu.memory_space<vmem>>[vector<16xi32>, vector<16xi32>], vector<16xi32>,
            %add3A_314 = arith.constant 48 : i32
            %add3A_315 = vector.broadcast %add3A_314 : i32 to vector<16xi32>
            %add3A_316 = arith.addi %iota3A, %add3A_315 : vector<16xi32>
            %scatter3A_317 = arith.constant 0 : i32
            %scatter3A_318 = arith.constant 0 : i32
            %scatter3A_319 = tpu.memref_slice %arg12[%scatter3A_317, %scatter3A_318] : memref<1x128xi32, #tpu.memory_space<vmem>> -> memref<1x128xi32, #tpu.memory_space<vmem>>
            tpu.vector_store_idx %scatter3A_319[%broadcast_in_dim3A_1, %add3A_316], %broadcast_in_dim3A_4 : memref<1x128xi32, #tpu.memory_space<vmem>>[vector<16xi32>, vector<16xi32>], vector<16xi32>,
            %add3A_320 = arith.constant 64 : i32
            %add3A_321 = vector.broadcast %add3A_320 : i32 to vector<16xi32>
            %add3A_322 = arith.addi %iota3A, %add3A_321 : vector<16xi32>
            %scatter3A_323 = arith.constant 0 : i32
            %scatter3A_324 = arith.constant 0 : i32
            %scatter3A_325 = tpu.memref_slice %arg12[%scatter3A_323, %scatter3A_324] : memref<1x128xi32, #tpu.memory_space<vmem>> -> memref<1x128xi32, #tpu.memory_space<vmem>>
            tpu.vector_store_idx %scatter3A_325[%broadcast_in_dim3A_1, %add3A_322], %broadcast_in_dim3A_4 : memref<1x128xi32, #tpu.memory_space<vmem>>[vector<16xi32>, vector<16xi32>], vector<16xi32>,
            %add3A_326 = arith.constant 80 : i32
            %add3A_327 = vector.broadcast %add3A_326 : i32 to vector<16xi32>
            %add3A_328 = arith.addi %iota3A, %add3A_327 : vector<16xi32>
            %scatter3A_329 = arith.constant 0 : i32
            %scatter3A_330 = arith.constant 0 : i32
            %scatter3A_331 = tpu.memref_slice %arg12[%scatter3A_329, %scatter3A_330] : memref<1x128xi32, #tpu.memory_space<vmem>> -> memref<1x128xi32, #tpu.memory_space<vmem>>
            tpu.vector_store_idx %scatter3A_331[%broadcast_in_dim3A_1, %add3A_328], %broadcast_in_dim3A_4 : memref<1x128xi32, #tpu.memory_space<vmem>>[vector<16xi32>, vector<16xi32>], vector<16xi32>,
            %add3A_332 = arith.constant 96 : i32
            %add3A_333 = vector.broadcast %add3A_332 : i32 to vector<16xi32>
            %add3A_334 = arith.addi %iota3A, %add3A_333 : vector<16xi32>
            %scatter3A_335 = arith.constant 0 : i32
            %scatter3A_336 = arith.constant 0 : i32
            %scatter3A_337 = tpu.memref_slice %arg12[%scatter3A_335, %scatter3A_336] : memref<1x128xi32, #tpu.memory_space<vmem>> -> memref<1x128xi32, #tpu.memory_space<vmem>>
            tpu.vector_store_idx %scatter3A_337[%broadcast_in_dim3A_1, %add3A_334], %broadcast_in_dim3A_4 : memref<1x128xi32, #tpu.memory_space<vmem>>[vector<16xi32>, vector<16xi32>], vector<16xi32>,
            %add3A_338 = arith.constant 112 : i32
            %add3A_339 = vector.broadcast %add3A_338 : i32 to vector<16xi32>
            %add3A_340 = arith.addi %iota3A, %add3A_339 : vector<16xi32>
            %scatter3A_341 = arith.constant 0 : i32
            %scatter3A_342 = arith.constant 0 : i32
            %scatter3A_343 = tpu.memref_slice %arg12[%scatter3A_341, %scatter3A_342] : memref<1x128xi32, #tpu.memory_space<vmem>> -> memref<1x128xi32, #tpu.memory_space<vmem>>
            tpu.vector_store_idx %scatter3A_343[%broadcast_in_dim3A_1, %add3A_340], %broadcast_in_dim3A_4 : memref<1x128xi32, #tpu.memory_space<vmem>>[vector<16xi32>, vector<16xi32>], vector<16xi32>,
          } else {
          }
          %eq3A_291 = arith.constant 128 : i32
          %eq3A_292 = arith.cmpi eq, %add3A_285, %eq3A_291 : i32
          %jit3A_293 = arith.constant 0 : i32
          %select_n3A_294 = arith.select %eq3A_292, %jit3A_293, %add3A_285 : i32
          scf.yield %select_n3A_294 : i32
        }
        %while3A_230 = arith.constant 1 : i32
        %while3A_231 = scf.for %while3A_232 = %while3A_227 to %while3A_223 step %while3A_230 iter_args(%while3A_233 = %while3A_229) -> (i32)  : i32 {
          %broadcast_in_dim3A_234 = vector.broadcast %while3A_232 : i32 to vector<16xi32>
          %gather3A = arith.constant 0 : i32
          %gather3A_235 = tpu.memref_slice %arg13[%gather3A] : memref<16xi32, #tpu.memory_space<vmem>> -> memref<16xi32, #tpu.memory_space<vmem>>
          %gather3A_236 = tpu.vector_load_idx %gather3A_235[%broadcast_in_dim3A_234] : memref<16xi32, #tpu.memory_space<vmem>>[vector<16xi32>], vector<16xi32>,
          %gather3A_237 = arith.constant 0 : i32
          %gather3A_238 = tpu.memref_slice %arg14[%gather3A_237] : memref<16xi32, #tpu.memory_space<vmem>> -> memref<16xi32, #tpu.memory_space<vmem>>
          %gather3A_239 = tpu.vector_load_idx %gather3A_238[%broadcast_in_dim3A_234] : memref<16xi32, #tpu.memory_space<vmem>>[vector<16xi32>], vector<16xi32>,
          %broadcast_in_dim3A_240 = vector.broadcast %while3A_233 : i32 to vector<16xi32>
          %add3A_241 = arith.constant 0 : i32
          %add3A_242 = vector.broadcast %add3A_241 : i32 to vector<16xi32>
          %add3A_243 = arith.addi %iota3A, %add3A_242 : vector<16xi32>
          %gather3A_244 = arith.constant 0 : i32
          %gather3A_245 = arith.constant 0 : i32
          %gather3A_246 = tpu.memref_slice %arg9[%gather3A_244, %gather3A_245] : memref<64x512xf32, #tpu.memory_space<vmem>> -> memref<64x512xf32, #tpu.memory_space<vmem>>
          %gather3A_247 = tpu.vector_load_idx %gather3A_246[%add3A_243, %gather3A_236] : memref<64x512xf32, #tpu.memory_space<vmem>>[vector<16xi32>, vector<16xi32>], vector<16xf32>,
          %scatter3A_248 = arith.constant 0 : i32
          %scatter3A_249 = arith.constant 0 : i32
          %scatter3A_250 = tpu.memref_slice %arg11[%scatter3A_248, %scatter3A_249] : memref<128x128xf32, #tpu.memory_space<vmem>> -> memref<128x128xf32, #tpu.memory_space<vmem>>
          tpu.vector_store_idx %scatter3A_250[%broadcast_in_dim3A_240, %add3A_243], %gather3A_247 : memref<128x128xf32, #tpu.memory_space<vmem>>[vector<16xi32>, vector<16xi32>], vector<16xf32>,
          %add3A_251 = arith.constant 16 : i32
          %add3A_252 = vector.broadcast %add3A_251 : i32 to vector<16xi32>
          %add3A_253 = arith.addi %iota3A, %add3A_252 : vector<16xi32>
          %gather3A_254 = arith.constant 0 : i32
          %gather3A_255 = arith.constant 0 : i32
          %gather3A_256 = tpu.memref_slice %arg9[%gather3A_254, %gather3A_255] : memref<64x512xf32, #tpu.memory_space<vmem>> -> memref<64x512xf32, #tpu.memory_space<vmem>>
          %gather3A_257 = tpu.vector_load_idx %gather3A_256[%add3A_253, %gather3A_236] : memref<64x512xf32, #tpu.memory_space<vmem>>[vector<16xi32>, vector<16xi32>], vector<16xf32>,
          %scatter3A_258 = arith.constant 0 : i32
          %scatter3A_259 = arith.constant 0 : i32
          %scatter3A_260 = tpu.memref_slice %arg11[%scatter3A_258, %scatter3A_259] : memref<128x128xf32, #tpu.memory_space<vmem>> -> memref<128x128xf32, #tpu.memory_space<vmem>>
          tpu.vector_store_idx %scatter3A_260[%broadcast_in_dim3A_240, %add3A_253], %gather3A_257 : memref<128x128xf32, #tpu.memory_space<vmem>>[vector<16xi32>, vector<16xi32>], vector<16xf32>,
          %add3A_261 = arith.constant 32 : i32
          %add3A_262 = vector.broadcast %add3A_261 : i32 to vector<16xi32>
          %add3A_263 = arith.addi %iota3A, %add3A_262 : vector<16xi32>
          %gather3A_264 = arith.constant 0 : i32
          %gather3A_265 = arith.constant 0 : i32
          %gather3A_266 = tpu.memref_slice %arg9[%gather3A_264, %gather3A_265] : memref<64x512xf32, #tpu.memory_space<vmem>> -> memref<64x512xf32, #tpu.memory_space<vmem>>
          %gather3A_267 = tpu.vector_load_idx %gather3A_266[%add3A_263, %gather3A_236] : memref<64x512xf32, #tpu.memory_space<vmem>>[vector<16xi32>, vector<16xi32>], vector<16xf32>,
          %scatter3A_268 = arith.constant 0 : i32
          %scatter3A_269 = arith.constant 0 : i32
          %scatter3A_270 = tpu.memref_slice %arg11[%scatter3A_268, %scatter3A_269] : memref<128x128xf32, #tpu.memory_space<vmem>> -> memref<128x128xf32, #tpu.memory_space<vmem>>
          tpu.vector_store_idx %scatter3A_270[%broadcast_in_dim3A_240, %add3A_263], %gather3A_267 : memref<128x128xf32, #tpu.memory_space<vmem>>[vector<16xi32>, vector<16xi32>], vector<16xf32>,
          %add3A_271 = arith.constant 48 : i32
          %add3A_272 = vector.broadcast %add3A_271 : i32 to vector<16xi32>
          %add3A_273 = arith.addi %iota3A, %add3A_272 : vector<16xi32>
          %gather3A_274 = arith.constant 0 : i32
          %gather3A_275 = arith.constant 0 : i32
          %gather3A_276 = tpu.memref_slice %arg9[%gather3A_274, %gather3A_275] : memref<64x512xf32, #tpu.memory_space<vmem>> -> memref<64x512xf32, #tpu.memory_space<vmem>>
          %gather3A_277 = tpu.vector_load_idx %gather3A_276[%add3A_273, %gather3A_236] : memref<64x512xf32, #tpu.memory_space<vmem>>[vector<16xi32>, vector<16xi32>], vector<16xf32>,
          %scatter3A_278 = arith.constant 0 : i32
          %scatter3A_279 = arith.constant 0 : i32
          %scatter3A_280 = tpu.memref_slice %arg11[%scatter3A_278, %scatter3A_279] : memref<128x128xf32, #tpu.memory_space<vmem>> -> memref<128x128xf32, #tpu.memory_space<vmem>>
          tpu.vector_store_idx %scatter3A_280[%broadcast_in_dim3A_240, %add3A_273], %gather3A_277 : memref<128x128xf32, #tpu.memory_space<vmem>>[vector<16xi32>, vector<16xi32>], vector<16xf32>,
          %scatter3A_281 = arith.constant 0 : i32
          %scatter3A_282 = arith.constant 0 : i32
          %scatter3A_283 = tpu.memref_slice %arg12[%scatter3A_281, %scatter3A_282] : memref<1x128xi32, #tpu.memory_space<vmem>> -> memref<1x128xi32, #tpu.memory_space<vmem>>
          tpu.vector_store_idx %scatter3A_283[%broadcast_in_dim3A_1, %broadcast_in_dim3A_240], %gather3A_239 masked %eq3A_6 : memref<1x128xi32, #tpu.memory_space<vmem>>[vector<16xi32>, vector<16xi32>], vector<16xi32>, vector<16xi1>
          %add3A_284 = arith.constant 1 : i32
          %add3A_285 = arith.addi %while3A_233, %add3A_284 : i32
          %eq3A_286 = arith.constant 128 : i32
          %eq3A_287 = arith.cmpi eq, %add3A_285, %eq3A_286 : i32
          %convert_element_type3A_288 = arith.extui %eq3A_287 : i1 to i32
          %cond3A_289 = arith.constant 0 : i32
          %cond3A_290 = arith.cmpi ne, %convert_element_type3A_288, %cond3A_289 : i32
          scf.if %cond3A_290 {
            %run_scoped3A_295 = arith.constant 0 : i32
            "tpu.region"() ({
              %run_scoped3A_344 = tpu.sem_alloc : memref<!tpu.dma_semaphore, #tpu.memory_space<semaphore_mem>>
              %dma_start3A = arith.constant 0 : i32
              %dma_start3A_345 = tpu.memref_slice %arg12[%run_scoped3A_295, %dma_start3A] : memref<1x128xi32, #tpu.memory_space<vmem>> -> memref<1x128xi32, #tpu.memory_space<vmem>>
              %dma_start3A_346 = tpu.memref_squeeze %dma_start3A_345 : memref<1x128xi32, #tpu.memory_space<vmem>> -> memref<128xi32, #tpu.memory_space<vmem>>
              %dma_start3A_347 = arith.constant 0 : i32
              %dma_start3A_348 = arith.constant 0 : i32
              %dma_start3A_349 = tpu.memref_slice %arg5[%dma_start3A_347, %dma_start3A_348] : memref<16416x128xf32, #tpu.memory_space<hbm>> -> memref<16416x128xf32, #tpu.memory_space<hbm>>
              tpu.enqueue_indirect_dma source(%arg11 : memref<128x128xf32, #tpu.memory_space<vmem>>) target(%dma_start3A_349 : memref<16416x128xf32, #tpu.memory_space<hbm>>) offsets(%dma_start3A_346 : memref<128xi32, #tpu.memory_space<vmem>>) semaphore(%run_scoped3A_344 : memref<!tpu.dma_semaphore, #tpu.memory_space<semaphore_mem>>)
              %dma_wait3A = arith.constant 0 : i32
              %dma_wait3A_350 = tpu.memref_slice %arg12[%run_scoped3A_295, %dma_wait3A] : memref<1x128xi32, #tpu.memory_space<vmem>> -> memref<1x128xi32, #tpu.memory_space<vmem>>
              %dma_wait3A_351 = tpu.memref_squeeze %dma_wait3A_350 : memref<1x128xi32, #tpu.memory_space<vmem>> -> memref<128xi32, #tpu.memory_space<vmem>>
              %dma_wait3A_352 = arith.constant 0 : i32
              %dma_wait3A_353 = arith.constant 0 : i32
              %dma_wait3A_354 = tpu.memref_slice %arg5[%dma_wait3A_352, %dma_wait3A_353] : memref<16416x128xf32, #tpu.memory_space<hbm>> -> memref<16416x128xf32, #tpu.memory_space<hbm>>
              tpu.wait_indirect_dma semaphore(%run_scoped3A_344 : memref<!tpu.dma_semaphore, #tpu.memory_space<semaphore_mem>>) src(%arg11 : memref<128x128xf32, #tpu.memory_space<vmem>>) dst(%dma_wait3A_354 : memref<16416x128xf32, #tpu.memory_space<hbm>>)
              tpu.yield
            }) : () -> ()
            %add3A_296 = arith.constant 0 : i32
            %add3A_297 = vector.broadcast %add3A_296 : i32 to vector<16xi32>
            %add3A_298 = arith.addi %iota3A, %add3A_297 : vector<16xi32>
            %scatter3A_299 = arith.constant 0 : i32
            %scatter3A_300 = arith.constant 0 : i32
            %scatter3A_301 = tpu.memref_slice %arg12[%scatter3A_299, %scatter3A_300] : memref<1x128xi32, #tpu.memory_space<vmem>> -> memref<1x128xi32, #tpu.memory_space<vmem>>
            tpu.vector_store_idx %scatter3A_301[%broadcast_in_dim3A_1, %add3A_298], %broadcast_in_dim3A_4 : memref<1x128xi32, #tpu.memory_space<vmem>>[vector<16xi32>, vector<16xi32>], vector<16xi32>,
            %add3A_302 = arith.constant 16 : i32
            %add3A_303 = vector.broadcast %add3A_302 : i32 to vector<16xi32>
            %add3A_304 = arith.addi %iota3A, %add3A_303 : vector<16xi32>
            %scatter3A_305 = arith.constant 0 : i32
            %scatter3A_306 = arith.constant 0 : i32
            %scatter3A_307 = tpu.memref_slice %arg12[%scatter3A_305, %scatter3A_306] : memref<1x128xi32, #tpu.memory_space<vmem>> -> memref<1x128xi32, #tpu.memory_space<vmem>>
            tpu.vector_store_idx %scatter3A_307[%broadcast_in_dim3A_1, %add3A_304], %broadcast_in_dim3A_4 : memref<1x128xi32, #tpu.memory_space<vmem>>[vector<16xi32>, vector<16xi32>], vector<16xi32>,
            %add3A_308 = arith.constant 32 : i32
            %add3A_309 = vector.broadcast %add3A_308 : i32 to vector<16xi32>
            %add3A_310 = arith.addi %iota3A, %add3A_309 : vector<16xi32>
            %scatter3A_311 = arith.constant 0 : i32
            %scatter3A_312 = arith.constant 0 : i32
            %scatter3A_313 = tpu.memref_slice %arg12[%scatter3A_311, %scatter3A_312] : memref<1x128xi32, #tpu.memory_space<vmem>> -> memref<1x128xi32, #tpu.memory_space<vmem>>
            tpu.vector_store_idx %scatter3A_313[%broadcast_in_dim3A_1, %add3A_310], %broadcast_in_dim3A_4 : memref<1x128xi32, #tpu.memory_space<vmem>>[vector<16xi32>, vector<16xi32>], vector<16xi32>,
            %add3A_314 = arith.constant 48 : i32
            %add3A_315 = vector.broadcast %add3A_314 : i32 to vector<16xi32>
            %add3A_316 = arith.addi %iota3A, %add3A_315 : vector<16xi32>
            %scatter3A_317 = arith.constant 0 : i32
            %scatter3A_318 = arith.constant 0 : i32
            %scatter3A_319 = tpu.memref_slice %arg12[%scatter3A_317, %scatter3A_318] : memref<1x128xi32, #tpu.memory_space<vmem>> -> memref<1x128xi32, #tpu.memory_space<vmem>>
            tpu.vector_store_idx %scatter3A_319[%broadcast_in_dim3A_1, %add3A_316], %broadcast_in_dim3A_4 : memref<1x128xi32, #tpu.memory_space<vmem>>[vector<16xi32>, vector<16xi32>], vector<16xi32>,
            %add3A_320 = arith.constant 64 : i32
            %add3A_321 = vector.broadcast %add3A_320 : i32 to vector<16xi32>
            %add3A_322 = arith.addi %iota3A, %add3A_321 : vector<16xi32>
            %scatter3A_323 = arith.constant 0 : i32
            %scatter3A_324 = arith.constant 0 : i32
            %scatter3A_325 = tpu.memref_slice %arg12[%scatter3A_323, %scatter3A_324] : memref<1x128xi32, #tpu.memory_space<vmem>> -> memref<1x128xi32, #tpu.memory_space<vmem>>
            tpu.vector_store_idx %scatter3A_325[%broadcast_in_dim3A_1, %add3A_322], %broadcast_in_dim3A_4 : memref<1x128xi32, #tpu.memory_space<vmem>>[vector<16xi32>, vector<16xi32>], vector<16xi32>,
            %add3A_326 = arith.constant 80 : i32
            %add3A_327 = vector.broadcast %add3A_326 : i32 to vector<16xi32>
            %add3A_328 = arith.addi %iota3A, %add3A_327 : vector<16xi32>
            %scatter3A_329 = arith.constant 0 : i32
            %scatter3A_330 = arith.constant 0 : i32
            %scatter3A_331 = tpu.memref_slice %arg12[%scatter3A_329, %scatter3A_330] : memref<1x128xi32, #tpu.memory_space<vmem>> -> memref<1x128xi32, #tpu.memory_space<vmem>>
            tpu.vector_store_idx %scatter3A_331[%broadcast_in_dim3A_1, %add3A_328], %broadcast_in_dim3A_4 : memref<1x128xi32, #tpu.memory_space<vmem>>[vector<16xi32>, vector<16xi32>], vector<16xi32>,
            %add3A_332 = arith.constant 96 : i32
            %add3A_333 = vector.broadcast %add3A_332 : i32 to vector<16xi32>
            %add3A_334 = arith.addi %iota3A, %add3A_333 : vector<16xi32>
            %scatter3A_335 = arith.constant 0 : i32
            %scatter3A_336 = arith.constant 0 : i32
            %scatter3A_337 = tpu.memref_slice %arg12[%scatter3A_335, %scatter3A_336] : memref<1x128xi32, #tpu.memory_space<vmem>> -> memref<1x128xi32, #tpu.memory_space<vmem>>
            tpu.vector_store_idx %scatter3A_337[%broadcast_in_dim3A_1, %add3A_334], %broadcast_in_dim3A_4 : memref<1x128xi32, #tpu.memory_space<vmem>>[vector<16xi32>, vector<16xi32>], vector<16xi32>,
            %add3A_338 = arith.constant 112 : i32
            %add3A_339 = vector.broadcast %add3A_338 : i32 to vector<16xi32>
            %add3A_340 = arith.addi %iota3A, %add3A_339 : vector<16xi32>
            %scatter3A_341 = arith.constant 0 : i32
            %scatter3A_342 = arith.constant 0 : i32
            %scatter3A_343 = tpu.memref_slice %arg12[%scatter3A_341, %scatter3A_342] : memref<1x128xi32, #tpu.memory_space<vmem>> -> memref<1x128xi32, #tpu.memory_space<vmem>>
            tpu.vector_store_idx %scatter3A_343[%broadcast_in_dim3A_1, %add3A_340], %broadcast_in_dim3A_4 : memref<1x128xi32, #tpu.memory_space<vmem>>[vector<16xi32>, vector<16xi32>], vector<16xi32>,
          } else {
          }
          %eq3A_291 = arith.constant 128 : i32
          %eq3A_292 = arith.cmpi eq, %add3A_285, %eq3A_291 : i32
          %jit3A_293 = arith.constant 0 : i32
          %select_n3A_294 = arith.select %eq3A_292, %jit3A_293, %add3A_285 : i32
          scf.yield %select_n3A_294 : i32
        }
        scf.yield %while3A_231 : i32
      }
      scf.yield %while3A_193 : i32
    }
    %while3A_108 = arith.constant 1 : i32
    %while3A_109 = scf.for %while3A_178 = %while3A_105 to %while3A_101 step %while3A_108 iter_args(%while3A_179 = %while3A_107) -> (i32)  : i32 {
      %add3A_180 = arith.addi %add3A_14, %while3A_178 : i32
      %mul3A_181 = arith.constant 512 : i32
      %mul3A_182 = arith.muli %add3A_180, %mul3A_181 : i32
      %multiple_of3A = tpu.assume_multiple %mul3A_182, 512 : i32
      "tpu.region"() ({
        %run_scoped3A_194 = tpu.sem_alloc : memref<!tpu.dma_semaphore, #tpu.memory_space<semaphore_mem>>
        %dma_start3A = arith.constant 0 : i32
        %dma_start3A_195 = tpu.memref_slice %arg3[%dma_start3A, %multiple_of3A] : memref<64x1000000xf32, #tpu.memory_space<hbm>> -> memref<64x512xf32, #tpu.memory_space<hbm>>
        %dma_start3A_196 = arith.constant 0 : i32
        %dma_start3A_197 = tpu.memref_slice %arg3[%dma_start3A_196, %multiple_of3A] : memref<64x1000000xf32, #tpu.memory_space<hbm>> -> memref<64x512xf32, #tpu.memory_space<hbm>>
        tpu.enqueue_dma source(%dma_start3A_197 : memref<64x512xf32, #tpu.memory_space<hbm>>) target(%arg9 : memref<64x512xf32, #tpu.memory_space<vmem>>) target_semaphore(%run_scoped3A_194 : memref<!tpu.dma_semaphore, #tpu.memory_space<semaphore_mem>>)
        %dma_wait3A = arith.constant 0 : i32
        %dma_wait3A_198 = tpu.memref_slice %arg3[%dma_wait3A, %multiple_of3A] : memref<64x1000000xf32, #tpu.memory_space<hbm>> -> memref<64x512xf32, #tpu.memory_space<hbm>>
        %dma_wait3A_199 = arith.constant 0 : i32
        %dma_wait3A_200 = tpu.memref_slice %arg3[%dma_wait3A_199, %multiple_of3A] : memref<64x1000000xf32, #tpu.memory_space<hbm>> -> memref<64x512xf32, #tpu.memory_space<hbm>>
        tpu.wait_dma2 semaphore(%run_scoped3A_194 : memref<!tpu.dma_semaphore, #tpu.memory_space<semaphore_mem>>) src(%dma_wait3A_200 : memref<64x512xf32, #tpu.memory_space<hbm>>) dst(%arg9 : memref<64x512xf32, #tpu.memory_space<vmem>>)
        tpu.yield
      }) : () -> ()
      %while3A_183 = arith.constant 0 : i32
      %while3A_184 = arith.subi %select_n3A_98, %while3A_183 : i32
      %while3A_185 = arith.addi %while3A_183, %while3A_184 : i32
      %while3A_186 = arith.constant 1 : i32
      %while3A_187 = arith.divsi %while3A_184, %while3A_186 : i32
      %while3A_188 = arith.muli %while3A_187, %while3A_186 : i32
      %while3A_189 = arith.addi %while3A_183, %while3A_188 : i32
      %while3A_190 = arith.constant 1 : i32
      %while3A_191 = scf.for %while3A_194 = %while3A_183 to %while3A_189 step %while3A_190 iter_args(%while3A_195 = %while3A_179) -> (i32)  : i32 {
        %mul3A_196 = arith.constant 16 : i32
        %mul3A_197 = arith.muli %while3A_194, %mul3A_196 : i32
        %get3A = arith.index_cast %mul3A_197 : i32 to index
        %get3A_198 = tpu.vector_load %arg7[%get3A] {strides = array<i32>} : memref<16400xi32, #tpu.memory_space<vmem>>, vector<16xi32>,
        %mul3A_199 = arith.constant 16 : i32
        %mul3A_200 = arith.muli %while3A_194, %mul3A_199 : i32
        %get3A_201 = arith.index_cast %mul3A_200 : i32 to index
        %get3A_202 = tpu.vector_load %arg8[%get3A_201] {strides = array<i32>} : memref<16400xi32, #tpu.memory_space<vmem>>, vector<16xi32>,
        %mul3A_203 = arith.constant 16 : i32
        %mul3A_204 = arith.muli %while3A_194, %mul3A_203 : i32
        %add3A_205 = vector.broadcast %mul3A_204 : i32 to vector<16xi32>
        %add3A_206 = arith.addi %iota3A, %add3A_205 : vector<16xi32>
        %lt3A_207 = vector.broadcast %scan3A_75 : i32 to vector<16xi32>
        %lt3A_208 = arith.cmpi slt, %add3A_206, %lt3A_207 : vector<16xi32>
        %ge3A = vector.broadcast %multiple_of3A : i32 to vector<16xi32>
        %ge3A_209 = arith.cmpi sge, %get3A_198, %ge3A : vector<16xi32>
        %and3A_210 = arith.andi %lt3A_208, %ge3A_209 : vector<16xi1>
        %add3A_211 = arith.constant 512 : i32
        %add3A_212 = arith.addi %multiple_of3A, %add3A_211 : i32
        %lt3A_213 = vector.broadcast %add3A_212 : i32 to vector<16xi32>
        %lt3A_214 = arith.cmpi slt, %get3A_198, %lt3A_213 : vector<16xi32>
        %and3A_215 = arith.andi %and3A_210, %lt3A_214 : vector<16xi1>
        %all_reduce_population_count3A = tpu.all_reduce %and3A_215 {dim = 0 : i64, kind = #tpu.reduction_kind<sum>} : vector<16xi1> -> vector<16xi32>
        %slice3A = vector.extract_strided_slice %all_reduce_population_count3A {offsets = [0], sizes = [1], strides = [1]} : vector<16xi32> to vector<1xi32>
        %squeeze3A = vector.extract %slice3A[0] : i32 from vector<1xi32>
        %sub3A_216 = vector.broadcast %multiple_of3A : i32 to vector<16xi32>
        %sub3A_217 = arith.subi %get3A_198, %sub3A_216 : vector<16xi32>
        %swap3A = arith.constant 0 : index
        %swap3A_218 = tpu.vector_load %arg13[%swap3A] masked %and3A_215 {strides = array<i32>} : memref<16xi32, #tpu.memory_space<vmem>>, vector<16xi32>, vector<16xi1>
        tpu.vector_store %arg13[%swap3A], %sub3A_217 masked %and3A_215 {strides = array<i32>} : memref<16xi32, #tpu.memory_space<vmem>>, vector<16xi32>, vector<16xi1>
        %swap3A_219 = arith.constant 0 : index
        %swap3A_220 = tpu.vector_load %arg14[%swap3A_219] masked %and3A_215 {strides = array<i32>} : memref<16xi32, #tpu.memory_space<vmem>>, vector<16xi32>, vector<16xi1>
        tpu.vector_store %arg14[%swap3A_219], %get3A_202 masked %and3A_215 {strides = array<i32>} : memref<16xi32, #tpu.memory_space<vmem>>, vector<16xi32>, vector<16xi1>
        %while3A_221 = arith.constant 0 : i32
        %while3A_222 = arith.subi %squeeze3A, %while3A_221 : i32
        %while3A_223 = arith.addi %while3A_221, %while3A_222 : i32
        %while3A_224 = arith.constant 1 : i32
        %while3A_225 = arith.divsi %while3A_222, %while3A_224 : i32
        %while3A_226 = arith.muli %while3A_225, %while3A_224 : i32
        %while3A_227 = arith.addi %while3A_221, %while3A_226 : i32
        %while3A_228 = arith.constant 1 : i32
        %while3A_229 = scf.for %while3A_232 = %while3A_221 to %while3A_227 step %while3A_228 iter_args(%while3A_233 = %while3A_195) -> (i32)  : i32 {
          %broadcast_in_dim3A_234 = vector.broadcast %while3A_232 : i32 to vector<16xi32>
          %gather3A = arith.constant 0 : i32
          %gather3A_235 = tpu.memref_slice %arg13[%gather3A] : memref<16xi32, #tpu.memory_space<vmem>> -> memref<16xi32, #tpu.memory_space<vmem>>
          %gather3A_236 = tpu.vector_load_idx %gather3A_235[%broadcast_in_dim3A_234] : memref<16xi32, #tpu.memory_space<vmem>>[vector<16xi32>], vector<16xi32>,
          %gather3A_237 = arith.constant 0 : i32
          %gather3A_238 = tpu.memref_slice %arg14[%gather3A_237] : memref<16xi32, #tpu.memory_space<vmem>> -> memref<16xi32, #tpu.memory_space<vmem>>
          %gather3A_239 = tpu.vector_load_idx %gather3A_238[%broadcast_in_dim3A_234] : memref<16xi32, #tpu.memory_space<vmem>>[vector<16xi32>], vector<16xi32>,
          %broadcast_in_dim3A_240 = vector.broadcast %while3A_233 : i32 to vector<16xi32>
          %add3A_241 = arith.constant 0 : i32
          %add3A_242 = vector.broadcast %add3A_241 : i32 to vector<16xi32>
          %add3A_243 = arith.addi %iota3A, %add3A_242 : vector<16xi32>
          %gather3A_244 = arith.constant 0 : i32
          %gather3A_245 = arith.constant 0 : i32
          %gather3A_246 = tpu.memref_slice %arg9[%gather3A_244, %gather3A_245] : memref<64x512xf32, #tpu.memory_space<vmem>> -> memref<64x512xf32, #tpu.memory_space<vmem>>
          %gather3A_247 = tpu.vector_load_idx %gather3A_246[%add3A_243, %gather3A_236] : memref<64x512xf32, #tpu.memory_space<vmem>>[vector<16xi32>, vector<16xi32>], vector<16xf32>,
          %scatter3A_248 = arith.constant 0 : i32
          %scatter3A_249 = arith.constant 0 : i32
          %scatter3A_250 = tpu.memref_slice %arg11[%scatter3A_248, %scatter3A_249] : memref<128x128xf32, #tpu.memory_space<vmem>> -> memref<128x128xf32, #tpu.memory_space<vmem>>
          tpu.vector_store_idx %scatter3A_250[%broadcast_in_dim3A_240, %add3A_243], %gather3A_247 : memref<128x128xf32, #tpu.memory_space<vmem>>[vector<16xi32>, vector<16xi32>], vector<16xf32>,
          %add3A_251 = arith.constant 16 : i32
          %add3A_252 = vector.broadcast %add3A_251 : i32 to vector<16xi32>
          %add3A_253 = arith.addi %iota3A, %add3A_252 : vector<16xi32>
          %gather3A_254 = arith.constant 0 : i32
          %gather3A_255 = arith.constant 0 : i32
          %gather3A_256 = tpu.memref_slice %arg9[%gather3A_254, %gather3A_255] : memref<64x512xf32, #tpu.memory_space<vmem>> -> memref<64x512xf32, #tpu.memory_space<vmem>>
          %gather3A_257 = tpu.vector_load_idx %gather3A_256[%add3A_253, %gather3A_236] : memref<64x512xf32, #tpu.memory_space<vmem>>[vector<16xi32>, vector<16xi32>], vector<16xf32>,
          %scatter3A_258 = arith.constant 0 : i32
          %scatter3A_259 = arith.constant 0 : i32
          %scatter3A_260 = tpu.memref_slice %arg11[%scatter3A_258, %scatter3A_259] : memref<128x128xf32, #tpu.memory_space<vmem>> -> memref<128x128xf32, #tpu.memory_space<vmem>>
          tpu.vector_store_idx %scatter3A_260[%broadcast_in_dim3A_240, %add3A_253], %gather3A_257 : memref<128x128xf32, #tpu.memory_space<vmem>>[vector<16xi32>, vector<16xi32>], vector<16xf32>,
          %add3A_261 = arith.constant 32 : i32
          %add3A_262 = vector.broadcast %add3A_261 : i32 to vector<16xi32>
          %add3A_263 = arith.addi %iota3A, %add3A_262 : vector<16xi32>
          %gather3A_264 = arith.constant 0 : i32
          %gather3A_265 = arith.constant 0 : i32
          %gather3A_266 = tpu.memref_slice %arg9[%gather3A_264, %gather3A_265] : memref<64x512xf32, #tpu.memory_space<vmem>> -> memref<64x512xf32, #tpu.memory_space<vmem>>
          %gather3A_267 = tpu.vector_load_idx %gather3A_266[%add3A_263, %gather3A_236] : memref<64x512xf32, #tpu.memory_space<vmem>>[vector<16xi32>, vector<16xi32>], vector<16xf32>,
          %scatter3A_268 = arith.constant 0 : i32
          %scatter3A_269 = arith.constant 0 : i32
          %scatter3A_270 = tpu.memref_slice %arg11[%scatter3A_268, %scatter3A_269] : memref<128x128xf32, #tpu.memory_space<vmem>> -> memref<128x128xf32, #tpu.memory_space<vmem>>
          tpu.vector_store_idx %scatter3A_270[%broadcast_in_dim3A_240, %add3A_263], %gather3A_267 : memref<128x128xf32, #tpu.memory_space<vmem>>[vector<16xi32>, vector<16xi32>], vector<16xf32>,
          %add3A_271 = arith.constant 48 : i32
          %add3A_272 = vector.broadcast %add3A_271 : i32 to vector<16xi32>
          %add3A_273 = arith.addi %iota3A, %add3A_272 : vector<16xi32>
          %gather3A_274 = arith.constant 0 : i32
          %gather3A_275 = arith.constant 0 : i32
          %gather3A_276 = tpu.memref_slice %arg9[%gather3A_274, %gather3A_275] : memref<64x512xf32, #tpu.memory_space<vmem>> -> memref<64x512xf32, #tpu.memory_space<vmem>>
          %gather3A_277 = tpu.vector_load_idx %gather3A_276[%add3A_273, %gather3A_236] : memref<64x512xf32, #tpu.memory_space<vmem>>[vector<16xi32>, vector<16xi32>], vector<16xf32>,
          %scatter3A_278 = arith.constant 0 : i32
          %scatter3A_279 = arith.constant 0 : i32
          %scatter3A_280 = tpu.memref_slice %arg11[%scatter3A_278, %scatter3A_279] : memref<128x128xf32, #tpu.memory_space<vmem>> -> memref<128x128xf32, #tpu.memory_space<vmem>>
          tpu.vector_store_idx %scatter3A_280[%broadcast_in_dim3A_240, %add3A_273], %gather3A_277 : memref<128x128xf32, #tpu.memory_space<vmem>>[vector<16xi32>, vector<16xi32>], vector<16xf32>,
          %scatter3A_281 = arith.constant 0 : i32
          %scatter3A_282 = arith.constant 0 : i32
          %scatter3A_283 = tpu.memref_slice %arg12[%scatter3A_281, %scatter3A_282] : memref<1x128xi32, #tpu.memory_space<vmem>> -> memref<1x128xi32, #tpu.memory_space<vmem>>
          tpu.vector_store_idx %scatter3A_283[%broadcast_in_dim3A_1, %broadcast_in_dim3A_240], %gather3A_239 masked %eq3A_6 : memref<1x128xi32, #tpu.memory_space<vmem>>[vector<16xi32>, vector<16xi32>], vector<16xi32>, vector<16xi1>
          %add3A_284 = arith.constant 1 : i32
          %add3A_285 = arith.addi %while3A_233, %add3A_284 : i32
          %eq3A_286 = arith.constant 128 : i32
          %eq3A_287 = arith.cmpi eq, %add3A_285, %eq3A_286 : i32
          %convert_element_type3A_288 = arith.extui %eq3A_287 : i1 to i32
          %cond3A_289 = arith.constant 0 : i32
          %cond3A_290 = arith.cmpi ne, %convert_element_type3A_288, %cond3A_289 : i32
          scf.if %cond3A_290 {
            %run_scoped3A_295 = arith.constant 0 : i32
            "tpu.region"() ({
              %run_scoped3A_344 = tpu.sem_alloc : memref<!tpu.dma_semaphore, #tpu.memory_space<semaphore_mem>>
              %dma_start3A = arith.constant 0 : i32
              %dma_start3A_345 = tpu.memref_slice %arg12[%run_scoped3A_295, %dma_start3A] : memref<1x128xi32, #tpu.memory_space<vmem>> -> memref<1x128xi32, #tpu.memory_space<vmem>>
              %dma_start3A_346 = tpu.memref_squeeze %dma_start3A_345 : memref<1x128xi32, #tpu.memory_space<vmem>> -> memref<128xi32, #tpu.memory_space<vmem>>
              %dma_start3A_347 = arith.constant 0 : i32
              %dma_start3A_348 = arith.constant 0 : i32
              %dma_start3A_349 = tpu.memref_slice %arg5[%dma_start3A_347, %dma_start3A_348] : memref<16416x128xf32, #tpu.memory_space<hbm>> -> memref<16416x128xf32, #tpu.memory_space<hbm>>
              tpu.enqueue_indirect_dma source(%arg11 : memref<128x128xf32, #tpu.memory_space<vmem>>) target(%dma_start3A_349 : memref<16416x128xf32, #tpu.memory_space<hbm>>) offsets(%dma_start3A_346 : memref<128xi32, #tpu.memory_space<vmem>>) semaphore(%run_scoped3A_344 : memref<!tpu.dma_semaphore, #tpu.memory_space<semaphore_mem>>)
              %dma_wait3A = arith.constant 0 : i32
              %dma_wait3A_350 = tpu.memref_slice %arg12[%run_scoped3A_295, %dma_wait3A] : memref<1x128xi32, #tpu.memory_space<vmem>> -> memref<1x128xi32, #tpu.memory_space<vmem>>
              %dma_wait3A_351 = tpu.memref_squeeze %dma_wait3A_350 : memref<1x128xi32, #tpu.memory_space<vmem>> -> memref<128xi32, #tpu.memory_space<vmem>>
              %dma_wait3A_352 = arith.constant 0 : i32
              %dma_wait3A_353 = arith.constant 0 : i32
              %dma_wait3A_354 = tpu.memref_slice %arg5[%dma_wait3A_352, %dma_wait3A_353] : memref<16416x128xf32, #tpu.memory_space<hbm>> -> memref<16416x128xf32, #tpu.memory_space<hbm>>
              tpu.wait_indirect_dma semaphore(%run_scoped3A_344 : memref<!tpu.dma_semaphore, #tpu.memory_space<semaphore_mem>>) src(%arg11 : memref<128x128xf32, #tpu.memory_space<vmem>>) dst(%dma_wait3A_354 : memref<16416x128xf32, #tpu.memory_space<hbm>>)
              tpu.yield
            }) : () -> ()
            %add3A_296 = arith.constant 0 : i32
            %add3A_297 = vector.broadcast %add3A_296 : i32 to vector<16xi32>
            %add3A_298 = arith.addi %iota3A, %add3A_297 : vector<16xi32>
            %scatter3A_299 = arith.constant 0 : i32
            %scatter3A_300 = arith.constant 0 : i32
            %scatter3A_301 = tpu.memref_slice %arg12[%scatter3A_299, %scatter3A_300] : memref<1x128xi32, #tpu.memory_space<vmem>> -> memref<1x128xi32, #tpu.memory_space<vmem>>
            tpu.vector_store_idx %scatter3A_301[%broadcast_in_dim3A_1, %add3A_298], %broadcast_in_dim3A_4 : memref<1x128xi32, #tpu.memory_space<vmem>>[vector<16xi32>, vector<16xi32>], vector<16xi32>,
            %add3A_302 = arith.constant 16 : i32
            %add3A_303 = vector.broadcast %add3A_302 : i32 to vector<16xi32>
            %add3A_304 = arith.addi %iota3A, %add3A_303 : vector<16xi32>
            %scatter3A_305 = arith.constant 0 : i32
            %scatter3A_306 = arith.constant 0 : i32
            %scatter3A_307 = tpu.memref_slice %arg12[%scatter3A_305, %scatter3A_306] : memref<1x128xi32, #tpu.memory_space<vmem>> -> memref<1x128xi32, #tpu.memory_space<vmem>>
            tpu.vector_store_idx %scatter3A_307[%broadcast_in_dim3A_1, %add3A_304], %broadcast_in_dim3A_4 : memref<1x128xi32, #tpu.memory_space<vmem>>[vector<16xi32>, vector<16xi32>], vector<16xi32>,
            %add3A_308 = arith.constant 32 : i32
            %add3A_309 = vector.broadcast %add3A_308 : i32 to vector<16xi32>
            %add3A_310 = arith.addi %iota3A, %add3A_309 : vector<16xi32>
            %scatter3A_311 = arith.constant 0 : i32
            %scatter3A_312 = arith.constant 0 : i32
            %scatter3A_313 = tpu.memref_slice %arg12[%scatter3A_311, %scatter3A_312] : memref<1x128xi32, #tpu.memory_space<vmem>> -> memref<1x128xi32, #tpu.memory_space<vmem>>
            tpu.vector_store_idx %scatter3A_313[%broadcast_in_dim3A_1, %add3A_310], %broadcast_in_dim3A_4 : memref<1x128xi32, #tpu.memory_space<vmem>>[vector<16xi32>, vector<16xi32>], vector<16xi32>,
            %add3A_314 = arith.constant 48 : i32
            %add3A_315 = vector.broadcast %add3A_314 : i32 to vector<16xi32>
            %add3A_316 = arith.addi %iota3A, %add3A_315 : vector<16xi32>
            %scatter3A_317 = arith.constant 0 : i32
            %scatter3A_318 = arith.constant 0 : i32
            %scatter3A_319 = tpu.memref_slice %arg12[%scatter3A_317, %scatter3A_318] : memref<1x128xi32, #tpu.memory_space<vmem>> -> memref<1x128xi32, #tpu.memory_space<vmem>>
            tpu.vector_store_idx %scatter3A_319[%broadcast_in_dim3A_1, %add3A_316], %broadcast_in_dim3A_4 : memref<1x128xi32, #tpu.memory_space<vmem>>[vector<16xi32>, vector<16xi32>], vector<16xi32>,
            %add3A_320 = arith.constant 64 : i32
            %add3A_321 = vector.broadcast %add3A_320 : i32 to vector<16xi32>
            %add3A_322 = arith.addi %iota3A, %add3A_321 : vector<16xi32>
            %scatter3A_323 = arith.constant 0 : i32
            %scatter3A_324 = arith.constant 0 : i32
            %scatter3A_325 = tpu.memref_slice %arg12[%scatter3A_323, %scatter3A_324] : memref<1x128xi32, #tpu.memory_space<vmem>> -> memref<1x128xi32, #tpu.memory_space<vmem>>
            tpu.vector_store_idx %scatter3A_325[%broadcast_in_dim3A_1, %add3A_322], %broadcast_in_dim3A_4 : memref<1x128xi32, #tpu.memory_space<vmem>>[vector<16xi32>, vector<16xi32>], vector<16xi32>,
            %add3A_326 = arith.constant 80 : i32
            %add3A_327 = vector.broadcast %add3A_326 : i32 to vector<16xi32>
            %add3A_328 = arith.addi %iota3A, %add3A_327 : vector<16xi32>
            %scatter3A_329 = arith.constant 0 : i32
            %scatter3A_330 = arith.constant 0 : i32
            %scatter3A_331 = tpu.memref_slice %arg12[%scatter3A_329, %scatter3A_330] : memref<1x128xi32, #tpu.memory_space<vmem>> -> memref<1x128xi32, #tpu.memory_space<vmem>>
            tpu.vector_store_idx %scatter3A_331[%broadcast_in_dim3A_1, %add3A_328], %broadcast_in_dim3A_4 : memref<1x128xi32, #tpu.memory_space<vmem>>[vector<16xi32>, vector<16xi32>], vector<16xi32>,
            %add3A_332 = arith.constant 96 : i32
            %add3A_333 = vector.broadcast %add3A_332 : i32 to vector<16xi32>
            %add3A_334 = arith.addi %iota3A, %add3A_333 : vector<16xi32>
            %scatter3A_335 = arith.constant 0 : i32
            %scatter3A_336 = arith.constant 0 : i32
            %scatter3A_337 = tpu.memref_slice %arg12[%scatter3A_335, %scatter3A_336] : memref<1x128xi32, #tpu.memory_space<vmem>> -> memref<1x128xi32, #tpu.memory_space<vmem>>
            tpu.vector_store_idx %scatter3A_337[%broadcast_in_dim3A_1, %add3A_334], %broadcast_in_dim3A_4 : memref<1x128xi32, #tpu.memory_space<vmem>>[vector<16xi32>, vector<16xi32>], vector<16xi32>,
            %add3A_338 = arith.constant 112 : i32
            %add3A_339 = vector.broadcast %add3A_338 : i32 to vector<16xi32>
            %add3A_340 = arith.addi %iota3A, %add3A_339 : vector<16xi32>
            %scatter3A_341 = arith.constant 0 : i32
            %scatter3A_342 = arith.constant 0 : i32
            %scatter3A_343 = tpu.memref_slice %arg12[%scatter3A_341, %scatter3A_342] : memref<1x128xi32, #tpu.memory_space<vmem>> -> memref<1x128xi32, #tpu.memory_space<vmem>>
            tpu.vector_store_idx %scatter3A_343[%broadcast_in_dim3A_1, %add3A_340], %broadcast_in_dim3A_4 : memref<1x128xi32, #tpu.memory_space<vmem>>[vector<16xi32>, vector<16xi32>], vector<16xi32>,
          } else {
          }
          %eq3A_291 = arith.constant 128 : i32
          %eq3A_292 = arith.cmpi eq, %add3A_285, %eq3A_291 : i32
          %jit3A_293 = arith.constant 0 : i32
          %select_n3A_294 = arith.select %eq3A_292, %jit3A_293, %add3A_285 : i32
          scf.yield %select_n3A_294 : i32
        }
        %while3A_230 = arith.constant 1 : i32
        %while3A_231 = scf.for %while3A_232 = %while3A_227 to %while3A_223 step %while3A_230 iter_args(%while3A_233 = %while3A_229) -> (i32)  : i32 {
          %broadcast_in_dim3A_234 = vector.broadcast %while3A_232 : i32 to vector<16xi32>
          %gather3A = arith.constant 0 : i32
          %gather3A_235 = tpu.memref_slice %arg13[%gather3A] : memref<16xi32, #tpu.memory_space<vmem>> -> memref<16xi32, #tpu.memory_space<vmem>>
          %gather3A_236 = tpu.vector_load_idx %gather3A_235[%broadcast_in_dim3A_234] : memref<16xi32, #tpu.memory_space<vmem>>[vector<16xi32>], vector<16xi32>,
          %gather3A_237 = arith.constant 0 : i32
          %gather3A_238 = tpu.memref_slice %arg14[%gather3A_237] : memref<16xi32, #tpu.memory_space<vmem>> -> memref<16xi32, #tpu.memory_space<vmem>>
          %gather3A_239 = tpu.vector_load_idx %gather3A_238[%broadcast_in_dim3A_234] : memref<16xi32, #tpu.memory_space<vmem>>[vector<16xi32>], vector<16xi32>,
          %broadcast_in_dim3A_240 = vector.broadcast %while3A_233 : i32 to vector<16xi32>
          %add3A_241 = arith.constant 0 : i32
          %add3A_242 = vector.broadcast %add3A_241 : i32 to vector<16xi32>
          %add3A_243 = arith.addi %iota3A, %add3A_242 : vector<16xi32>
          %gather3A_244 = arith.constant 0 : i32
          %gather3A_245 = arith.constant 0 : i32
          %gather3A_246 = tpu.memref_slice %arg9[%gather3A_244, %gather3A_245] : memref<64x512xf32, #tpu.memory_space<vmem>> -> memref<64x512xf32, #tpu.memory_space<vmem>>
          %gather3A_247 = tpu.vector_load_idx %gather3A_246[%add3A_243, %gather3A_236] : memref<64x512xf32, #tpu.memory_space<vmem>>[vector<16xi32>, vector<16xi32>], vector<16xf32>,
          %scatter3A_248 = arith.constant 0 : i32
          %scatter3A_249 = arith.constant 0 : i32
          %scatter3A_250 = tpu.memref_slice %arg11[%scatter3A_248, %scatter3A_249] : memref<128x128xf32, #tpu.memory_space<vmem>> -> memref<128x128xf32, #tpu.memory_space<vmem>>
          tpu.vector_store_idx %scatter3A_250[%broadcast_in_dim3A_240, %add3A_243], %gather3A_247 : memref<128x128xf32, #tpu.memory_space<vmem>>[vector<16xi32>, vector<16xi32>], vector<16xf32>,
          %add3A_251 = arith.constant 16 : i32
          %add3A_252 = vector.broadcast %add3A_251 : i32 to vector<16xi32>
          %add3A_253 = arith.addi %iota3A, %add3A_252 : vector<16xi32>
          %gather3A_254 = arith.constant 0 : i32
          %gather3A_255 = arith.constant 0 : i32
          %gather3A_256 = tpu.memref_slice %arg9[%gather3A_254, %gather3A_255] : memref<64x512xf32, #tpu.memory_space<vmem>> -> memref<64x512xf32, #tpu.memory_space<vmem>>
          %gather3A_257 = tpu.vector_load_idx %gather3A_256[%add3A_253, %gather3A_236] : memref<64x512xf32, #tpu.memory_space<vmem>>[vector<16xi32>, vector<16xi32>], vector<16xf32>,
          %scatter3A_258 = arith.constant 0 : i32
          %scatter3A_259 = arith.constant 0 : i32
          %scatter3A_260 = tpu.memref_slice %arg11[%scatter3A_258, %scatter3A_259] : memref<128x128xf32, #tpu.memory_space<vmem>> -> memref<128x128xf32, #tpu.memory_space<vmem>>
          tpu.vector_store_idx %scatter3A_260[%broadcast_in_dim3A_240, %add3A_253], %gather3A_257 : memref<128x128xf32, #tpu.memory_space<vmem>>[vector<16xi32>, vector<16xi32>], vector<16xf32>,
          %add3A_261 = arith.constant 32 : i32
          %add3A_262 = vector.broadcast %add3A_261 : i32 to vector<16xi32>
          %add3A_263 = arith.addi %iota3A, %add3A_262 : vector<16xi32>
          %gather3A_264 = arith.constant 0 : i32
          %gather3A_265 = arith.constant 0 : i32
          %gather3A_266 = tpu.memref_slice %arg9[%gather3A_264, %gather3A_265] : memref<64x512xf32, #tpu.memory_space<vmem>> -> memref<64x512xf32, #tpu.memory_space<vmem>>
          %gather3A_267 = tpu.vector_load_idx %gather3A_266[%add3A_263, %gather3A_236] : memref<64x512xf32, #tpu.memory_space<vmem>>[vector<16xi32>, vector<16xi32>], vector<16xf32>,
          %scatter3A_268 = arith.constant 0 : i32
          %scatter3A_269 = arith.constant 0 : i32
          %scatter3A_270 = tpu.memref_slice %arg11[%scatter3A_268, %scatter3A_269] : memref<128x128xf32, #tpu.memory_space<vmem>> -> memref<128x128xf32, #tpu.memory_space<vmem>>
          tpu.vector_store_idx %scatter3A_270[%broadcast_in_dim3A_240, %add3A_263], %gather3A_267 : memref<128x128xf32, #tpu.memory_space<vmem>>[vector<16xi32>, vector<16xi32>], vector<16xf32>,
          %add3A_271 = arith.constant 48 : i32
          %add3A_272 = vector.broadcast %add3A_271 : i32 to vector<16xi32>
          %add3A_273 = arith.addi %iota3A, %add3A_272 : vector<16xi32>
          %gather3A_274 = arith.constant 0 : i32
          %gather3A_275 = arith.constant 0 : i32
          %gather3A_276 = tpu.memref_slice %arg9[%gather3A_274, %gather3A_275] : memref<64x512xf32, #tpu.memory_space<vmem>> -> memref<64x512xf32, #tpu.memory_space<vmem>>
          %gather3A_277 = tpu.vector_load_idx %gather3A_276[%add3A_273, %gather3A_236] : memref<64x512xf32, #tpu.memory_space<vmem>>[vector<16xi32>, vector<16xi32>], vector<16xf32>,
          %scatter3A_278 = arith.constant 0 : i32
          %scatter3A_279 = arith.constant 0 : i32
          %scatter3A_280 = tpu.memref_slice %arg11[%scatter3A_278, %scatter3A_279] : memref<128x128xf32, #tpu.memory_space<vmem>> -> memref<128x128xf32, #tpu.memory_space<vmem>>
          tpu.vector_store_idx %scatter3A_280[%broadcast_in_dim3A_240, %add3A_273], %gather3A_277 : memref<128x128xf32, #tpu.memory_space<vmem>>[vector<16xi32>, vector<16xi32>], vector<16xf32>,
          %scatter3A_281 = arith.constant 0 : i32
          %scatter3A_282 = arith.constant 0 : i32
          %scatter3A_283 = tpu.memref_slice %arg12[%scatter3A_281, %scatter3A_282] : memref<1x128xi32, #tpu.memory_space<vmem>> -> memref<1x128xi32, #tpu.memory_space<vmem>>
          tpu.vector_store_idx %scatter3A_283[%broadcast_in_dim3A_1, %broadcast_in_dim3A_240], %gather3A_239 masked %eq3A_6 : memref<1x128xi32, #tpu.memory_space<vmem>>[vector<16xi32>, vector<16xi32>], vector<16xi32>, vector<16xi1>
          %add3A_284 = arith.constant 1 : i32
          %add3A_285 = arith.addi %while3A_233, %add3A_284 : i32
          %eq3A_286 = arith.constant 128 : i32
          %eq3A_287 = arith.cmpi eq, %add3A_285, %eq3A_286 : i32
          %convert_element_type3A_288 = arith.extui %eq3A_287 : i1 to i32
          %cond3A_289 = arith.constant 0 : i32
          %cond3A_290 = arith.cmpi ne, %convert_element_type3A_288, %cond3A_289 : i32
          scf.if %cond3A_290 {
            %run_scoped3A_295 = arith.constant 0 : i32
            "tpu.region"() ({
              %run_scoped3A_344 = tpu.sem_alloc : memref<!tpu.dma_semaphore, #tpu.memory_space<semaphore_mem>>
              %dma_start3A = arith.constant 0 : i32
              %dma_start3A_345 = tpu.memref_slice %arg12[%run_scoped3A_295, %dma_start3A] : memref<1x128xi32, #tpu.memory_space<vmem>> -> memref<1x128xi32, #tpu.memory_space<vmem>>
              %dma_start3A_346 = tpu.memref_squeeze %dma_start3A_345 : memref<1x128xi32, #tpu.memory_space<vmem>> -> memref<128xi32, #tpu.memory_space<vmem>>
              %dma_start3A_347 = arith.constant 0 : i32
              %dma_start3A_348 = arith.constant 0 : i32
              %dma_start3A_349 = tpu.memref_slice %arg5[%dma_start3A_347, %dma_start3A_348] : memref<16416x128xf32, #tpu.memory_space<hbm>> -> memref<16416x128xf32, #tpu.memory_space<hbm>>
              tpu.enqueue_indirect_dma source(%arg11 : memref<128x128xf32, #tpu.memory_space<vmem>>) target(%dma_start3A_349 : memref<16416x128xf32, #tpu.memory_space<hbm>>) offsets(%dma_start3A_346 : memref<128xi32, #tpu.memory_space<vmem>>) semaphore(%run_scoped3A_344 : memref<!tpu.dma_semaphore, #tpu.memory_space<semaphore_mem>>)
              %dma_wait3A = arith.constant 0 : i32
              %dma_wait3A_350 = tpu.memref_slice %arg12[%run_scoped3A_295, %dma_wait3A] : memref<1x128xi32, #tpu.memory_space<vmem>> -> memref<1x128xi32, #tpu.memory_space<vmem>>
              %dma_wait3A_351 = tpu.memref_squeeze %dma_wait3A_350 : memref<1x128xi32, #tpu.memory_space<vmem>> -> memref<128xi32, #tpu.memory_space<vmem>>
              %dma_wait3A_352 = arith.constant 0 : i32
              %dma_wait3A_353 = arith.constant 0 : i32
              %dma_wait3A_354 = tpu.memref_slice %arg5[%dma_wait3A_352, %dma_wait3A_353] : memref<16416x128xf32, #tpu.memory_space<hbm>> -> memref<16416x128xf32, #tpu.memory_space<hbm>>
              tpu.wait_indirect_dma semaphore(%run_scoped3A_344 : memref<!tpu.dma_semaphore, #tpu.memory_space<semaphore_mem>>) src(%arg11 : memref<128x128xf32, #tpu.memory_space<vmem>>) dst(%dma_wait3A_354 : memref<16416x128xf32, #tpu.memory_space<hbm>>)
              tpu.yield
            }) : () -> ()
            %add3A_296 = arith.constant 0 : i32
            %add3A_297 = vector.broadcast %add3A_296 : i32 to vector<16xi32>
            %add3A_298 = arith.addi %iota3A, %add3A_297 : vector<16xi32>
            %scatter3A_299 = arith.constant 0 : i32
            %scatter3A_300 = arith.constant 0 : i32
            %scatter3A_301 = tpu.memref_slice %arg12[%scatter3A_299, %scatter3A_300] : memref<1x128xi32, #tpu.memory_space<vmem>> -> memref<1x128xi32, #tpu.memory_space<vmem>>
            tpu.vector_store_idx %scatter3A_301[%broadcast_in_dim3A_1, %add3A_298], %broadcast_in_dim3A_4 : memref<1x128xi32, #tpu.memory_space<vmem>>[vector<16xi32>, vector<16xi32>], vector<16xi32>,
            %add3A_302 = arith.constant 16 : i32
            %add3A_303 = vector.broadcast %add3A_302 : i32 to vector<16xi32>
            %add3A_304 = arith.addi %iota3A, %add3A_303 : vector<16xi32>
            %scatter3A_305 = arith.constant 0 : i32
            %scatter3A_306 = arith.constant 0 : i32
            %scatter3A_307 = tpu.memref_slice %arg12[%scatter3A_305, %scatter3A_306] : memref<1x128xi32, #tpu.memory_space<vmem>> -> memref<1x128xi32, #tpu.memory_space<vmem>>
            tpu.vector_store_idx %scatter3A_307[%broadcast_in_dim3A_1, %add3A_304], %broadcast_in_dim3A_4 : memref<1x128xi32, #tpu.memory_space<vmem>>[vector<16xi32>, vector<16xi32>], vector<16xi32>,
            %add3A_308 = arith.constant 32 : i32
            %add3A_309 = vector.broadcast %add3A_308 : i32 to vector<16xi32>
            %add3A_310 = arith.addi %iota3A, %add3A_309 : vector<16xi32>
            %scatter3A_311 = arith.constant 0 : i32
            %scatter3A_312 = arith.constant 0 : i32
            %scatter3A_313 = tpu.memref_slice %arg12[%scatter3A_311, %scatter3A_312] : memref<1x128xi32, #tpu.memory_space<vmem>> -> memref<1x128xi32, #tpu.memory_space<vmem>>
            tpu.vector_store_idx %scatter3A_313[%broadcast_in_dim3A_1, %add3A_310], %broadcast_in_dim3A_4 : memref<1x128xi32, #tpu.memory_space<vmem>>[vector<16xi32>, vector<16xi32>], vector<16xi32>,
            %add3A_314 = arith.constant 48 : i32
            %add3A_315 = vector.broadcast %add3A_314 : i32 to vector<16xi32>
            %add3A_316 = arith.addi %iota3A, %add3A_315 : vector<16xi32>
            %scatter3A_317 = arith.constant 0 : i32
            %scatter3A_318 = arith.constant 0 : i32
            %scatter3A_319 = tpu.memref_slice %arg12[%scatter3A_317, %scatter3A_318] : memref<1x128xi32, #tpu.memory_space<vmem>> -> memref<1x128xi32, #tpu.memory_space<vmem>>
            tpu.vector_store_idx %scatter3A_319[%broadcast_in_dim3A_1, %add3A_316], %broadcast_in_dim3A_4 : memref<1x128xi32, #tpu.memory_space<vmem>>[vector<16xi32>, vector<16xi32>], vector<16xi32>,
            %add3A_320 = arith.constant 64 : i32
            %add3A_321 = vector.broadcast %add3A_320 : i32 to vector<16xi32>
            %add3A_322 = arith.addi %iota3A, %add3A_321 : vector<16xi32>
            %scatter3A_323 = arith.constant 0 : i32
            %scatter3A_324 = arith.constant 0 : i32
            %scatter3A_325 = tpu.memref_slice %arg12[%scatter3A_323, %scatter3A_324] : memref<1x128xi32, #tpu.memory_space<vmem>> -> memref<1x128xi32, #tpu.memory_space<vmem>>
            tpu.vector_store_idx %scatter3A_325[%broadcast_in_dim3A_1, %add3A_322], %broadcast_in_dim3A_4 : memref<1x128xi32, #tpu.memory_space<vmem>>[vector<16xi32>, vector<16xi32>], vector<16xi32>,
            %add3A_326 = arith.constant 80 : i32
            %add3A_327 = vector.broadcast %add3A_326 : i32 to vector<16xi32>
            %add3A_328 = arith.addi %iota3A, %add3A_327 : vector<16xi32>
            %scatter3A_329 = arith.constant 0 : i32
            %scatter3A_330 = arith.constant 0 : i32
            %scatter3A_331 = tpu.memref_slice %arg12[%scatter3A_329, %scatter3A_330] : memref<1x128xi32, #tpu.memory_space<vmem>> -> memref<1x128xi32, #tpu.memory_space<vmem>>
            tpu.vector_store_idx %scatter3A_331[%broadcast_in_dim3A_1, %add3A_328], %broadcast_in_dim3A_4 : memref<1x128xi32, #tpu.memory_space<vmem>>[vector<16xi32>, vector<16xi32>], vector<16xi32>,
            %add3A_332 = arith.constant 96 : i32
            %add3A_333 = vector.broadcast %add3A_332 : i32 to vector<16xi32>
            %add3A_334 = arith.addi %iota3A, %add3A_333 : vector<16xi32>
            %scatter3A_335 = arith.constant 0 : i32
            %scatter3A_336 = arith.constant 0 : i32
            %scatter3A_337 = tpu.memref_slice %arg12[%scatter3A_335, %scatter3A_336] : memref<1x128xi32, #tpu.memory_space<vmem>> -> memref<1x128xi32, #tpu.memory_space<vmem>>
            tpu.vector_store_idx %scatter3A_337[%broadcast_in_dim3A_1, %add3A_334], %broadcast_in_dim3A_4 : memref<1x128xi32, #tpu.memory_space<vmem>>[vector<16xi32>, vector<16xi32>], vector<16xi32>,
            %add3A_338 = arith.constant 112 : i32
            %add3A_339 = vector.broadcast %add3A_338 : i32 to vector<16xi32>
            %add3A_340 = arith.addi %iota3A, %add3A_339 : vector<16xi32>
            %scatter3A_341 = arith.constant 0 : i32
            %scatter3A_342 = arith.constant 0 : i32
            %scatter3A_343 = tpu.memref_slice %arg12[%scatter3A_341, %scatter3A_342] : memref<1x128xi32, #tpu.memory_space<vmem>> -> memref<1x128xi32, #tpu.memory_space<vmem>>
            tpu.vector_store_idx %scatter3A_343[%broadcast_in_dim3A_1, %add3A_340], %broadcast_in_dim3A_4 : memref<1x128xi32, #tpu.memory_space<vmem>>[vector<16xi32>, vector<16xi32>], vector<16xi32>,
          } else {
          }
          %eq3A_291 = arith.constant 128 : i32
          %eq3A_292 = arith.cmpi eq, %add3A_285, %eq3A_291 : i32
          %jit3A_293 = arith.constant 0 : i32
          %select_n3A_294 = arith.select %eq3A_292, %jit3A_293, %add3A_285 : i32
          scf.yield %select_n3A_294 : i32
        }
        scf.yield %while3A_231 : i32
      }
      %while3A_192 = arith.constant 1 : i32
      %while3A_193 = scf.for %while3A_194 = %while3A_189 to %while3A_185 step %while3A_192 iter_args(%while3A_195 = %while3A_191) -> (i32)  : i32 {
        %mul3A_196 = arith.constant 16 : i32
        %mul3A_197 = arith.muli %while3A_194, %mul3A_196 : i32
        %get3A = arith.index_cast %mul3A_197 : i32 to index
        %get3A_198 = tpu.vector_load %arg7[%get3A] {strides = array<i32>} : memref<16400xi32, #tpu.memory_space<vmem>>, vector<16xi32>,
        %mul3A_199 = arith.constant 16 : i32
        %mul3A_200 = arith.muli %while3A_194, %mul3A_199 : i32
        %get3A_201 = arith.index_cast %mul3A_200 : i32 to index
        %get3A_202 = tpu.vector_load %arg8[%get3A_201] {strides = array<i32>} : memref<16400xi32, #tpu.memory_space<vmem>>, vector<16xi32>,
        %mul3A_203 = arith.constant 16 : i32
        %mul3A_204 = arith.muli %while3A_194, %mul3A_203 : i32
        %add3A_205 = vector.broadcast %mul3A_204 : i32 to vector<16xi32>
        %add3A_206 = arith.addi %iota3A, %add3A_205 : vector<16xi32>
        %lt3A_207 = vector.broadcast %scan3A_75 : i32 to vector<16xi32>
        %lt3A_208 = arith.cmpi slt, %add3A_206, %lt3A_207 : vector<16xi32>
        %ge3A = vector.broadcast %multiple_of3A : i32 to vector<16xi32>
        %ge3A_209 = arith.cmpi sge, %get3A_198, %ge3A : vector<16xi32>
        %and3A_210 = arith.andi %lt3A_208, %ge3A_209 : vector<16xi1>
        %add3A_211 = arith.constant 512 : i32
        %add3A_212 = arith.addi %multiple_of3A, %add3A_211 : i32
        %lt3A_213 = vector.broadcast %add3A_212 : i32 to vector<16xi32>
        %lt3A_214 = arith.cmpi slt, %get3A_198, %lt3A_213 : vector<16xi32>
        %and3A_215 = arith.andi %and3A_210, %lt3A_214 : vector<16xi1>
        %all_reduce_population_count3A = tpu.all_reduce %and3A_215 {dim = 0 : i64, kind = #tpu.reduction_kind<sum>} : vector<16xi1> -> vector<16xi32>
        %slice3A = vector.extract_strided_slice %all_reduce_population_count3A {offsets = [0], sizes = [1], strides = [1]} : vector<16xi32> to vector<1xi32>
        %squeeze3A = vector.extract %slice3A[0] : i32 from vector<1xi32>
        %sub3A_216 = vector.broadcast %multiple_of3A : i32 to vector<16xi32>
        %sub3A_217 = arith.subi %get3A_198, %sub3A_216 : vector<16xi32>
        %swap3A = arith.constant 0 : index
        %swap3A_218 = tpu.vector_load %arg13[%swap3A] masked %and3A_215 {strides = array<i32>} : memref<16xi32, #tpu.memory_space<vmem>>, vector<16xi32>, vector<16xi1>
        tpu.vector_store %arg13[%swap3A], %sub3A_217 masked %and3A_215 {strides = array<i32>} : memref<16xi32, #tpu.memory_space<vmem>>, vector<16xi32>, vector<16xi1>
        %swap3A_219 = arith.constant 0 : index
        %swap3A_220 = tpu.vector_load %arg14[%swap3A_219] masked %and3A_215 {strides = array<i32>} : memref<16xi32, #tpu.memory_space<vmem>>, vector<16xi32>, vector<16xi1>
        tpu.vector_store %arg14[%swap3A_219], %get3A_202 masked %and3A_215 {strides = array<i32>} : memref<16xi32, #tpu.memory_space<vmem>>, vector<16xi32>, vector<16xi1>
        %while3A_221 = arith.constant 0 : i32
        %while3A_222 = arith.subi %squeeze3A, %while3A_221 : i32
        %while3A_223 = arith.addi %while3A_221, %while3A_222 : i32
        %while3A_224 = arith.constant 1 : i32
        %while3A_225 = arith.divsi %while3A_222, %while3A_224 : i32
        %while3A_226 = arith.muli %while3A_225, %while3A_224 : i32
        %while3A_227 = arith.addi %while3A_221, %while3A_226 : i32
        %while3A_228 = arith.constant 1 : i32
        %while3A_229 = scf.for %while3A_232 = %while3A_221 to %while3A_227 step %while3A_228 iter_args(%while3A_233 = %while3A_195) -> (i32)  : i32 {
          %broadcast_in_dim3A_234 = vector.broadcast %while3A_232 : i32 to vector<16xi32>
          %gather3A = arith.constant 0 : i32
          %gather3A_235 = tpu.memref_slice %arg13[%gather3A] : memref<16xi32, #tpu.memory_space<vmem>> -> memref<16xi32, #tpu.memory_space<vmem>>
          %gather3A_236 = tpu.vector_load_idx %gather3A_235[%broadcast_in_dim3A_234] : memref<16xi32, #tpu.memory_space<vmem>>[vector<16xi32>], vector<16xi32>,
          %gather3A_237 = arith.constant 0 : i32
          %gather3A_238 = tpu.memref_slice %arg14[%gather3A_237] : memref<16xi32, #tpu.memory_space<vmem>> -> memref<16xi32, #tpu.memory_space<vmem>>
          %gather3A_239 = tpu.vector_load_idx %gather3A_238[%broadcast_in_dim3A_234] : memref<16xi32, #tpu.memory_space<vmem>>[vector<16xi32>], vector<16xi32>,
          %broadcast_in_dim3A_240 = vector.broadcast %while3A_233 : i32 to vector<16xi32>
          %add3A_241 = arith.constant 0 : i32
          %add3A_242 = vector.broadcast %add3A_241 : i32 to vector<16xi32>
          %add3A_243 = arith.addi %iota3A, %add3A_242 : vector<16xi32>
          %gather3A_244 = arith.constant 0 : i32
          %gather3A_245 = arith.constant 0 : i32
          %gather3A_246 = tpu.memref_slice %arg9[%gather3A_244, %gather3A_245] : memref<64x512xf32, #tpu.memory_space<vmem>> -> memref<64x512xf32, #tpu.memory_space<vmem>>
          %gather3A_247 = tpu.vector_load_idx %gather3A_246[%add3A_243, %gather3A_236] : memref<64x512xf32, #tpu.memory_space<vmem>>[vector<16xi32>, vector<16xi32>], vector<16xf32>,
          %scatter3A_248 = arith.constant 0 : i32
          %scatter3A_249 = arith.constant 0 : i32
          %scatter3A_250 = tpu.memref_slice %arg11[%scatter3A_248, %scatter3A_249] : memref<128x128xf32, #tpu.memory_space<vmem>> -> memref<128x128xf32, #tpu.memory_space<vmem>>
          tpu.vector_store_idx %scatter3A_250[%broadcast_in_dim3A_240, %add3A_243], %gather3A_247 : memref<128x128xf32, #tpu.memory_space<vmem>>[vector<16xi32>, vector<16xi32>], vector<16xf32>,
          %add3A_251 = arith.constant 16 : i32
          %add3A_252 = vector.broadcast %add3A_251 : i32 to vector<16xi32>
          %add3A_253 = arith.addi %iota3A, %add3A_252 : vector<16xi32>
          %gather3A_254 = arith.constant 0 : i32
          %gather3A_255 = arith.constant 0 : i32
          %gather3A_256 = tpu.memref_slice %arg9[%gather3A_254, %gather3A_255] : memref<64x512xf32, #tpu.memory_space<vmem>> -> memref<64x512xf32, #tpu.memory_space<vmem>>
          %gather3A_257 = tpu.vector_load_idx %gather3A_256[%add3A_253, %gather3A_236] : memref<64x512xf32, #tpu.memory_space<vmem>>[vector<16xi32>, vector<16xi32>], vector<16xf32>,
          %scatter3A_258 = arith.constant 0 : i32
          %scatter3A_259 = arith.constant 0 : i32
          %scatter3A_260 = tpu.memref_slice %arg11[%scatter3A_258, %scatter3A_259] : memref<128x128xf32, #tpu.memory_space<vmem>> -> memref<128x128xf32, #tpu.memory_space<vmem>>
          tpu.vector_store_idx %scatter3A_260[%broadcast_in_dim3A_240, %add3A_253], %gather3A_257 : memref<128x128xf32, #tpu.memory_space<vmem>>[vector<16xi32>, vector<16xi32>], vector<16xf32>,
          %add3A_261 = arith.constant 32 : i32
          %add3A_262 = vector.broadcast %add3A_261 : i32 to vector<16xi32>
          %add3A_263 = arith.addi %iota3A, %add3A_262 : vector<16xi32>
          %gather3A_264 = arith.constant 0 : i32
          %gather3A_265 = arith.constant 0 : i32
          %gather3A_266 = tpu.memref_slice %arg9[%gather3A_264, %gather3A_265] : memref<64x512xf32, #tpu.memory_space<vmem>> -> memref<64x512xf32, #tpu.memory_space<vmem>>
          %gather3A_267 = tpu.vector_load_idx %gather3A_266[%add3A_263, %gather3A_236] : memref<64x512xf32, #tpu.memory_space<vmem>>[vector<16xi32>, vector<16xi32>], vector<16xf32>,
          %scatter3A_268 = arith.constant 0 : i32
          %scatter3A_269 = arith.constant 0 : i32
          %scatter3A_270 = tpu.memref_slice %arg11[%scatter3A_268, %scatter3A_269] : memref<128x128xf32, #tpu.memory_space<vmem>> -> memref<128x128xf32, #tpu.memory_space<vmem>>
          tpu.vector_store_idx %scatter3A_270[%broadcast_in_dim3A_240, %add3A_263], %gather3A_267 : memref<128x128xf32, #tpu.memory_space<vmem>>[vector<16xi32>, vector<16xi32>], vector<16xf32>,
          %add3A_271 = arith.constant 48 : i32
          %add3A_272 = vector.broadcast %add3A_271 : i32 to vector<16xi32>
          %add3A_273 = arith.addi %iota3A, %add3A_272 : vector<16xi32>
          %gather3A_274 = arith.constant 0 : i32
          %gather3A_275 = arith.constant 0 : i32
          %gather3A_276 = tpu.memref_slice %arg9[%gather3A_274, %gather3A_275] : memref<64x512xf32, #tpu.memory_space<vmem>> -> memref<64x512xf32, #tpu.memory_space<vmem>>
          %gather3A_277 = tpu.vector_load_idx %gather3A_276[%add3A_273, %gather3A_236] : memref<64x512xf32, #tpu.memory_space<vmem>>[vector<16xi32>, vector<16xi32>], vector<16xf32>,
          %scatter3A_278 = arith.constant 0 : i32
          %scatter3A_279 = arith.constant 0 : i32
          %scatter3A_280 = tpu.memref_slice %arg11[%scatter3A_278, %scatter3A_279] : memref<128x128xf32, #tpu.memory_space<vmem>> -> memref<128x128xf32, #tpu.memory_space<vmem>>
          tpu.vector_store_idx %scatter3A_280[%broadcast_in_dim3A_240, %add3A_273], %gather3A_277 : memref<128x128xf32, #tpu.memory_space<vmem>>[vector<16xi32>, vector<16xi32>], vector<16xf32>,
          %scatter3A_281 = arith.constant 0 : i32
          %scatter3A_282 = arith.constant 0 : i32
          %scatter3A_283 = tpu.memref_slice %arg12[%scatter3A_281, %scatter3A_282] : memref<1x128xi32, #tpu.memory_space<vmem>> -> memref<1x128xi32, #tpu.memory_space<vmem>>
          tpu.vector_store_idx %scatter3A_283[%broadcast_in_dim3A_1, %broadcast_in_dim3A_240], %gather3A_239 masked %eq3A_6 : memref<1x128xi32, #tpu.memory_space<vmem>>[vector<16xi32>, vector<16xi32>], vector<16xi32>, vector<16xi1>
          %add3A_284 = arith.constant 1 : i32
          %add3A_285 = arith.addi %while3A_233, %add3A_284 : i32
          %eq3A_286 = arith.constant 128 : i32
          %eq3A_287 = arith.cmpi eq, %add3A_285, %eq3A_286 : i32
          %convert_element_type3A_288 = arith.extui %eq3A_287 : i1 to i32
          %cond3A_289 = arith.constant 0 : i32
          %cond3A_290 = arith.cmpi ne, %convert_element_type3A_288, %cond3A_289 : i32
          scf.if %cond3A_290 {
            %run_scoped3A_295 = arith.constant 0 : i32
            "tpu.region"() ({
              %run_scoped3A_344 = tpu.sem_alloc : memref<!tpu.dma_semaphore, #tpu.memory_space<semaphore_mem>>
              %dma_start3A = arith.constant 0 : i32
              %dma_start3A_345 = tpu.memref_slice %arg12[%run_scoped3A_295, %dma_start3A] : memref<1x128xi32, #tpu.memory_space<vmem>> -> memref<1x128xi32, #tpu.memory_space<vmem>>
              %dma_start3A_346 = tpu.memref_squeeze %dma_start3A_345 : memref<1x128xi32, #tpu.memory_space<vmem>> -> memref<128xi32, #tpu.memory_space<vmem>>
              %dma_start3A_347 = arith.constant 0 : i32
              %dma_start3A_348 = arith.constant 0 : i32
              %dma_start3A_349 = tpu.memref_slice %arg5[%dma_start3A_347, %dma_start3A_348] : memref<16416x128xf32, #tpu.memory_space<hbm>> -> memref<16416x128xf32, #tpu.memory_space<hbm>>
              tpu.enqueue_indirect_dma source(%arg11 : memref<128x128xf32, #tpu.memory_space<vmem>>) target(%dma_start3A_349 : memref<16416x128xf32, #tpu.memory_space<hbm>>) offsets(%dma_start3A_346 : memref<128xi32, #tpu.memory_space<vmem>>) semaphore(%run_scoped3A_344 : memref<!tpu.dma_semaphore, #tpu.memory_space<semaphore_mem>>)
              %dma_wait3A = arith.constant 0 : i32
              %dma_wait3A_350 = tpu.memref_slice %arg12[%run_scoped3A_295, %dma_wait3A] : memref<1x128xi32, #tpu.memory_space<vmem>> -> memref<1x128xi32, #tpu.memory_space<vmem>>
              %dma_wait3A_351 = tpu.memref_squeeze %dma_wait3A_350 : memref<1x128xi32, #tpu.memory_space<vmem>> -> memref<128xi32, #tpu.memory_space<vmem>>
              %dma_wait3A_352 = arith.constant 0 : i32
              %dma_wait3A_353 = arith.constant 0 : i32
              %dma_wait3A_354 = tpu.memref_slice %arg5[%dma_wait3A_352, %dma_wait3A_353] : memref<16416x128xf32, #tpu.memory_space<hbm>> -> memref<16416x128xf32, #tpu.memory_space<hbm>>
              tpu.wait_indirect_dma semaphore(%run_scoped3A_344 : memref<!tpu.dma_semaphore, #tpu.memory_space<semaphore_mem>>) src(%arg11 : memref<128x128xf32, #tpu.memory_space<vmem>>) dst(%dma_wait3A_354 : memref<16416x128xf32, #tpu.memory_space<hbm>>)
              tpu.yield
            }) : () -> ()
            %add3A_296 = arith.constant 0 : i32
            %add3A_297 = vector.broadcast %add3A_296 : i32 to vector<16xi32>
            %add3A_298 = arith.addi %iota3A, %add3A_297 : vector<16xi32>
            %scatter3A_299 = arith.constant 0 : i32
            %scatter3A_300 = arith.constant 0 : i32
            %scatter3A_301 = tpu.memref_slice %arg12[%scatter3A_299, %scatter3A_300] : memref<1x128xi32, #tpu.memory_space<vmem>> -> memref<1x128xi32, #tpu.memory_space<vmem>>
            tpu.vector_store_idx %scatter3A_301[%broadcast_in_dim3A_1, %add3A_298], %broadcast_in_dim3A_4 : memref<1x128xi32, #tpu.memory_space<vmem>>[vector<16xi32>, vector<16xi32>], vector<16xi32>,
            %add3A_302 = arith.constant 16 : i32
            %add3A_303 = vector.broadcast %add3A_302 : i32 to vector<16xi32>
            %add3A_304 = arith.addi %iota3A, %add3A_303 : vector<16xi32>
            %scatter3A_305 = arith.constant 0 : i32
            %scatter3A_306 = arith.constant 0 : i32
            %scatter3A_307 = tpu.memref_slice %arg12[%scatter3A_305, %scatter3A_306] : memref<1x128xi32, #tpu.memory_space<vmem>> -> memref<1x128xi32, #tpu.memory_space<vmem>>
            tpu.vector_store_idx %scatter3A_307[%broadcast_in_dim3A_1, %add3A_304], %broadcast_in_dim3A_4 : memref<1x128xi32, #tpu.memory_space<vmem>>[vector<16xi32>, vector<16xi32>], vector<16xi32>,
            %add3A_308 = arith.constant 32 : i32
            %add3A_309 = vector.broadcast %add3A_308 : i32 to vector<16xi32>
            %add3A_310 = arith.addi %iota3A, %add3A_309 : vector<16xi32>
            %scatter3A_311 = arith.constant 0 : i32
            %scatter3A_312 = arith.constant 0 : i32
            %scatter3A_313 = tpu.memref_slice %arg12[%scatter3A_311, %scatter3A_312] : memref<1x128xi32, #tpu.memory_space<vmem>> -> memref<1x128xi32, #tpu.memory_space<vmem>>
            tpu.vector_store_idx %scatter3A_313[%broadcast_in_dim3A_1, %add3A_310], %broadcast_in_dim3A_4 : memref<1x128xi32, #tpu.memory_space<vmem>>[vector<16xi32>, vector<16xi32>], vector<16xi32>,
            %add3A_314 = arith.constant 48 : i32
            %add3A_315 = vector.broadcast %add3A_314 : i32 to vector<16xi32>
            %add3A_316 = arith.addi %iota3A, %add3A_315 : vector<16xi32>
            %scatter3A_317 = arith.constant 0 : i32
            %scatter3A_318 = arith.constant 0 : i32
            %scatter3A_319 = tpu.memref_slice %arg12[%scatter3A_317, %scatter3A_318] : memref<1x128xi32, #tpu.memory_space<vmem>> -> memref<1x128xi32, #tpu.memory_space<vmem>>
            tpu.vector_store_idx %scatter3A_319[%broadcast_in_dim3A_1, %add3A_316], %broadcast_in_dim3A_4 : memref<1x128xi32, #tpu.memory_space<vmem>>[vector<16xi32>, vector<16xi32>], vector<16xi32>,
            %add3A_320 = arith.constant 64 : i32
            %add3A_321 = vector.broadcast %add3A_320 : i32 to vector<16xi32>
            %add3A_322 = arith.addi %iota3A, %add3A_321 : vector<16xi32>
            %scatter3A_323 = arith.constant 0 : i32
            %scatter3A_324 = arith.constant 0 : i32
            %scatter3A_325 = tpu.memref_slice %arg12[%scatter3A_323, %scatter3A_324] : memref<1x128xi32, #tpu.memory_space<vmem>> -> memref<1x128xi32, #tpu.memory_space<vmem>>
            tpu.vector_store_idx %scatter3A_325[%broadcast_in_dim3A_1, %add3A_322], %broadcast_in_dim3A_4 : memref<1x128xi32, #tpu.memory_space<vmem>>[vector<16xi32>, vector<16xi32>], vector<16xi32>,
            %add3A_326 = arith.constant 80 : i32
            %add3A_327 = vector.broadcast %add3A_326 : i32 to vector<16xi32>
            %add3A_328 = arith.addi %iota3A, %add3A_327 : vector<16xi32>
            %scatter3A_329 = arith.constant 0 : i32
            %scatter3A_330 = arith.constant 0 : i32
            %scatter3A_331 = tpu.memref_slice %arg12[%scatter3A_329, %scatter3A_330] : memref<1x128xi32, #tpu.memory_space<vmem>> -> memref<1x128xi32, #tpu.memory_space<vmem>>
            tpu.vector_store_idx %scatter3A_331[%broadcast_in_dim3A_1, %add3A_328], %broadcast_in_dim3A_4 : memref<1x128xi32, #tpu.memory_space<vmem>>[vector<16xi32>, vector<16xi32>], vector<16xi32>,
            %add3A_332 = arith.constant 96 : i32
            %add3A_333 = vector.broadcast %add3A_332 : i32 to vector<16xi32>
            %add3A_334 = arith.addi %iota3A, %add3A_333 : vector<16xi32>
            %scatter3A_335 = arith.constant 0 : i32
            %scatter3A_336 = arith.constant 0 : i32
            %scatter3A_337 = tpu.memref_slice %arg12[%scatter3A_335, %scatter3A_336] : memref<1x128xi32, #tpu.memory_space<vmem>> -> memref<1x128xi32, #tpu.memory_space<vmem>>
            tpu.vector_store_idx %scatter3A_337[%broadcast_in_dim3A_1, %add3A_334], %broadcast_in_dim3A_4 : memref<1x128xi32, #tpu.memory_space<vmem>>[vector<16xi32>, vector<16xi32>], vector<16xi32>,
            %add3A_338 = arith.constant 112 : i32
            %add3A_339 = vector.broadcast %add3A_338 : i32 to vector<16xi32>
            %add3A_340 = arith.addi %iota3A, %add3A_339 : vector<16xi32>
            %scatter3A_341 = arith.constant 0 : i32
            %scatter3A_342 = arith.constant 0 : i32
            %scatter3A_343 = tpu.memref_slice %arg12[%scatter3A_341, %scatter3A_342] : memref<1x128xi32, #tpu.memory_space<vmem>> -> memref<1x128xi32, #tpu.memory_space<vmem>>
            tpu.vector_store_idx %scatter3A_343[%broadcast_in_dim3A_1, %add3A_340], %broadcast_in_dim3A_4 : memref<1x128xi32, #tpu.memory_space<vmem>>[vector<16xi32>, vector<16xi32>], vector<16xi32>,
          } else {
          }
          %eq3A_291 = arith.constant 128 : i32
          %eq3A_292 = arith.cmpi eq, %add3A_285, %eq3A_291 : i32
          %jit3A_293 = arith.constant 0 : i32
          %select_n3A_294 = arith.select %eq3A_292, %jit3A_293, %add3A_285 : i32
          scf.yield %select_n3A_294 : i32
        }
        %while3A_230 = arith.constant 1 : i32
        %while3A_231 = scf.for %while3A_232 = %while3A_227 to %while3A_223 step %while3A_230 iter_args(%while3A_233 = %while3A_229) -> (i32)  : i32 {
          %broadcast_in_dim3A_234 = vector.broadcast %while3A_232 : i32 to vector<16xi32>
          %gather3A = arith.constant 0 : i32
          %gather3A_235 = tpu.memref_slice %arg13[%gather3A] : memref<16xi32, #tpu.memory_space<vmem>> -> memref<16xi32, #tpu.memory_space<vmem>>
          %gather3A_236 = tpu.vector_load_idx %gather3A_235[%broadcast_in_dim3A_234] : memref<16xi32, #tpu.memory_space<vmem>>[vector<16xi32>], vector<16xi32>,
          %gather3A_237 = arith.constant 0 : i32
          %gather3A_238 = tpu.memref_slice %arg14[%gather3A_237] : memref<16xi32, #tpu.memory_space<vmem>> -> memref<16xi32, #tpu.memory_space<vmem>>
          %gather3A_239 = tpu.vector_load_idx %gather3A_238[%broadcast_in_dim3A_234] : memref<16xi32, #tpu.memory_space<vmem>>[vector<16xi32>], vector<16xi32>,
          %broadcast_in_dim3A_240 = vector.broadcast %while3A_233 : i32 to vector<16xi32>
          %add3A_241 = arith.constant 0 : i32
          %add3A_242 = vector.broadcast %add3A_241 : i32 to vector<16xi32>
          %add3A_243 = arith.addi %iota3A, %add3A_242 : vector<16xi32>
          %gather3A_244 = arith.constant 0 : i32
          %gather3A_245 = arith.constant 0 : i32
          %gather3A_246 = tpu.memref_slice %arg9[%gather3A_244, %gather3A_245] : memref<64x512xf32, #tpu.memory_space<vmem>> -> memref<64x512xf32, #tpu.memory_space<vmem>>
          %gather3A_247 = tpu.vector_load_idx %gather3A_246[%add3A_243, %gather3A_236] : memref<64x512xf32, #tpu.memory_space<vmem>>[vector<16xi32>, vector<16xi32>], vector<16xf32>,
          %scatter3A_248 = arith.constant 0 : i32
          %scatter3A_249 = arith.constant 0 : i32
          %scatter3A_250 = tpu.memref_slice %arg11[%scatter3A_248, %scatter3A_249] : memref<128x128xf32, #tpu.memory_space<vmem>> -> memref<128x128xf32, #tpu.memory_space<vmem>>
          tpu.vector_store_idx %scatter3A_250[%broadcast_in_dim3A_240, %add3A_243], %gather3A_247 : memref<128x128xf32, #tpu.memory_space<vmem>>[vector<16xi32>, vector<16xi32>], vector<16xf32>,
          %add3A_251 = arith.constant 16 : i32
          %add3A_252 = vector.broadcast %add3A_251 : i32 to vector<16xi32>
          %add3A_253 = arith.addi %iota3A, %add3A_252 : vector<16xi32>
          %gather3A_254 = arith.constant 0 : i32
          %gather3A_255 = arith.constant 0 : i32
          %gather3A_256 = tpu.memref_slice %arg9[%gather3A_254, %gather3A_255] : memref<64x512xf32, #tpu.memory_space<vmem>> -> memref<64x512xf32, #tpu.memory_space<vmem>>
          %gather3A_257 = tpu.vector_load_idx %gather3A_256[%add3A_253, %gather3A_236] : memref<64x512xf32, #tpu.memory_space<vmem>>[vector<16xi32>, vector<16xi32>], vector<16xf32>,
          %scatter3A_258 = arith.constant 0 : i32
          %scatter3A_259 = arith.constant 0 : i32
          %scatter3A_260 = tpu.memref_slice %arg11[%scatter3A_258, %scatter3A_259] : memref<128x128xf32, #tpu.memory_space<vmem>> -> memref<128x128xf32, #tpu.memory_space<vmem>>
          tpu.vector_store_idx %scatter3A_260[%broadcast_in_dim3A_240, %add3A_253], %gather3A_257 : memref<128x128xf32, #tpu.memory_space<vmem>>[vector<16xi32>, vector<16xi32>], vector<16xf32>,
          %add3A_261 = arith.constant 32 : i32
          %add3A_262 = vector.broadcast %add3A_261 : i32 to vector<16xi32>
          %add3A_263 = arith.addi %iota3A, %add3A_262 : vector<16xi32>
          %gather3A_264 = arith.constant 0 : i32
          %gather3A_265 = arith.constant 0 : i32
          %gather3A_266 = tpu.memref_slice %arg9[%gather3A_264, %gather3A_265] : memref<64x512xf32, #tpu.memory_space<vmem>> -> memref<64x512xf32, #tpu.memory_space<vmem>>
          %gather3A_267 = tpu.vector_load_idx %gather3A_266[%add3A_263, %gather3A_236] : memref<64x512xf32, #tpu.memory_space<vmem>>[vector<16xi32>, vector<16xi32>], vector<16xf32>,
          %scatter3A_268 = arith.constant 0 : i32
          %scatter3A_269 = arith.constant 0 : i32
          %scatter3A_270 = tpu.memref_slice %arg11[%scatter3A_268, %scatter3A_269] : memref<128x128xf32, #tpu.memory_space<vmem>> -> memref<128x128xf32, #tpu.memory_space<vmem>>
          tpu.vector_store_idx %scatter3A_270[%broadcast_in_dim3A_240, %add3A_263], %gather3A_267 : memref<128x128xf32, #tpu.memory_space<vmem>>[vector<16xi32>, vector<16xi32>], vector<16xf32>,
          %add3A_271 = arith.constant 48 : i32
          %add3A_272 = vector.broadcast %add3A_271 : i32 to vector<16xi32>
          %add3A_273 = arith.addi %iota3A, %add3A_272 : vector<16xi32>
          %gather3A_274 = arith.constant 0 : i32
          %gather3A_275 = arith.constant 0 : i32
          %gather3A_276 = tpu.memref_slice %arg9[%gather3A_274, %gather3A_275] : memref<64x512xf32, #tpu.memory_space<vmem>> -> memref<64x512xf32, #tpu.memory_space<vmem>>
          %gather3A_277 = tpu.vector_load_idx %gather3A_276[%add3A_273, %gather3A_236] : memref<64x512xf32, #tpu.memory_space<vmem>>[vector<16xi32>, vector<16xi32>], vector<16xf32>,
          %scatter3A_278 = arith.constant 0 : i32
          %scatter3A_279 = arith.constant 0 : i32
          %scatter3A_280 = tpu.memref_slice %arg11[%scatter3A_278, %scatter3A_279] : memref<128x128xf32, #tpu.memory_space<vmem>> -> memref<128x128xf32, #tpu.memory_space<vmem>>
          tpu.vector_store_idx %scatter3A_280[%broadcast_in_dim3A_240, %add3A_273], %gather3A_277 : memref<128x128xf32, #tpu.memory_space<vmem>>[vector<16xi32>, vector<16xi32>], vector<16xf32>,
          %scatter3A_281 = arith.constant 0 : i32
          %scatter3A_282 = arith.constant 0 : i32
          %scatter3A_283 = tpu.memref_slice %arg12[%scatter3A_281, %scatter3A_282] : memref<1x128xi32, #tpu.memory_space<vmem>> -> memref<1x128xi32, #tpu.memory_space<vmem>>
          tpu.vector_store_idx %scatter3A_283[%broadcast_in_dim3A_1, %broadcast_in_dim3A_240], %gather3A_239 masked %eq3A_6 : memref<1x128xi32, #tpu.memory_space<vmem>>[vector<16xi32>, vector<16xi32>], vector<16xi32>, vector<16xi1>
          %add3A_284 = arith.constant 1 : i32
          %add3A_285 = arith.addi %while3A_233, %add3A_284 : i32
          %eq3A_286 = arith.constant 128 : i32
          %eq3A_287 = arith.cmpi eq, %add3A_285, %eq3A_286 : i32
          %convert_element_type3A_288 = arith.extui %eq3A_287 : i1 to i32
          %cond3A_289 = arith.constant 0 : i32
          %cond3A_290 = arith.cmpi ne, %convert_element_type3A_288, %cond3A_289 : i32
          scf.if %cond3A_290 {
            %run_scoped3A_295 = arith.constant 0 : i32
            "tpu.region"() ({
              %run_scoped3A_344 = tpu.sem_alloc : memref<!tpu.dma_semaphore, #tpu.memory_space<semaphore_mem>>
              %dma_start3A = arith.constant 0 : i32
              %dma_start3A_345 = tpu.memref_slice %arg12[%run_scoped3A_295, %dma_start3A] : memref<1x128xi32, #tpu.memory_space<vmem>> -> memref<1x128xi32, #tpu.memory_space<vmem>>
              %dma_start3A_346 = tpu.memref_squeeze %dma_start3A_345 : memref<1x128xi32, #tpu.memory_space<vmem>> -> memref<128xi32, #tpu.memory_space<vmem>>
              %dma_start3A_347 = arith.constant 0 : i32
              %dma_start3A_348 = arith.constant 0 : i32
              %dma_start3A_349 = tpu.memref_slice %arg5[%dma_start3A_347, %dma_start3A_348] : memref<16416x128xf32, #tpu.memory_space<hbm>> -> memref<16416x128xf32, #tpu.memory_space<hbm>>
              tpu.enqueue_indirect_dma source(%arg11 : memref<128x128xf32, #tpu.memory_space<vmem>>) target(%dma_start3A_349 : memref<16416x128xf32, #tpu.memory_space<hbm>>) offsets(%dma_start3A_346 : memref<128xi32, #tpu.memory_space<vmem>>) semaphore(%run_scoped3A_344 : memref<!tpu.dma_semaphore, #tpu.memory_space<semaphore_mem>>)
              %dma_wait3A = arith.constant 0 : i32
              %dma_wait3A_350 = tpu.memref_slice %arg12[%run_scoped3A_295, %dma_wait3A] : memref<1x128xi32, #tpu.memory_space<vmem>> -> memref<1x128xi32, #tpu.memory_space<vmem>>
              %dma_wait3A_351 = tpu.memref_squeeze %dma_wait3A_350 : memref<1x128xi32, #tpu.memory_space<vmem>> -> memref<128xi32, #tpu.memory_space<vmem>>
              %dma_wait3A_352 = arith.constant 0 : i32
              %dma_wait3A_353 = arith.constant 0 : i32
              %dma_wait3A_354 = tpu.memref_slice %arg5[%dma_wait3A_352, %dma_wait3A_353] : memref<16416x128xf32, #tpu.memory_space<hbm>> -> memref<16416x128xf32, #tpu.memory_space<hbm>>
              tpu.wait_indirect_dma semaphore(%run_scoped3A_344 : memref<!tpu.dma_semaphore, #tpu.memory_space<semaphore_mem>>) src(%arg11 : memref<128x128xf32, #tpu.memory_space<vmem>>) dst(%dma_wait3A_354 : memref<16416x128xf32, #tpu.memory_space<hbm>>)
              tpu.yield
            }) : () -> ()
            %add3A_296 = arith.constant 0 : i32
            %add3A_297 = vector.broadcast %add3A_296 : i32 to vector<16xi32>
            %add3A_298 = arith.addi %iota3A, %add3A_297 : vector<16xi32>
            %scatter3A_299 = arith.constant 0 : i32
            %scatter3A_300 = arith.constant 0 : i32
            %scatter3A_301 = tpu.memref_slice %arg12[%scatter3A_299, %scatter3A_300] : memref<1x128xi32, #tpu.memory_space<vmem>> -> memref<1x128xi32, #tpu.memory_space<vmem>>
            tpu.vector_store_idx %scatter3A_301[%broadcast_in_dim3A_1, %add3A_298], %broadcast_in_dim3A_4 : memref<1x128xi32, #tpu.memory_space<vmem>>[vector<16xi32>, vector<16xi32>], vector<16xi32>,
            %add3A_302 = arith.constant 16 : i32
            %add3A_303 = vector.broadcast %add3A_302 : i32 to vector<16xi32>
            %add3A_304 = arith.addi %iota3A, %add3A_303 : vector<16xi32>
            %scatter3A_305 = arith.constant 0 : i32
            %scatter3A_306 = arith.constant 0 : i32
            %scatter3A_307 = tpu.memref_slice %arg12[%scatter3A_305, %scatter3A_306] : memref<1x128xi32, #tpu.memory_space<vmem>> -> memref<1x128xi32, #tpu.memory_space<vmem>>
            tpu.vector_store_idx %scatter3A_307[%broadcast_in_dim3A_1, %add3A_304], %broadcast_in_dim3A_4 : memref<1x128xi32, #tpu.memory_space<vmem>>[vector<16xi32>, vector<16xi32>], vector<16xi32>,
            %add3A_308 = arith.constant 32 : i32
            %add3A_309 = vector.broadcast %add3A_308 : i32 to vector<16xi32>
            %add3A_310 = arith.addi %iota3A, %add3A_309 : vector<16xi32>
            %scatter3A_311 = arith.constant 0 : i32
            %scatter3A_312 = arith.constant 0 : i32
            %scatter3A_313 = tpu.memref_slice %arg12[%scatter3A_311, %scatter3A_312] : memref<1x128xi32, #tpu.memory_space<vmem>> -> memref<1x128xi32, #tpu.memory_space<vmem>>
            tpu.vector_store_idx %scatter3A_313[%broadcast_in_dim3A_1, %add3A_310], %broadcast_in_dim3A_4 : memref<1x128xi32, #tpu.memory_space<vmem>>[vector<16xi32>, vector<16xi32>], vector<16xi32>,
            %add3A_314 = arith.constant 48 : i32
            %add3A_315 = vector.broadcast %add3A_314 : i32 to vector<16xi32>
            %add3A_316 = arith.addi %iota3A, %add3A_315 : vector<16xi32>
            %scatter3A_317 = arith.constant 0 : i32
            %scatter3A_318 = arith.constant 0 : i32
            %scatter3A_319 = tpu.memref_slice %arg12[%scatter3A_317, %scatter3A_318] : memref<1x128xi32, #tpu.memory_space<vmem>> -> memref<1x128xi32, #tpu.memory_space<vmem>>
            tpu.vector_store_idx %scatter3A_319[%broadcast_in_dim3A_1, %add3A_316], %broadcast_in_dim3A_4 : memref<1x128xi32, #tpu.memory_space<vmem>>[vector<16xi32>, vector<16xi32>], vector<16xi32>,
            %add3A_320 = arith.constant 64 : i32
            %add3A_321 = vector.broadcast %add3A_320 : i32 to vector<16xi32>
            %add3A_322 = arith.addi %iota3A, %add3A_321 : vector<16xi32>
            %scatter3A_323 = arith.constant 0 : i32
            %scatter3A_324 = arith.constant 0 : i32
            %scatter3A_325 = tpu.memref_slice %arg12[%scatter3A_323, %scatter3A_324] : memref<1x128xi32, #tpu.memory_space<vmem>> -> memref<1x128xi32, #tpu.memory_space<vmem>>
            tpu.vector_store_idx %scatter3A_325[%broadcast_in_dim3A_1, %add3A_322], %broadcast_in_dim3A_4 : memref<1x128xi32, #tpu.memory_space<vmem>>[vector<16xi32>, vector<16xi32>], vector<16xi32>,
            %add3A_326 = arith.constant 80 : i32
            %add3A_327 = vector.broadcast %add3A_326 : i32 to vector<16xi32>
            %add3A_328 = arith.addi %iota3A, %add3A_327 : vector<16xi32>
            %scatter3A_329 = arith.constant 0 : i32
            %scatter3A_330 = arith.constant 0 : i32
            %scatter3A_331 = tpu.memref_slice %arg12[%scatter3A_329, %scatter3A_330] : memref<1x128xi32, #tpu.memory_space<vmem>> -> memref<1x128xi32, #tpu.memory_space<vmem>>
            tpu.vector_store_idx %scatter3A_331[%broadcast_in_dim3A_1, %add3A_328], %broadcast_in_dim3A_4 : memref<1x128xi32, #tpu.memory_space<vmem>>[vector<16xi32>, vector<16xi32>], vector<16xi32>,
            %add3A_332 = arith.constant 96 : i32
            %add3A_333 = vector.broadcast %add3A_332 : i32 to vector<16xi32>
            %add3A_334 = arith.addi %iota3A, %add3A_333 : vector<16xi32>
            %scatter3A_335 = arith.constant 0 : i32
            %scatter3A_336 = arith.constant 0 : i32
            %scatter3A_337 = tpu.memref_slice %arg12[%scatter3A_335, %scatter3A_336] : memref<1x128xi32, #tpu.memory_space<vmem>> -> memref<1x128xi32, #tpu.memory_space<vmem>>
            tpu.vector_store_idx %scatter3A_337[%broadcast_in_dim3A_1, %add3A_334], %broadcast_in_dim3A_4 : memref<1x128xi32, #tpu.memory_space<vmem>>[vector<16xi32>, vector<16xi32>], vector<16xi32>,
            %add3A_338 = arith.constant 112 : i32
            %add3A_339 = vector.broadcast %add3A_338 : i32 to vector<16xi32>
            %add3A_340 = arith.addi %iota3A, %add3A_339 : vector<16xi32>
            %scatter3A_341 = arith.constant 0 : i32
            %scatter3A_342 = arith.constant 0 : i32
            %scatter3A_343 = tpu.memref_slice %arg12[%scatter3A_341, %scatter3A_342] : memref<1x128xi32, #tpu.memory_space<vmem>> -> memref<1x128xi32, #tpu.memory_space<vmem>>
            tpu.vector_store_idx %scatter3A_343[%broadcast_in_dim3A_1, %add3A_340], %broadcast_in_dim3A_4 : memref<1x128xi32, #tpu.memory_space<vmem>>[vector<16xi32>, vector<16xi32>], vector<16xi32>,
          } else {
          }
          %eq3A_291 = arith.constant 128 : i32
          %eq3A_292 = arith.cmpi eq, %add3A_285, %eq3A_291 : i32
          %jit3A_293 = arith.constant 0 : i32
          %select_n3A_294 = arith.select %eq3A_292, %jit3A_293, %add3A_285 : i32
          scf.yield %select_n3A_294 : i32
        }
        scf.yield %while3A_231 : i32
      }
      scf.yield %while3A_193 : i32
    }
    %eq3A_110 = arith.constant 31 : i32
    %eq3A_111 = arith.cmpi eq, %add3A, %eq3A_110 : i32
    %convert_element_type3A = arith.extui %eq3A_111 : i1 to i32
    %cond3A = arith.constant 0 : i32
    %cond3A_112 = arith.cmpi ne, %convert_element_type3A, %cond3A : i32
    scf.if %cond3A_112 {
      "tpu.region"() ({
        %run_scoped3A_178 = tpu.sem_alloc : memref<!tpu.dma_semaphore, #tpu.memory_space<semaphore_mem>>
        tpu.enqueue_dma source(%arg4 : memref<64x64xf32, #tpu.memory_space<hbm>>) target(%arg10 : memref<64x64xf32, #tpu.memory_space<vmem>>) target_semaphore(%run_scoped3A_178 : memref<!tpu.dma_semaphore, #tpu.memory_space<semaphore_mem>>)
        tpu.wait_dma2 semaphore(%run_scoped3A_178 : memref<!tpu.dma_semaphore, #tpu.memory_space<semaphore_mem>>) src(%arg4 : memref<64x64xf32, #tpu.memory_space<hbm>>) dst(%arg10 : memref<64x64xf32, #tpu.memory_space<vmem>>)
        tpu.yield
      }) : () -> ()
    } else {
    }
    %eq3A_113 = arith.constant 31 : i32
    %eq3A_114 = arith.cmpi eq, %add3A, %eq3A_113 : i32
    %jit3A_115 = arith.constant 64 : i32
    %jit3A_116 = arith.constant 0 : i32
    %select_n3A_117 = arith.select %eq3A_114, %jit3A_115, %jit3A_116 : i32
    %while3A_118 = arith.constant 999936 : i32
    %while3A_119 = arith.constant 0 : i32
    %while3A_120 = arith.subi %select_n3A_98, %while3A_119 : i32
    %while3A_121 = arith.addi %while3A_119, %while3A_120 : i32
    %while3A_122 = arith.constant 1 : i32
    %while3A_123 = arith.divsi %while3A_120, %while3A_122 : i32
    %while3A_124 = arith.muli %while3A_123, %while3A_122 : i32
    %while3A_125 = arith.addi %while3A_119, %while3A_124 : i32
    %while3A_126 = arith.constant 1 : i32
    %while3A_127 = scf.for %while3A_178 = %while3A_119 to %while3A_125 step %while3A_126 iter_args(%while3A_179 = %while3A_109) -> (i32)  : i32 {
      %mul3A_180 = arith.constant 16 : i32
      %mul3A_181 = arith.muli %while3A_178, %mul3A_180 : i32
      %get3A = arith.index_cast %mul3A_181 : i32 to index
      %get3A_182 = tpu.vector_load %arg7[%get3A] {strides = array<i32>} : memref<16400xi32, #tpu.memory_space<vmem>>, vector<16xi32>,
      %mul3A_183 = arith.constant 16 : i32
      %mul3A_184 = arith.muli %while3A_178, %mul3A_183 : i32
      %get3A_185 = arith.index_cast %mul3A_184 : i32 to index
      %get3A_186 = tpu.vector_load %arg8[%get3A_185] {strides = array<i32>} : memref<16400xi32, #tpu.memory_space<vmem>>, vector<16xi32>,
      %mul3A_187 = arith.constant 16 : i32
      %mul3A_188 = arith.muli %while3A_178, %mul3A_187 : i32
      %add3A_189 = vector.broadcast %mul3A_188 : i32 to vector<16xi32>
      %add3A_190 = arith.addi %iota3A, %add3A_189 : vector<16xi32>
      %lt3A_191 = vector.broadcast %scan3A_75 : i32 to vector<16xi32>
      %lt3A_192 = arith.cmpi slt, %add3A_190, %lt3A_191 : vector<16xi32>
      %ge3A = vector.broadcast %while3A_118 : i32 to vector<16xi32>
      %ge3A_193 = arith.cmpi sge, %get3A_182, %ge3A : vector<16xi32>
      %and3A_194 = arith.andi %lt3A_192, %ge3A_193 : vector<16xi1>
      %add3A_195 = arith.addi %while3A_118, %select_n3A_117 : i32
      %lt3A_196 = vector.broadcast %add3A_195 : i32 to vector<16xi32>
      %lt3A_197 = arith.cmpi slt, %get3A_182, %lt3A_196 : vector<16xi32>
      %and3A_198 = arith.andi %and3A_194, %lt3A_197 : vector<16xi1>
      %all_reduce_population_count3A = tpu.all_reduce %and3A_198 {dim = 0 : i64, kind = #tpu.reduction_kind<sum>} : vector<16xi1> -> vector<16xi32>
      %slice3A = vector.extract_strided_slice %all_reduce_population_count3A {offsets = [0], sizes = [1], strides = [1]} : vector<16xi32> to vector<1xi32>
      %squeeze3A = vector.extract %slice3A[0] : i32 from vector<1xi32>
      %sub3A_199 = vector.broadcast %while3A_118 : i32 to vector<16xi32>
      %sub3A_200 = arith.subi %get3A_182, %sub3A_199 : vector<16xi32>
      %swap3A = arith.constant 0 : index
      %swap3A_201 = tpu.vector_load %arg13[%swap3A] masked %and3A_198 {strides = array<i32>} : memref<16xi32, #tpu.memory_space<vmem>>, vector<16xi32>, vector<16xi1>
      tpu.vector_store %arg13[%swap3A], %sub3A_200 masked %and3A_198 {strides = array<i32>} : memref<16xi32, #tpu.memory_space<vmem>>, vector<16xi32>, vector<16xi1>
      %swap3A_202 = arith.constant 0 : index
      %swap3A_203 = tpu.vector_load %arg14[%swap3A_202] masked %and3A_198 {strides = array<i32>} : memref<16xi32, #tpu.memory_space<vmem>>, vector<16xi32>, vector<16xi1>
      tpu.vector_store %arg14[%swap3A_202], %get3A_186 masked %and3A_198 {strides = array<i32>} : memref<16xi32, #tpu.memory_space<vmem>>, vector<16xi32>, vector<16xi1>
      %while3A_204 = arith.constant 0 : i32
      %while3A_205 = arith.subi %squeeze3A, %while3A_204 : i32
      %while3A_206 = arith.addi %while3A_204, %while3A_205 : i32
      %while3A_207 = arith.constant 1 : i32
      %while3A_208 = arith.divsi %while3A_205, %while3A_207 : i32
      %while3A_209 = arith.muli %while3A_208, %while3A_207 : i32
      %while3A_210 = arith.addi %while3A_204, %while3A_209 : i32
      %while3A_211 = arith.constant 1 : i32
      %while3A_212 = scf.for %while3A_215 = %while3A_204 to %while3A_210 step %while3A_211 iter_args(%while3A_216 = %while3A_179) -> (i32)  : i32 {
        %broadcast_in_dim3A_217 = vector.broadcast %while3A_215 : i32 to vector<16xi32>
        %gather3A = arith.constant 0 : i32
        %gather3A_218 = tpu.memref_slice %arg13[%gather3A] : memref<16xi32, #tpu.memory_space<vmem>> -> memref<16xi32, #tpu.memory_space<vmem>>
        %gather3A_219 = tpu.vector_load_idx %gather3A_218[%broadcast_in_dim3A_217] : memref<16xi32, #tpu.memory_space<vmem>>[vector<16xi32>], vector<16xi32>,
        %gather3A_220 = arith.constant 0 : i32
        %gather3A_221 = tpu.memref_slice %arg14[%gather3A_220] : memref<16xi32, #tpu.memory_space<vmem>> -> memref<16xi32, #tpu.memory_space<vmem>>
        %gather3A_222 = tpu.vector_load_idx %gather3A_221[%broadcast_in_dim3A_217] : memref<16xi32, #tpu.memory_space<vmem>>[vector<16xi32>], vector<16xi32>,
        %broadcast_in_dim3A_223 = vector.broadcast %while3A_216 : i32 to vector<16xi32>
        %add3A_224 = arith.constant 0 : i32
        %add3A_225 = vector.broadcast %add3A_224 : i32 to vector<16xi32>
        %add3A_226 = arith.addi %iota3A, %add3A_225 : vector<16xi32>
        %gather3A_227 = arith.constant 0 : i32
        %gather3A_228 = arith.constant 0 : i32
        %gather3A_229 = tpu.memref_slice %arg10[%gather3A_227, %gather3A_228] : memref<64x64xf32, #tpu.memory_space<vmem>> -> memref<64x64xf32, #tpu.memory_space<vmem>>
        %gather3A_230 = tpu.vector_load_idx %gather3A_229[%add3A_226, %gather3A_219] : memref<64x64xf32, #tpu.memory_space<vmem>>[vector<16xi32>, vector<16xi32>], vector<16xf32>,
        %scatter3A_231 = arith.constant 0 : i32
        %scatter3A_232 = arith.constant 0 : i32
        %scatter3A_233 = tpu.memref_slice %arg11[%scatter3A_231, %scatter3A_232] : memref<128x128xf32, #tpu.memory_space<vmem>> -> memref<128x128xf32, #tpu.memory_space<vmem>>
        tpu.vector_store_idx %scatter3A_233[%broadcast_in_dim3A_223, %add3A_226], %gather3A_230 : memref<128x128xf32, #tpu.memory_space<vmem>>[vector<16xi32>, vector<16xi32>], vector<16xf32>,
        %add3A_234 = arith.constant 16 : i32
        %add3A_235 = vector.broadcast %add3A_234 : i32 to vector<16xi32>
        %add3A_236 = arith.addi %iota3A, %add3A_235 : vector<16xi32>
        %gather3A_237 = arith.constant 0 : i32
        %gather3A_238 = arith.constant 0 : i32
        %gather3A_239 = tpu.memref_slice %arg10[%gather3A_237, %gather3A_238] : memref<64x64xf32, #tpu.memory_space<vmem>> -> memref<64x64xf32, #tpu.memory_space<vmem>>
        %gather3A_240 = tpu.vector_load_idx %gather3A_239[%add3A_236, %gather3A_219] : memref<64x64xf32, #tpu.memory_space<vmem>>[vector<16xi32>, vector<16xi32>], vector<16xf32>,
        %scatter3A_241 = arith.constant 0 : i32
        %scatter3A_242 = arith.constant 0 : i32
        %scatter3A_243 = tpu.memref_slice %arg11[%scatter3A_241, %scatter3A_242] : memref<128x128xf32, #tpu.memory_space<vmem>> -> memref<128x128xf32, #tpu.memory_space<vmem>>
        tpu.vector_store_idx %scatter3A_243[%broadcast_in_dim3A_223, %add3A_236], %gather3A_240 : memref<128x128xf32, #tpu.memory_space<vmem>>[vector<16xi32>, vector<16xi32>], vector<16xf32>,
        %add3A_244 = arith.constant 32 : i32
        %add3A_245 = vector.broadcast %add3A_244 : i32 to vector<16xi32>
        %add3A_246 = arith.addi %iota3A, %add3A_245 : vector<16xi32>
        %gather3A_247 = arith.constant 0 : i32
        %gather3A_248 = arith.constant 0 : i32
        %gather3A_249 = tpu.memref_slice %arg10[%gather3A_247, %gather3A_248] : memref<64x64xf32, #tpu.memory_space<vmem>> -> memref<64x64xf32, #tpu.memory_space<vmem>>
        %gather3A_250 = tpu.vector_load_idx %gather3A_249[%add3A_246, %gather3A_219] : memref<64x64xf32, #tpu.memory_space<vmem>>[vector<16xi32>, vector<16xi32>], vector<16xf32>,
        %scatter3A_251 = arith.constant 0 : i32
        %scatter3A_252 = arith.constant 0 : i32
        %scatter3A_253 = tpu.memref_slice %arg11[%scatter3A_251, %scatter3A_252] : memref<128x128xf32, #tpu.memory_space<vmem>> -> memref<128x128xf32, #tpu.memory_space<vmem>>
        tpu.vector_store_idx %scatter3A_253[%broadcast_in_dim3A_223, %add3A_246], %gather3A_250 : memref<128x128xf32, #tpu.memory_space<vmem>>[vector<16xi32>, vector<16xi32>], vector<16xf32>,
        %add3A_254 = arith.constant 48 : i32
        %add3A_255 = vector.broadcast %add3A_254 : i32 to vector<16xi32>
        %add3A_256 = arith.addi %iota3A, %add3A_255 : vector<16xi32>
        %gather3A_257 = arith.constant 0 : i32
        %gather3A_258 = arith.constant 0 : i32
        %gather3A_259 = tpu.memref_slice %arg10[%gather3A_257, %gather3A_258] : memref<64x64xf32, #tpu.memory_space<vmem>> -> memref<64x64xf32, #tpu.memory_space<vmem>>
        %gather3A_260 = tpu.vector_load_idx %gather3A_259[%add3A_256, %gather3A_219] : memref<64x64xf32, #tpu.memory_space<vmem>>[vector<16xi32>, vector<16xi32>], vector<16xf32>,
        %scatter3A_261 = arith.constant 0 : i32
        %scatter3A_262 = arith.constant 0 : i32
        %scatter3A_263 = tpu.memref_slice %arg11[%scatter3A_261, %scatter3A_262] : memref<128x128xf32, #tpu.memory_space<vmem>> -> memref<128x128xf32, #tpu.memory_space<vmem>>
        tpu.vector_store_idx %scatter3A_263[%broadcast_in_dim3A_223, %add3A_256], %gather3A_260 : memref<128x128xf32, #tpu.memory_space<vmem>>[vector<16xi32>, vector<16xi32>], vector<16xf32>,
        %scatter3A_264 = arith.constant 0 : i32
        %scatter3A_265 = arith.constant 0 : i32
        %scatter3A_266 = tpu.memref_slice %arg12[%scatter3A_264, %scatter3A_265] : memref<1x128xi32, #tpu.memory_space<vmem>> -> memref<1x128xi32, #tpu.memory_space<vmem>>
        tpu.vector_store_idx %scatter3A_266[%broadcast_in_dim3A_1, %broadcast_in_dim3A_223], %gather3A_222 masked %eq3A_6 : memref<1x128xi32, #tpu.memory_space<vmem>>[vector<16xi32>, vector<16xi32>], vector<16xi32>, vector<16xi1>
        %add3A_267 = arith.constant 1 : i32
        %add3A_268 = arith.addi %while3A_216, %add3A_267 : i32
        %eq3A_269 = arith.constant 128 : i32
        %eq3A_270 = arith.cmpi eq, %add3A_268, %eq3A_269 : i32
        %convert_element_type3A_271 = arith.extui %eq3A_270 : i1 to i32
        %cond3A_272 = arith.constant 0 : i32
        %cond3A_273 = arith.cmpi ne, %convert_element_type3A_271, %cond3A_272 : i32
        scf.if %cond3A_273 {
          %run_scoped3A_278 = arith.constant 0 : i32
          "tpu.region"() ({
            %run_scoped3A_327 = tpu.sem_alloc : memref<!tpu.dma_semaphore, #tpu.memory_space<semaphore_mem>>
            %dma_start3A = arith.constant 0 : i32
            %dma_start3A_328 = tpu.memref_slice %arg12[%run_scoped3A_278, %dma_start3A] : memref<1x128xi32, #tpu.memory_space<vmem>> -> memref<1x128xi32, #tpu.memory_space<vmem>>
            %dma_start3A_329 = tpu.memref_squeeze %dma_start3A_328 : memref<1x128xi32, #tpu.memory_space<vmem>> -> memref<128xi32, #tpu.memory_space<vmem>>
            %dma_start3A_330 = arith.constant 0 : i32
            %dma_start3A_331 = arith.constant 0 : i32
            %dma_start3A_332 = tpu.memref_slice %arg5[%dma_start3A_330, %dma_start3A_331] : memref<16416x128xf32, #tpu.memory_space<hbm>> -> memref<16416x128xf32, #tpu.memory_space<hbm>>
            tpu.enqueue_indirect_dma source(%arg11 : memref<128x128xf32, #tpu.memory_space<vmem>>) target(%dma_start3A_332 : memref<16416x128xf32, #tpu.memory_space<hbm>>) offsets(%dma_start3A_329 : memref<128xi32, #tpu.memory_space<vmem>>) semaphore(%run_scoped3A_327 : memref<!tpu.dma_semaphore, #tpu.memory_space<semaphore_mem>>)
            %dma_wait3A = arith.constant 0 : i32
            %dma_wait3A_333 = tpu.memref_slice %arg12[%run_scoped3A_278, %dma_wait3A] : memref<1x128xi32, #tpu.memory_space<vmem>> -> memref<1x128xi32, #tpu.memory_space<vmem>>
            %dma_wait3A_334 = tpu.memref_squeeze %dma_wait3A_333 : memref<1x128xi32, #tpu.memory_space<vmem>> -> memref<128xi32, #tpu.memory_space<vmem>>
            %dma_wait3A_335 = arith.constant 0 : i32
            %dma_wait3A_336 = arith.constant 0 : i32
            %dma_wait3A_337 = tpu.memref_slice %arg5[%dma_wait3A_335, %dma_wait3A_336] : memref<16416x128xf32, #tpu.memory_space<hbm>> -> memref<16416x128xf32, #tpu.memory_space<hbm>>
            tpu.wait_indirect_dma semaphore(%run_scoped3A_327 : memref<!tpu.dma_semaphore, #tpu.memory_space<semaphore_mem>>) src(%arg11 : memref<128x128xf32, #tpu.memory_space<vmem>>) dst(%dma_wait3A_337 : memref<16416x128xf32, #tpu.memory_space<hbm>>)
            tpu.yield
          }) : () -> ()
          %add3A_279 = arith.constant 0 : i32
          %add3A_280 = vector.broadcast %add3A_279 : i32 to vector<16xi32>
          %add3A_281 = arith.addi %iota3A, %add3A_280 : vector<16xi32>
          %scatter3A_282 = arith.constant 0 : i32
          %scatter3A_283 = arith.constant 0 : i32
          %scatter3A_284 = tpu.memref_slice %arg12[%scatter3A_282, %scatter3A_283] : memref<1x128xi32, #tpu.memory_space<vmem>> -> memref<1x128xi32, #tpu.memory_space<vmem>>
          tpu.vector_store_idx %scatter3A_284[%broadcast_in_dim3A_1, %add3A_281], %broadcast_in_dim3A_4 : memref<1x128xi32, #tpu.memory_space<vmem>>[vector<16xi32>, vector<16xi32>], vector<16xi32>,
          %add3A_285 = arith.constant 16 : i32
          %add3A_286 = vector.broadcast %add3A_285 : i32 to vector<16xi32>
          %add3A_287 = arith.addi %iota3A, %add3A_286 : vector<16xi32>
          %scatter3A_288 = arith.constant 0 : i32
          %scatter3A_289 = arith.constant 0 : i32
          %scatter3A_290 = tpu.memref_slice %arg12[%scatter3A_288, %scatter3A_289] : memref<1x128xi32, #tpu.memory_space<vmem>> -> memref<1x128xi32, #tpu.memory_space<vmem>>
          tpu.vector_store_idx %scatter3A_290[%broadcast_in_dim3A_1, %add3A_287], %broadcast_in_dim3A_4 : memref<1x128xi32, #tpu.memory_space<vmem>>[vector<16xi32>, vector<16xi32>], vector<16xi32>,
          %add3A_291 = arith.constant 32 : i32
          %add3A_292 = vector.broadcast %add3A_291 : i32 to vector<16xi32>
          %add3A_293 = arith.addi %iota3A, %add3A_292 : vector<16xi32>
          %scatter3A_294 = arith.constant 0 : i32
          %scatter3A_295 = arith.constant 0 : i32
          %scatter3A_296 = tpu.memref_slice %arg12[%scatter3A_294, %scatter3A_295] : memref<1x128xi32, #tpu.memory_space<vmem>> -> memref<1x128xi32, #tpu.memory_space<vmem>>
          tpu.vector_store_idx %scatter3A_296[%broadcast_in_dim3A_1, %add3A_293], %broadcast_in_dim3A_4 : memref<1x128xi32, #tpu.memory_space<vmem>>[vector<16xi32>, vector<16xi32>], vector<16xi32>,
          %add3A_297 = arith.constant 48 : i32
          %add3A_298 = vector.broadcast %add3A_297 : i32 to vector<16xi32>
          %add3A_299 = arith.addi %iota3A, %add3A_298 : vector<16xi32>
          %scatter3A_300 = arith.constant 0 : i32
          %scatter3A_301 = arith.constant 0 : i32
          %scatter3A_302 = tpu.memref_slice %arg12[%scatter3A_300, %scatter3A_301] : memref<1x128xi32, #tpu.memory_space<vmem>> -> memref<1x128xi32, #tpu.memory_space<vmem>>
          tpu.vector_store_idx %scatter3A_302[%broadcast_in_dim3A_1, %add3A_299], %broadcast_in_dim3A_4 : memref<1x128xi32, #tpu.memory_space<vmem>>[vector<16xi32>, vector<16xi32>], vector<16xi32>,
          %add3A_303 = arith.constant 64 : i32
          %add3A_304 = vector.broadcast %add3A_303 : i32 to vector<16xi32>
          %add3A_305 = arith.addi %iota3A, %add3A_304 : vector<16xi32>
          %scatter3A_306 = arith.constant 0 : i32
          %scatter3A_307 = arith.constant 0 : i32
          %scatter3A_308 = tpu.memref_slice %arg12[%scatter3A_306, %scatter3A_307] : memref<1x128xi32, #tpu.memory_space<vmem>> -> memref<1x128xi32, #tpu.memory_space<vmem>>
          tpu.vector_store_idx %scatter3A_308[%broadcast_in_dim3A_1, %add3A_305], %broadcast_in_dim3A_4 : memref<1x128xi32, #tpu.memory_space<vmem>>[vector<16xi32>, vector<16xi32>], vector<16xi32>,
          %add3A_309 = arith.constant 80 : i32
          %add3A_310 = vector.broadcast %add3A_309 : i32 to vector<16xi32>
          %add3A_311 = arith.addi %iota3A, %add3A_310 : vector<16xi32>
          %scatter3A_312 = arith.constant 0 : i32
          %scatter3A_313 = arith.constant 0 : i32
          %scatter3A_314 = tpu.memref_slice %arg12[%scatter3A_312, %scatter3A_313] : memref<1x128xi32, #tpu.memory_space<vmem>> -> memref<1x128xi32, #tpu.memory_space<vmem>>
          tpu.vector_store_idx %scatter3A_314[%broadcast_in_dim3A_1, %add3A_311], %broadcast_in_dim3A_4 : memref<1x128xi32, #tpu.memory_space<vmem>>[vector<16xi32>, vector<16xi32>], vector<16xi32>,
          %add3A_315 = arith.constant 96 : i32
          %add3A_316 = vector.broadcast %add3A_315 : i32 to vector<16xi32>
          %add3A_317 = arith.addi %iota3A, %add3A_316 : vector<16xi32>
          %scatter3A_318 = arith.constant 0 : i32
          %scatter3A_319 = arith.constant 0 : i32
          %scatter3A_320 = tpu.memref_slice %arg12[%scatter3A_318, %scatter3A_319] : memref<1x128xi32, #tpu.memory_space<vmem>> -> memref<1x128xi32, #tpu.memory_space<vmem>>
          tpu.vector_store_idx %scatter3A_320[%broadcast_in_dim3A_1, %add3A_317], %broadcast_in_dim3A_4 : memref<1x128xi32, #tpu.memory_space<vmem>>[vector<16xi32>, vector<16xi32>], vector<16xi32>,
          %add3A_321 = arith.constant 112 : i32
          %add3A_322 = vector.broadcast %add3A_321 : i32 to vector<16xi32>
          %add3A_323 = arith.addi %iota3A, %add3A_322 : vector<16xi32>
          %scatter3A_324 = arith.constant 0 : i32
          %scatter3A_325 = arith.constant 0 : i32
          %scatter3A_326 = tpu.memref_slice %arg12[%scatter3A_324, %scatter3A_325] : memref<1x128xi32, #tpu.memory_space<vmem>> -> memref<1x128xi32, #tpu.memory_space<vmem>>
          tpu.vector_store_idx %scatter3A_326[%broadcast_in_dim3A_1, %add3A_323], %broadcast_in_dim3A_4 : memref<1x128xi32, #tpu.memory_space<vmem>>[vector<16xi32>, vector<16xi32>], vector<16xi32>,
        } else {
        }
        %eq3A_274 = arith.constant 128 : i32
        %eq3A_275 = arith.cmpi eq, %add3A_268, %eq3A_274 : i32
        %jit3A_276 = arith.constant 0 : i32
        %select_n3A_277 = arith.select %eq3A_275, %jit3A_276, %add3A_268 : i32
        scf.yield %select_n3A_277 : i32
      }
      %while3A_213 = arith.constant 1 : i32
      %while3A_214 = scf.for %while3A_215 = %while3A_210 to %while3A_206 step %while3A_213 iter_args(%while3A_216 = %while3A_212) -> (i32)  : i32 {
        %broadcast_in_dim3A_217 = vector.broadcast %while3A_215 : i32 to vector<16xi32>
        %gather3A = arith.constant 0 : i32
        %gather3A_218 = tpu.memref_slice %arg13[%gather3A] : memref<16xi32, #tpu.memory_space<vmem>> -> memref<16xi32, #tpu.memory_space<vmem>>
        %gather3A_219 = tpu.vector_load_idx %gather3A_218[%broadcast_in_dim3A_217] : memref<16xi32, #tpu.memory_space<vmem>>[vector<16xi32>], vector<16xi32>,
        %gather3A_220 = arith.constant 0 : i32
        %gather3A_221 = tpu.memref_slice %arg14[%gather3A_220] : memref<16xi32, #tpu.memory_space<vmem>> -> memref<16xi32, #tpu.memory_space<vmem>>
        %gather3A_222 = tpu.vector_load_idx %gather3A_221[%broadcast_in_dim3A_217] : memref<16xi32, #tpu.memory_space<vmem>>[vector<16xi32>], vector<16xi32>,
        %broadcast_in_dim3A_223 = vector.broadcast %while3A_216 : i32 to vector<16xi32>
        %add3A_224 = arith.constant 0 : i32
        %add3A_225 = vector.broadcast %add3A_224 : i32 to vector<16xi32>
        %add3A_226 = arith.addi %iota3A, %add3A_225 : vector<16xi32>
        %gather3A_227 = arith.constant 0 : i32
        %gather3A_228 = arith.constant 0 : i32
        %gather3A_229 = tpu.memref_slice %arg10[%gather3A_227, %gather3A_228] : memref<64x64xf32, #tpu.memory_space<vmem>> -> memref<64x64xf32, #tpu.memory_space<vmem>>
        %gather3A_230 = tpu.vector_load_idx %gather3A_229[%add3A_226, %gather3A_219] : memref<64x64xf32, #tpu.memory_space<vmem>>[vector<16xi32>, vector<16xi32>], vector<16xf32>,
        %scatter3A_231 = arith.constant 0 : i32
        %scatter3A_232 = arith.constant 0 : i32
        %scatter3A_233 = tpu.memref_slice %arg11[%scatter3A_231, %scatter3A_232] : memref<128x128xf32, #tpu.memory_space<vmem>> -> memref<128x128xf32, #tpu.memory_space<vmem>>
        tpu.vector_store_idx %scatter3A_233[%broadcast_in_dim3A_223, %add3A_226], %gather3A_230 : memref<128x128xf32, #tpu.memory_space<vmem>>[vector<16xi32>, vector<16xi32>], vector<16xf32>,
        %add3A_234 = arith.constant 16 : i32
        %add3A_235 = vector.broadcast %add3A_234 : i32 to vector<16xi32>
        %add3A_236 = arith.addi %iota3A, %add3A_235 : vector<16xi32>
        %gather3A_237 = arith.constant 0 : i32
        %gather3A_238 = arith.constant 0 : i32
        %gather3A_239 = tpu.memref_slice %arg10[%gather3A_237, %gather3A_238] : memref<64x64xf32, #tpu.memory_space<vmem>> -> memref<64x64xf32, #tpu.memory_space<vmem>>
        %gather3A_240 = tpu.vector_load_idx %gather3A_239[%add3A_236, %gather3A_219] : memref<64x64xf32, #tpu.memory_space<vmem>>[vector<16xi32>, vector<16xi32>], vector<16xf32>,
        %scatter3A_241 = arith.constant 0 : i32
        %scatter3A_242 = arith.constant 0 : i32
        %scatter3A_243 = tpu.memref_slice %arg11[%scatter3A_241, %scatter3A_242] : memref<128x128xf32, #tpu.memory_space<vmem>> -> memref<128x128xf32, #tpu.memory_space<vmem>>
        tpu.vector_store_idx %scatter3A_243[%broadcast_in_dim3A_223, %add3A_236], %gather3A_240 : memref<128x128xf32, #tpu.memory_space<vmem>>[vector<16xi32>, vector<16xi32>], vector<16xf32>,
        %add3A_244 = arith.constant 32 : i32
        %add3A_245 = vector.broadcast %add3A_244 : i32 to vector<16xi32>
        %add3A_246 = arith.addi %iota3A, %add3A_245 : vector<16xi32>
        %gather3A_247 = arith.constant 0 : i32
        %gather3A_248 = arith.constant 0 : i32
        %gather3A_249 = tpu.memref_slice %arg10[%gather3A_247, %gather3A_248] : memref<64x64xf32, #tpu.memory_space<vmem>> -> memref<64x64xf32, #tpu.memory_space<vmem>>
        %gather3A_250 = tpu.vector_load_idx %gather3A_249[%add3A_246, %gather3A_219] : memref<64x64xf32, #tpu.memory_space<vmem>>[vector<16xi32>, vector<16xi32>], vector<16xf32>,
        %scatter3A_251 = arith.constant 0 : i32
        %scatter3A_252 = arith.constant 0 : i32
        %scatter3A_253 = tpu.memref_slice %arg11[%scatter3A_251, %scatter3A_252] : memref<128x128xf32, #tpu.memory_space<vmem>> -> memref<128x128xf32, #tpu.memory_space<vmem>>
        tpu.vector_store_idx %scatter3A_253[%broadcast_in_dim3A_223, %add3A_246], %gather3A_250 : memref<128x128xf32, #tpu.memory_space<vmem>>[vector<16xi32>, vector<16xi32>], vector<16xf32>,
        %add3A_254 = arith.constant 48 : i32
        %add3A_255 = vector.broadcast %add3A_254 : i32 to vector<16xi32>
        %add3A_256 = arith.addi %iota3A, %add3A_255 : vector<16xi32>
        %gather3A_257 = arith.constant 0 : i32
        %gather3A_258 = arith.constant 0 : i32
        %gather3A_259 = tpu.memref_slice %arg10[%gather3A_257, %gather3A_258] : memref<64x64xf32, #tpu.memory_space<vmem>> -> memref<64x64xf32, #tpu.memory_space<vmem>>
        %gather3A_260 = tpu.vector_load_idx %gather3A_259[%add3A_256, %gather3A_219] : memref<64x64xf32, #tpu.memory_space<vmem>>[vector<16xi32>, vector<16xi32>], vector<16xf32>,
        %scatter3A_261 = arith.constant 0 : i32
        %scatter3A_262 = arith.constant 0 : i32
        %scatter3A_263 = tpu.memref_slice %arg11[%scatter3A_261, %scatter3A_262] : memref<128x128xf32, #tpu.memory_space<vmem>> -> memref<128x128xf32, #tpu.memory_space<vmem>>
        tpu.vector_store_idx %scatter3A_263[%broadcast_in_dim3A_223, %add3A_256], %gather3A_260 : memref<128x128xf32, #tpu.memory_space<vmem>>[vector<16xi32>, vector<16xi32>], vector<16xf32>,
        %scatter3A_264 = arith.constant 0 : i32
        %scatter3A_265 = arith.constant 0 : i32
        %scatter3A_266 = tpu.memref_slice %arg12[%scatter3A_264, %scatter3A_265] : memref<1x128xi32, #tpu.memory_space<vmem>> -> memref<1x128xi32, #tpu.memory_space<vmem>>
        tpu.vector_store_idx %scatter3A_266[%broadcast_in_dim3A_1, %broadcast_in_dim3A_223], %gather3A_222 masked %eq3A_6 : memref<1x128xi32, #tpu.memory_space<vmem>>[vector<16xi32>, vector<16xi32>], vector<16xi32>, vector<16xi1>
        %add3A_267 = arith.constant 1 : i32
        %add3A_268 = arith.addi %while3A_216, %add3A_267 : i32
        %eq3A_269 = arith.constant 128 : i32
        %eq3A_270 = arith.cmpi eq, %add3A_268, %eq3A_269 : i32
        %convert_element_type3A_271 = arith.extui %eq3A_270 : i1 to i32
        %cond3A_272 = arith.constant 0 : i32
        %cond3A_273 = arith.cmpi ne, %convert_element_type3A_271, %cond3A_272 : i32
        scf.if %cond3A_273 {
          %run_scoped3A_278 = arith.constant 0 : i32
          "tpu.region"() ({
            %run_scoped3A_327 = tpu.sem_alloc : memref<!tpu.dma_semaphore, #tpu.memory_space<semaphore_mem>>
            %dma_start3A = arith.constant 0 : i32
            %dma_start3A_328 = tpu.memref_slice %arg12[%run_scoped3A_278, %dma_start3A] : memref<1x128xi32, #tpu.memory_space<vmem>> -> memref<1x128xi32, #tpu.memory_space<vmem>>
            %dma_start3A_329 = tpu.memref_squeeze %dma_start3A_328 : memref<1x128xi32, #tpu.memory_space<vmem>> -> memref<128xi32, #tpu.memory_space<vmem>>
            %dma_start3A_330 = arith.constant 0 : i32
            %dma_start3A_331 = arith.constant 0 : i32
            %dma_start3A_332 = tpu.memref_slice %arg5[%dma_start3A_330, %dma_start3A_331] : memref<16416x128xf32, #tpu.memory_space<hbm>> -> memref<16416x128xf32, #tpu.memory_space<hbm>>
            tpu.enqueue_indirect_dma source(%arg11 : memref<128x128xf32, #tpu.memory_space<vmem>>) target(%dma_start3A_332 : memref<16416x128xf32, #tpu.memory_space<hbm>>) offsets(%dma_start3A_329 : memref<128xi32, #tpu.memory_space<vmem>>) semaphore(%run_scoped3A_327 : memref<!tpu.dma_semaphore, #tpu.memory_space<semaphore_mem>>)
            %dma_wait3A = arith.constant 0 : i32
            %dma_wait3A_333 = tpu.memref_slice %arg12[%run_scoped3A_278, %dma_wait3A] : memref<1x128xi32, #tpu.memory_space<vmem>> -> memref<1x128xi32, #tpu.memory_space<vmem>>
            %dma_wait3A_334 = tpu.memref_squeeze %dma_wait3A_333 : memref<1x128xi32, #tpu.memory_space<vmem>> -> memref<128xi32, #tpu.memory_space<vmem>>
            %dma_wait3A_335 = arith.constant 0 : i32
            %dma_wait3A_336 = arith.constant 0 : i32
            %dma_wait3A_337 = tpu.memref_slice %arg5[%dma_wait3A_335, %dma_wait3A_336] : memref<16416x128xf32, #tpu.memory_space<hbm>> -> memref<16416x128xf32, #tpu.memory_space<hbm>>
            tpu.wait_indirect_dma semaphore(%run_scoped3A_327 : memref<!tpu.dma_semaphore, #tpu.memory_space<semaphore_mem>>) src(%arg11 : memref<128x128xf32, #tpu.memory_space<vmem>>) dst(%dma_wait3A_337 : memref<16416x128xf32, #tpu.memory_space<hbm>>)
            tpu.yield
          }) : () -> ()
          %add3A_279 = arith.constant 0 : i32
          %add3A_280 = vector.broadcast %add3A_279 : i32 to vector<16xi32>
          %add3A_281 = arith.addi %iota3A, %add3A_280 : vector<16xi32>
          %scatter3A_282 = arith.constant 0 : i32
          %scatter3A_283 = arith.constant 0 : i32
          %scatter3A_284 = tpu.memref_slice %arg12[%scatter3A_282, %scatter3A_283] : memref<1x128xi32, #tpu.memory_space<vmem>> -> memref<1x128xi32, #tpu.memory_space<vmem>>
          tpu.vector_store_idx %scatter3A_284[%broadcast_in_dim3A_1, %add3A_281], %broadcast_in_dim3A_4 : memref<1x128xi32, #tpu.memory_space<vmem>>[vector<16xi32>, vector<16xi32>], vector<16xi32>,
          %add3A_285 = arith.constant 16 : i32
          %add3A_286 = vector.broadcast %add3A_285 : i32 to vector<16xi32>
          %add3A_287 = arith.addi %iota3A, %add3A_286 : vector<16xi32>
          %scatter3A_288 = arith.constant 0 : i32
          %scatter3A_289 = arith.constant 0 : i32
          %scatter3A_290 = tpu.memref_slice %arg12[%scatter3A_288, %scatter3A_289] : memref<1x128xi32, #tpu.memory_space<vmem>> -> memref<1x128xi32, #tpu.memory_space<vmem>>
          tpu.vector_store_idx %scatter3A_290[%broadcast_in_dim3A_1, %add3A_287], %broadcast_in_dim3A_4 : memref<1x128xi32, #tpu.memory_space<vmem>>[vector<16xi32>, vector<16xi32>], vector<16xi32>,
          %add3A_291 = arith.constant 32 : i32
          %add3A_292 = vector.broadcast %add3A_291 : i32 to vector<16xi32>
          %add3A_293 = arith.addi %iota3A, %add3A_292 : vector<16xi32>
          %scatter3A_294 = arith.constant 0 : i32
          %scatter3A_295 = arith.constant 0 : i32
          %scatter3A_296 = tpu.memref_slice %arg12[%scatter3A_294, %scatter3A_295] : memref<1x128xi32, #tpu.memory_space<vmem>> -> memref<1x128xi32, #tpu.memory_space<vmem>>
          tpu.vector_store_idx %scatter3A_296[%broadcast_in_dim3A_1, %add3A_293], %broadcast_in_dim3A_4 : memref<1x128xi32, #tpu.memory_space<vmem>>[vector<16xi32>, vector<16xi32>], vector<16xi32>,
          %add3A_297 = arith.constant 48 : i32
          %add3A_298 = vector.broadcast %add3A_297 : i32 to vector<16xi32>
          %add3A_299 = arith.addi %iota3A, %add3A_298 : vector<16xi32>
          %scatter3A_300 = arith.constant 0 : i32
          %scatter3A_301 = arith.constant 0 : i32
          %scatter3A_302 = tpu.memref_slice %arg12[%scatter3A_300, %scatter3A_301] : memref<1x128xi32, #tpu.memory_space<vmem>> -> memref<1x128xi32, #tpu.memory_space<vmem>>
          tpu.vector_store_idx %scatter3A_302[%broadcast_in_dim3A_1, %add3A_299], %broadcast_in_dim3A_4 : memref<1x128xi32, #tpu.memory_space<vmem>>[vector<16xi32>, vector<16xi32>], vector<16xi32>,
          %add3A_303 = arith.constant 64 : i32
          %add3A_304 = vector.broadcast %add3A_303 : i32 to vector<16xi32>
          %add3A_305 = arith.addi %iota3A, %add3A_304 : vector<16xi32>
          %scatter3A_306 = arith.constant 0 : i32
          %scatter3A_307 = arith.constant 0 : i32
          %scatter3A_308 = tpu.memref_slice %arg12[%scatter3A_306, %scatter3A_307] : memref<1x128xi32, #tpu.memory_space<vmem>> -> memref<1x128xi32, #tpu.memory_space<vmem>>
          tpu.vector_store_idx %scatter3A_308[%broadcast_in_dim3A_1, %add3A_305], %broadcast_in_dim3A_4 : memref<1x128xi32, #tpu.memory_space<vmem>>[vector<16xi32>, vector<16xi32>], vector<16xi32>,
          %add3A_309 = arith.constant 80 : i32
          %add3A_310 = vector.broadcast %add3A_309 : i32 to vector<16xi32>
          %add3A_311 = arith.addi %iota3A, %add3A_310 : vector<16xi32>
          %scatter3A_312 = arith.constant 0 : i32
          %scatter3A_313 = arith.constant 0 : i32
          %scatter3A_314 = tpu.memref_slice %arg12[%scatter3A_312, %scatter3A_313] : memref<1x128xi32, #tpu.memory_space<vmem>> -> memref<1x128xi32, #tpu.memory_space<vmem>>
          tpu.vector_store_idx %scatter3A_314[%broadcast_in_dim3A_1, %add3A_311], %broadcast_in_dim3A_4 : memref<1x128xi32, #tpu.memory_space<vmem>>[vector<16xi32>, vector<16xi32>], vector<16xi32>,
          %add3A_315 = arith.constant 96 : i32
          %add3A_316 = vector.broadcast %add3A_315 : i32 to vector<16xi32>
          %add3A_317 = arith.addi %iota3A, %add3A_316 : vector<16xi32>
          %scatter3A_318 = arith.constant 0 : i32
          %scatter3A_319 = arith.constant 0 : i32
          %scatter3A_320 = tpu.memref_slice %arg12[%scatter3A_318, %scatter3A_319] : memref<1x128xi32, #tpu.memory_space<vmem>> -> memref<1x128xi32, #tpu.memory_space<vmem>>
          tpu.vector_store_idx %scatter3A_320[%broadcast_in_dim3A_1, %add3A_317], %broadcast_in_dim3A_4 : memref<1x128xi32, #tpu.memory_space<vmem>>[vector<16xi32>, vector<16xi32>], vector<16xi32>,
          %add3A_321 = arith.constant 112 : i32
          %add3A_322 = vector.broadcast %add3A_321 : i32 to vector<16xi32>
          %add3A_323 = arith.addi %iota3A, %add3A_322 : vector<16xi32>
          %scatter3A_324 = arith.constant 0 : i32
          %scatter3A_325 = arith.constant 0 : i32
          %scatter3A_326 = tpu.memref_slice %arg12[%scatter3A_324, %scatter3A_325] : memref<1x128xi32, #tpu.memory_space<vmem>> -> memref<1x128xi32, #tpu.memory_space<vmem>>
          tpu.vector_store_idx %scatter3A_326[%broadcast_in_dim3A_1, %add3A_323], %broadcast_in_dim3A_4 : memref<1x128xi32, #tpu.memory_space<vmem>>[vector<16xi32>, vector<16xi32>], vector<16xi32>,
        } else {
        }
        %eq3A_274 = arith.constant 128 : i32
        %eq3A_275 = arith.cmpi eq, %add3A_268, %eq3A_274 : i32
        %jit3A_276 = arith.constant 0 : i32
        %select_n3A_277 = arith.select %eq3A_275, %jit3A_276, %add3A_268 : i32
        scf.yield %select_n3A_277 : i32
      }
      scf.yield %while3A_214 : i32
    }
    %while3A_128 = arith.constant 1 : i32
    %while3A_129 = scf.for %while3A_178 = %while3A_125 to %while3A_121 step %while3A_128 iter_args(%while3A_179 = %while3A_127) -> (i32)  : i32 {
      %mul3A_180 = arith.constant 16 : i32
      %mul3A_181 = arith.muli %while3A_178, %mul3A_180 : i32
      %get3A = arith.index_cast %mul3A_181 : i32 to index
      %get3A_182 = tpu.vector_load %arg7[%get3A] {strides = array<i32>} : memref<16400xi32, #tpu.memory_space<vmem>>, vector<16xi32>,
      %mul3A_183 = arith.constant 16 : i32
      %mul3A_184 = arith.muli %while3A_178, %mul3A_183 : i32
      %get3A_185 = arith.index_cast %mul3A_184 : i32 to index
      %get3A_186 = tpu.vector_load %arg8[%get3A_185] {strides = array<i32>} : memref<16400xi32, #tpu.memory_space<vmem>>, vector<16xi32>,
      %mul3A_187 = arith.constant 16 : i32
      %mul3A_188 = arith.muli %while3A_178, %mul3A_187 : i32
      %add3A_189 = vector.broadcast %mul3A_188 : i32 to vector<16xi32>
      %add3A_190 = arith.addi %iota3A, %add3A_189 : vector<16xi32>
      %lt3A_191 = vector.broadcast %scan3A_75 : i32 to vector<16xi32>
      %lt3A_192 = arith.cmpi slt, %add3A_190, %lt3A_191 : vector<16xi32>
      %ge3A = vector.broadcast %while3A_118 : i32 to vector<16xi32>
      %ge3A_193 = arith.cmpi sge, %get3A_182, %ge3A : vector<16xi32>
      %and3A_194 = arith.andi %lt3A_192, %ge3A_193 : vector<16xi1>
      %add3A_195 = arith.addi %while3A_118, %select_n3A_117 : i32
      %lt3A_196 = vector.broadcast %add3A_195 : i32 to vector<16xi32>
      %lt3A_197 = arith.cmpi slt, %get3A_182, %lt3A_196 : vector<16xi32>
      %and3A_198 = arith.andi %and3A_194, %lt3A_197 : vector<16xi1>
      %all_reduce_population_count3A = tpu.all_reduce %and3A_198 {dim = 0 : i64, kind = #tpu.reduction_kind<sum>} : vector<16xi1> -> vector<16xi32>
      %slice3A = vector.extract_strided_slice %all_reduce_population_count3A {offsets = [0], sizes = [1], strides = [1]} : vector<16xi32> to vector<1xi32>
      %squeeze3A = vector.extract %slice3A[0] : i32 from vector<1xi32>
      %sub3A_199 = vector.broadcast %while3A_118 : i32 to vector<16xi32>
      %sub3A_200 = arith.subi %get3A_182, %sub3A_199 : vector<16xi32>
      %swap3A = arith.constant 0 : index
      %swap3A_201 = tpu.vector_load %arg13[%swap3A] masked %and3A_198 {strides = array<i32>} : memref<16xi32, #tpu.memory_space<vmem>>, vector<16xi32>, vector<16xi1>
      tpu.vector_store %arg13[%swap3A], %sub3A_200 masked %and3A_198 {strides = array<i32>} : memref<16xi32, #tpu.memory_space<vmem>>, vector<16xi32>, vector<16xi1>
      %swap3A_202 = arith.constant 0 : index
      %swap3A_203 = tpu.vector_load %arg14[%swap3A_202] masked %and3A_198 {strides = array<i32>} : memref<16xi32, #tpu.memory_space<vmem>>, vector<16xi32>, vector<16xi1>
      tpu.vector_store %arg14[%swap3A_202], %get3A_186 masked %and3A_198 {strides = array<i32>} : memref<16xi32, #tpu.memory_space<vmem>>, vector<16xi32>, vector<16xi1>
      %while3A_204 = arith.constant 0 : i32
      %while3A_205 = arith.subi %squeeze3A, %while3A_204 : i32
      %while3A_206 = arith.addi %while3A_204, %while3A_205 : i32
      %while3A_207 = arith.constant 1 : i32
      %while3A_208 = arith.divsi %while3A_205, %while3A_207 : i32
      %while3A_209 = arith.muli %while3A_208, %while3A_207 : i32
      %while3A_210 = arith.addi %while3A_204, %while3A_209 : i32
      %while3A_211 = arith.constant 1 : i32
      %while3A_212 = scf.for %while3A_215 = %while3A_204 to %while3A_210 step %while3A_211 iter_args(%while3A_216 = %while3A_179) -> (i32)  : i32 {
        %broadcast_in_dim3A_217 = vector.broadcast %while3A_215 : i32 to vector<16xi32>
        %gather3A = arith.constant 0 : i32
        %gather3A_218 = tpu.memref_slice %arg13[%gather3A] : memref<16xi32, #tpu.memory_space<vmem>> -> memref<16xi32, #tpu.memory_space<vmem>>
        %gather3A_219 = tpu.vector_load_idx %gather3A_218[%broadcast_in_dim3A_217] : memref<16xi32, #tpu.memory_space<vmem>>[vector<16xi32>], vector<16xi32>,
        %gather3A_220 = arith.constant 0 : i32
        %gather3A_221 = tpu.memref_slice %arg14[%gather3A_220] : memref<16xi32, #tpu.memory_space<vmem>> -> memref<16xi32, #tpu.memory_space<vmem>>
        %gather3A_222 = tpu.vector_load_idx %gather3A_221[%broadcast_in_dim3A_217] : memref<16xi32, #tpu.memory_space<vmem>>[vector<16xi32>], vector<16xi32>,
        %broadcast_in_dim3A_223 = vector.broadcast %while3A_216 : i32 to vector<16xi32>
        %add3A_224 = arith.constant 0 : i32
        %add3A_225 = vector.broadcast %add3A_224 : i32 to vector<16xi32>
        %add3A_226 = arith.addi %iota3A, %add3A_225 : vector<16xi32>
        %gather3A_227 = arith.constant 0 : i32
        %gather3A_228 = arith.constant 0 : i32
        %gather3A_229 = tpu.memref_slice %arg10[%gather3A_227, %gather3A_228] : memref<64x64xf32, #tpu.memory_space<vmem>> -> memref<64x64xf32, #tpu.memory_space<vmem>>
        %gather3A_230 = tpu.vector_load_idx %gather3A_229[%add3A_226, %gather3A_219] : memref<64x64xf32, #tpu.memory_space<vmem>>[vector<16xi32>, vector<16xi32>], vector<16xf32>,
        %scatter3A_231 = arith.constant 0 : i32
        %scatter3A_232 = arith.constant 0 : i32
        %scatter3A_233 = tpu.memref_slice %arg11[%scatter3A_231, %scatter3A_232] : memref<128x128xf32, #tpu.memory_space<vmem>> -> memref<128x128xf32, #tpu.memory_space<vmem>>
        tpu.vector_store_idx %scatter3A_233[%broadcast_in_dim3A_223, %add3A_226], %gather3A_230 : memref<128x128xf32, #tpu.memory_space<vmem>>[vector<16xi32>, vector<16xi32>], vector<16xf32>,
        %add3A_234 = arith.constant 16 : i32
        %add3A_235 = vector.broadcast %add3A_234 : i32 to vector<16xi32>
        %add3A_236 = arith.addi %iota3A, %add3A_235 : vector<16xi32>
        %gather3A_237 = arith.constant 0 : i32
        %gather3A_238 = arith.constant 0 : i32
        %gather3A_239 = tpu.memref_slice %arg10[%gather3A_237, %gather3A_238] : memref<64x64xf32, #tpu.memory_space<vmem>> -> memref<64x64xf32, #tpu.memory_space<vmem>>
        %gather3A_240 = tpu.vector_load_idx %gather3A_239[%add3A_236, %gather3A_219] : memref<64x64xf32, #tpu.memory_space<vmem>>[vector<16xi32>, vector<16xi32>], vector<16xf32>,
        %scatter3A_241 = arith.constant 0 : i32
        %scatter3A_242 = arith.constant 0 : i32
        %scatter3A_243 = tpu.memref_slice %arg11[%scatter3A_241, %scatter3A_242] : memref<128x128xf32, #tpu.memory_space<vmem>> -> memref<128x128xf32, #tpu.memory_space<vmem>>
        tpu.vector_store_idx %scatter3A_243[%broadcast_in_dim3A_223, %add3A_236], %gather3A_240 : memref<128x128xf32, #tpu.memory_space<vmem>>[vector<16xi32>, vector<16xi32>], vector<16xf32>,
        %add3A_244 = arith.constant 32 : i32
        %add3A_245 = vector.broadcast %add3A_244 : i32 to vector<16xi32>
        %add3A_246 = arith.addi %iota3A, %add3A_245 : vector<16xi32>
        %gather3A_247 = arith.constant 0 : i32
        %gather3A_248 = arith.constant 0 : i32
        %gather3A_249 = tpu.memref_slice %arg10[%gather3A_247, %gather3A_248] : memref<64x64xf32, #tpu.memory_space<vmem>> -> memref<64x64xf32, #tpu.memory_space<vmem>>
        %gather3A_250 = tpu.vector_load_idx %gather3A_249[%add3A_246, %gather3A_219] : memref<64x64xf32, #tpu.memory_space<vmem>>[vector<16xi32>, vector<16xi32>], vector<16xf32>,
        %scatter3A_251 = arith.constant 0 : i32
        %scatter3A_252 = arith.constant 0 : i32
        %scatter3A_253 = tpu.memref_slice %arg11[%scatter3A_251, %scatter3A_252] : memref<128x128xf32, #tpu.memory_space<vmem>> -> memref<128x128xf32, #tpu.memory_space<vmem>>
        tpu.vector_store_idx %scatter3A_253[%broadcast_in_dim3A_223, %add3A_246], %gather3A_250 : memref<128x128xf32, #tpu.memory_space<vmem>>[vector<16xi32>, vector<16xi32>], vector<16xf32>,
        %add3A_254 = arith.constant 48 : i32
        %add3A_255 = vector.broadcast %add3A_254 : i32 to vector<16xi32>
        %add3A_256 = arith.addi %iota3A, %add3A_255 : vector<16xi32>
        %gather3A_257 = arith.constant 0 : i32
        %gather3A_258 = arith.constant 0 : i32
        %gather3A_259 = tpu.memref_slice %arg10[%gather3A_257, %gather3A_258] : memref<64x64xf32, #tpu.memory_space<vmem>> -> memref<64x64xf32, #tpu.memory_space<vmem>>
        %gather3A_260 = tpu.vector_load_idx %gather3A_259[%add3A_256, %gather3A_219] : memref<64x64xf32, #tpu.memory_space<vmem>>[vector<16xi32>, vector<16xi32>], vector<16xf32>,
        %scatter3A_261 = arith.constant 0 : i32
        %scatter3A_262 = arith.constant 0 : i32
        %scatter3A_263 = tpu.memref_slice %arg11[%scatter3A_261, %scatter3A_262] : memref<128x128xf32, #tpu.memory_space<vmem>> -> memref<128x128xf32, #tpu.memory_space<vmem>>
        tpu.vector_store_idx %scatter3A_263[%broadcast_in_dim3A_223, %add3A_256], %gather3A_260 : memref<128x128xf32, #tpu.memory_space<vmem>>[vector<16xi32>, vector<16xi32>], vector<16xf32>,
        %scatter3A_264 = arith.constant 0 : i32
        %scatter3A_265 = arith.constant 0 : i32
        %scatter3A_266 = tpu.memref_slice %arg12[%scatter3A_264, %scatter3A_265] : memref<1x128xi32, #tpu.memory_space<vmem>> -> memref<1x128xi32, #tpu.memory_space<vmem>>
        tpu.vector_store_idx %scatter3A_266[%broadcast_in_dim3A_1, %broadcast_in_dim3A_223], %gather3A_222 masked %eq3A_6 : memref<1x128xi32, #tpu.memory_space<vmem>>[vector<16xi32>, vector<16xi32>], vector<16xi32>, vector<16xi1>
        %add3A_267 = arith.constant 1 : i32
        %add3A_268 = arith.addi %while3A_216, %add3A_267 : i32
        %eq3A_269 = arith.constant 128 : i32
        %eq3A_270 = arith.cmpi eq, %add3A_268, %eq3A_269 : i32
        %convert_element_type3A_271 = arith.extui %eq3A_270 : i1 to i32
        %cond3A_272 = arith.constant 0 : i32
        %cond3A_273 = arith.cmpi ne, %convert_element_type3A_271, %cond3A_272 : i32
        scf.if %cond3A_273 {
          %run_scoped3A_278 = arith.constant 0 : i32
          "tpu.region"() ({
            %run_scoped3A_327 = tpu.sem_alloc : memref<!tpu.dma_semaphore, #tpu.memory_space<semaphore_mem>>
            %dma_start3A = arith.constant 0 : i32
            %dma_start3A_328 = tpu.memref_slice %arg12[%run_scoped3A_278, %dma_start3A] : memref<1x128xi32, #tpu.memory_space<vmem>> -> memref<1x128xi32, #tpu.memory_space<vmem>>
            %dma_start3A_329 = tpu.memref_squeeze %dma_start3A_328 : memref<1x128xi32, #tpu.memory_space<vmem>> -> memref<128xi32, #tpu.memory_space<vmem>>
            %dma_start3A_330 = arith.constant 0 : i32
            %dma_start3A_331 = arith.constant 0 : i32
            %dma_start3A_332 = tpu.memref_slice %arg5[%dma_start3A_330, %dma_start3A_331] : memref<16416x128xf32, #tpu.memory_space<hbm>> -> memref<16416x128xf32, #tpu.memory_space<hbm>>
            tpu.enqueue_indirect_dma source(%arg11 : memref<128x128xf32, #tpu.memory_space<vmem>>) target(%dma_start3A_332 : memref<16416x128xf32, #tpu.memory_space<hbm>>) offsets(%dma_start3A_329 : memref<128xi32, #tpu.memory_space<vmem>>) semaphore(%run_scoped3A_327 : memref<!tpu.dma_semaphore, #tpu.memory_space<semaphore_mem>>)
            %dma_wait3A = arith.constant 0 : i32
            %dma_wait3A_333 = tpu.memref_slice %arg12[%run_scoped3A_278, %dma_wait3A] : memref<1x128xi32, #tpu.memory_space<vmem>> -> memref<1x128xi32, #tpu.memory_space<vmem>>
            %dma_wait3A_334 = tpu.memref_squeeze %dma_wait3A_333 : memref<1x128xi32, #tpu.memory_space<vmem>> -> memref<128xi32, #tpu.memory_space<vmem>>
            %dma_wait3A_335 = arith.constant 0 : i32
            %dma_wait3A_336 = arith.constant 0 : i32
            %dma_wait3A_337 = tpu.memref_slice %arg5[%dma_wait3A_335, %dma_wait3A_336] : memref<16416x128xf32, #tpu.memory_space<hbm>> -> memref<16416x128xf32, #tpu.memory_space<hbm>>
            tpu.wait_indirect_dma semaphore(%run_scoped3A_327 : memref<!tpu.dma_semaphore, #tpu.memory_space<semaphore_mem>>) src(%arg11 : memref<128x128xf32, #tpu.memory_space<vmem>>) dst(%dma_wait3A_337 : memref<16416x128xf32, #tpu.memory_space<hbm>>)
            tpu.yield
          }) : () -> ()
          %add3A_279 = arith.constant 0 : i32
          %add3A_280 = vector.broadcast %add3A_279 : i32 to vector<16xi32>
          %add3A_281 = arith.addi %iota3A, %add3A_280 : vector<16xi32>
          %scatter3A_282 = arith.constant 0 : i32
          %scatter3A_283 = arith.constant 0 : i32
          %scatter3A_284 = tpu.memref_slice %arg12[%scatter3A_282, %scatter3A_283] : memref<1x128xi32, #tpu.memory_space<vmem>> -> memref<1x128xi32, #tpu.memory_space<vmem>>
          tpu.vector_store_idx %scatter3A_284[%broadcast_in_dim3A_1, %add3A_281], %broadcast_in_dim3A_4 : memref<1x128xi32, #tpu.memory_space<vmem>>[vector<16xi32>, vector<16xi32>], vector<16xi32>,
          %add3A_285 = arith.constant 16 : i32
          %add3A_286 = vector.broadcast %add3A_285 : i32 to vector<16xi32>
          %add3A_287 = arith.addi %iota3A, %add3A_286 : vector<16xi32>
          %scatter3A_288 = arith.constant 0 : i32
          %scatter3A_289 = arith.constant 0 : i32
          %scatter3A_290 = tpu.memref_slice %arg12[%scatter3A_288, %scatter3A_289] : memref<1x128xi32, #tpu.memory_space<vmem>> -> memref<1x128xi32, #tpu.memory_space<vmem>>
          tpu.vector_store_idx %scatter3A_290[%broadcast_in_dim3A_1, %add3A_287], %broadcast_in_dim3A_4 : memref<1x128xi32, #tpu.memory_space<vmem>>[vector<16xi32>, vector<16xi32>], vector<16xi32>,
          %add3A_291 = arith.constant 32 : i32
          %add3A_292 = vector.broadcast %add3A_291 : i32 to vector<16xi32>
          %add3A_293 = arith.addi %iota3A, %add3A_292 : vector<16xi32>
          %scatter3A_294 = arith.constant 0 : i32
          %scatter3A_295 = arith.constant 0 : i32
          %scatter3A_296 = tpu.memref_slice %arg12[%scatter3A_294, %scatter3A_295] : memref<1x128xi32, #tpu.memory_space<vmem>> -> memref<1x128xi32, #tpu.memory_space<vmem>>
          tpu.vector_store_idx %scatter3A_296[%broadcast_in_dim3A_1, %add3A_293], %broadcast_in_dim3A_4 : memref<1x128xi32, #tpu.memory_space<vmem>>[vector<16xi32>, vector<16xi32>], vector<16xi32>,
          %add3A_297 = arith.constant 48 : i32
          %add3A_298 = vector.broadcast %add3A_297 : i32 to vector<16xi32>
          %add3A_299 = arith.addi %iota3A, %add3A_298 : vector<16xi32>
          %scatter3A_300 = arith.constant 0 : i32
          %scatter3A_301 = arith.constant 0 : i32
          %scatter3A_302 = tpu.memref_slice %arg12[%scatter3A_300, %scatter3A_301] : memref<1x128xi32, #tpu.memory_space<vmem>> -> memref<1x128xi32, #tpu.memory_space<vmem>>
          tpu.vector_store_idx %scatter3A_302[%broadcast_in_dim3A_1, %add3A_299], %broadcast_in_dim3A_4 : memref<1x128xi32, #tpu.memory_space<vmem>>[vector<16xi32>, vector<16xi32>], vector<16xi32>,
          %add3A_303 = arith.constant 64 : i32
          %add3A_304 = vector.broadcast %add3A_303 : i32 to vector<16xi32>
          %add3A_305 = arith.addi %iota3A, %add3A_304 : vector<16xi32>
          %scatter3A_306 = arith.constant 0 : i32
          %scatter3A_307 = arith.constant 0 : i32
          %scatter3A_308 = tpu.memref_slice %arg12[%scatter3A_306, %scatter3A_307] : memref<1x128xi32, #tpu.memory_space<vmem>> -> memref<1x128xi32, #tpu.memory_space<vmem>>
          tpu.vector_store_idx %scatter3A_308[%broadcast_in_dim3A_1, %add3A_305], %broadcast_in_dim3A_4 : memref<1x128xi32, #tpu.memory_space<vmem>>[vector<16xi32>, vector<16xi32>], vector<16xi32>,
          %add3A_309 = arith.constant 80 : i32
          %add3A_310 = vector.broadcast %add3A_309 : i32 to vector<16xi32>
          %add3A_311 = arith.addi %iota3A, %add3A_310 : vector<16xi32>
          %scatter3A_312 = arith.constant 0 : i32
          %scatter3A_313 = arith.constant 0 : i32
          %scatter3A_314 = tpu.memref_slice %arg12[%scatter3A_312, %scatter3A_313] : memref<1x128xi32, #tpu.memory_space<vmem>> -> memref<1x128xi32, #tpu.memory_space<vmem>>
          tpu.vector_store_idx %scatter3A_314[%broadcast_in_dim3A_1, %add3A_311], %broadcast_in_dim3A_4 : memref<1x128xi32, #tpu.memory_space<vmem>>[vector<16xi32>, vector<16xi32>], vector<16xi32>,
          %add3A_315 = arith.constant 96 : i32
          %add3A_316 = vector.broadcast %add3A_315 : i32 to vector<16xi32>
          %add3A_317 = arith.addi %iota3A, %add3A_316 : vector<16xi32>
          %scatter3A_318 = arith.constant 0 : i32
          %scatter3A_319 = arith.constant 0 : i32
          %scatter3A_320 = tpu.memref_slice %arg12[%scatter3A_318, %scatter3A_319] : memref<1x128xi32, #tpu.memory_space<vmem>> -> memref<1x128xi32, #tpu.memory_space<vmem>>
          tpu.vector_store_idx %scatter3A_320[%broadcast_in_dim3A_1, %add3A_317], %broadcast_in_dim3A_4 : memref<1x128xi32, #tpu.memory_space<vmem>>[vector<16xi32>, vector<16xi32>], vector<16xi32>,
          %add3A_321 = arith.constant 112 : i32
          %add3A_322 = vector.broadcast %add3A_321 : i32 to vector<16xi32>
          %add3A_323 = arith.addi %iota3A, %add3A_322 : vector<16xi32>
          %scatter3A_324 = arith.constant 0 : i32
          %scatter3A_325 = arith.constant 0 : i32
          %scatter3A_326 = tpu.memref_slice %arg12[%scatter3A_324, %scatter3A_325] : memref<1x128xi32, #tpu.memory_space<vmem>> -> memref<1x128xi32, #tpu.memory_space<vmem>>
          tpu.vector_store_idx %scatter3A_326[%broadcast_in_dim3A_1, %add3A_323], %broadcast_in_dim3A_4 : memref<1x128xi32, #tpu.memory_space<vmem>>[vector<16xi32>, vector<16xi32>], vector<16xi32>,
        } else {
        }
        %eq3A_274 = arith.constant 128 : i32
        %eq3A_275 = arith.cmpi eq, %add3A_268, %eq3A_274 : i32
        %jit3A_276 = arith.constant 0 : i32
        %select_n3A_277 = arith.select %eq3A_275, %jit3A_276, %add3A_268 : i32
        scf.yield %select_n3A_277 : i32
      }
      %while3A_213 = arith.constant 1 : i32
      %while3A_214 = scf.for %while3A_215 = %while3A_210 to %while3A_206 step %while3A_213 iter_args(%while3A_216 = %while3A_212) -> (i32)  : i32 {
        %broadcast_in_dim3A_217 = vector.broadcast %while3A_215 : i32 to vector<16xi32>
        %gather3A = arith.constant 0 : i32
        %gather3A_218 = tpu.memref_slice %arg13[%gather3A] : memref<16xi32, #tpu.memory_space<vmem>> -> memref<16xi32, #tpu.memory_space<vmem>>
        %gather3A_219 = tpu.vector_load_idx %gather3A_218[%broadcast_in_dim3A_217] : memref<16xi32, #tpu.memory_space<vmem>>[vector<16xi32>], vector<16xi32>,
        %gather3A_220 = arith.constant 0 : i32
        %gather3A_221 = tpu.memref_slice %arg14[%gather3A_220] : memref<16xi32, #tpu.memory_space<vmem>> -> memref<16xi32, #tpu.memory_space<vmem>>
        %gather3A_222 = tpu.vector_load_idx %gather3A_221[%broadcast_in_dim3A_217] : memref<16xi32, #tpu.memory_space<vmem>>[vector<16xi32>], vector<16xi32>,
        %broadcast_in_dim3A_223 = vector.broadcast %while3A_216 : i32 to vector<16xi32>
        %add3A_224 = arith.constant 0 : i32
        %add3A_225 = vector.broadcast %add3A_224 : i32 to vector<16xi32>
        %add3A_226 = arith.addi %iota3A, %add3A_225 : vector<16xi32>
        %gather3A_227 = arith.constant 0 : i32
        %gather3A_228 = arith.constant 0 : i32
        %gather3A_229 = tpu.memref_slice %arg10[%gather3A_227, %gather3A_228] : memref<64x64xf32, #tpu.memory_space<vmem>> -> memref<64x64xf32, #tpu.memory_space<vmem>>
        %gather3A_230 = tpu.vector_load_idx %gather3A_229[%add3A_226, %gather3A_219] : memref<64x64xf32, #tpu.memory_space<vmem>>[vector<16xi32>, vector<16xi32>], vector<16xf32>,
        %scatter3A_231 = arith.constant 0 : i32
        %scatter3A_232 = arith.constant 0 : i32
        %scatter3A_233 = tpu.memref_slice %arg11[%scatter3A_231, %scatter3A_232] : memref<128x128xf32, #tpu.memory_space<vmem>> -> memref<128x128xf32, #tpu.memory_space<vmem>>
        tpu.vector_store_idx %scatter3A_233[%broadcast_in_dim3A_223, %add3A_226], %gather3A_230 : memref<128x128xf32, #tpu.memory_space<vmem>>[vector<16xi32>, vector<16xi32>], vector<16xf32>,
        %add3A_234 = arith.constant 16 : i32
        %add3A_235 = vector.broadcast %add3A_234 : i32 to vector<16xi32>
        %add3A_236 = arith.addi %iota3A, %add3A_235 : vector<16xi32>
        %gather3A_237 = arith.constant 0 : i32
        %gather3A_238 = arith.constant 0 : i32
        %gather3A_239 = tpu.memref_slice %arg10[%gather3A_237, %gather3A_238] : memref<64x64xf32, #tpu.memory_space<vmem>> -> memref<64x64xf32, #tpu.memory_space<vmem>>
        %gather3A_240 = tpu.vector_load_idx %gather3A_239[%add3A_236, %gather3A_219] : memref<64x64xf32, #tpu.memory_space<vmem>>[vector<16xi32>, vector<16xi32>], vector<16xf32>,
        %scatter3A_241 = arith.constant 0 : i32
        %scatter3A_242 = arith.constant 0 : i32
        %scatter3A_243 = tpu.memref_slice %arg11[%scatter3A_241, %scatter3A_242] : memref<128x128xf32, #tpu.memory_space<vmem>> -> memref<128x128xf32, #tpu.memory_space<vmem>>
        tpu.vector_store_idx %scatter3A_243[%broadcast_in_dim3A_223, %add3A_236], %gather3A_240 : memref<128x128xf32, #tpu.memory_space<vmem>>[vector<16xi32>, vector<16xi32>], vector<16xf32>,
        %add3A_244 = arith.constant 32 : i32
        %add3A_245 = vector.broadcast %add3A_244 : i32 to vector<16xi32>
        %add3A_246 = arith.addi %iota3A, %add3A_245 : vector<16xi32>
        %gather3A_247 = arith.constant 0 : i32
        %gather3A_248 = arith.constant 0 : i32
        %gather3A_249 = tpu.memref_slice %arg10[%gather3A_247, %gather3A_248] : memref<64x64xf32, #tpu.memory_space<vmem>> -> memref<64x64xf32, #tpu.memory_space<vmem>>
        %gather3A_250 = tpu.vector_load_idx %gather3A_249[%add3A_246, %gather3A_219] : memref<64x64xf32, #tpu.memory_space<vmem>>[vector<16xi32>, vector<16xi32>], vector<16xf32>,
        %scatter3A_251 = arith.constant 0 : i32
        %scatter3A_252 = arith.constant 0 : i32
        %scatter3A_253 = tpu.memref_slice %arg11[%scatter3A_251, %scatter3A_252] : memref<128x128xf32, #tpu.memory_space<vmem>> -> memref<128x128xf32, #tpu.memory_space<vmem>>
        tpu.vector_store_idx %scatter3A_253[%broadcast_in_dim3A_223, %add3A_246], %gather3A_250 : memref<128x128xf32, #tpu.memory_space<vmem>>[vector<16xi32>, vector<16xi32>], vector<16xf32>,
        %add3A_254 = arith.constant 48 : i32
        %add3A_255 = vector.broadcast %add3A_254 : i32 to vector<16xi32>
        %add3A_256 = arith.addi %iota3A, %add3A_255 : vector<16xi32>
        %gather3A_257 = arith.constant 0 : i32
        %gather3A_258 = arith.constant 0 : i32
        %gather3A_259 = tpu.memref_slice %arg10[%gather3A_257, %gather3A_258] : memref<64x64xf32, #tpu.memory_space<vmem>> -> memref<64x64xf32, #tpu.memory_space<vmem>>
        %gather3A_260 = tpu.vector_load_idx %gather3A_259[%add3A_256, %gather3A_219] : memref<64x64xf32, #tpu.memory_space<vmem>>[vector<16xi32>, vector<16xi32>], vector<16xf32>,
        %scatter3A_261 = arith.constant 0 : i32
        %scatter3A_262 = arith.constant 0 : i32
        %scatter3A_263 = tpu.memref_slice %arg11[%scatter3A_261, %scatter3A_262] : memref<128x128xf32, #tpu.memory_space<vmem>> -> memref<128x128xf32, #tpu.memory_space<vmem>>
        tpu.vector_store_idx %scatter3A_263[%broadcast_in_dim3A_223, %add3A_256], %gather3A_260 : memref<128x128xf32, #tpu.memory_space<vmem>>[vector<16xi32>, vector<16xi32>], vector<16xf32>,
        %scatter3A_264 = arith.constant 0 : i32
        %scatter3A_265 = arith.constant 0 : i32
        %scatter3A_266 = tpu.memref_slice %arg12[%scatter3A_264, %scatter3A_265] : memref<1x128xi32, #tpu.memory_space<vmem>> -> memref<1x128xi32, #tpu.memory_space<vmem>>
        tpu.vector_store_idx %scatter3A_266[%broadcast_in_dim3A_1, %broadcast_in_dim3A_223], %gather3A_222 masked %eq3A_6 : memref<1x128xi32, #tpu.memory_space<vmem>>[vector<16xi32>, vector<16xi32>], vector<16xi32>, vector<16xi1>
        %add3A_267 = arith.constant 1 : i32
        %add3A_268 = arith.addi %while3A_216, %add3A_267 : i32
        %eq3A_269 = arith.constant 128 : i32
        %eq3A_270 = arith.cmpi eq, %add3A_268, %eq3A_269 : i32
        %convert_element_type3A_271 = arith.extui %eq3A_270 : i1 to i32
        %cond3A_272 = arith.constant 0 : i32
        %cond3A_273 = arith.cmpi ne, %convert_element_type3A_271, %cond3A_272 : i32
        scf.if %cond3A_273 {
          %run_scoped3A_278 = arith.constant 0 : i32
          "tpu.region"() ({
            %run_scoped3A_327 = tpu.sem_alloc : memref<!tpu.dma_semaphore, #tpu.memory_space<semaphore_mem>>
            %dma_start3A = arith.constant 0 : i32
            %dma_start3A_328 = tpu.memref_slice %arg12[%run_scoped3A_278, %dma_start3A] : memref<1x128xi32, #tpu.memory_space<vmem>> -> memref<1x128xi32, #tpu.memory_space<vmem>>
            %dma_start3A_329 = tpu.memref_squeeze %dma_start3A_328 : memref<1x128xi32, #tpu.memory_space<vmem>> -> memref<128xi32, #tpu.memory_space<vmem>>
            %dma_start3A_330 = arith.constant 0 : i32
            %dma_start3A_331 = arith.constant 0 : i32
            %dma_start3A_332 = tpu.memref_slice %arg5[%dma_start3A_330, %dma_start3A_331] : memref<16416x128xf32, #tpu.memory_space<hbm>> -> memref<16416x128xf32, #tpu.memory_space<hbm>>
            tpu.enqueue_indirect_dma source(%arg11 : memref<128x128xf32, #tpu.memory_space<vmem>>) target(%dma_start3A_332 : memref<16416x128xf32, #tpu.memory_space<hbm>>) offsets(%dma_start3A_329 : memref<128xi32, #tpu.memory_space<vmem>>) semaphore(%run_scoped3A_327 : memref<!tpu.dma_semaphore, #tpu.memory_space<semaphore_mem>>)
            %dma_wait3A = arith.constant 0 : i32
            %dma_wait3A_333 = tpu.memref_slice %arg12[%run_scoped3A_278, %dma_wait3A] : memref<1x128xi32, #tpu.memory_space<vmem>> -> memref<1x128xi32, #tpu.memory_space<vmem>>
            %dma_wait3A_334 = tpu.memref_squeeze %dma_wait3A_333 : memref<1x128xi32, #tpu.memory_space<vmem>> -> memref<128xi32, #tpu.memory_space<vmem>>
            %dma_wait3A_335 = arith.constant 0 : i32
            %dma_wait3A_336 = arith.constant 0 : i32
            %dma_wait3A_337 = tpu.memref_slice %arg5[%dma_wait3A_335, %dma_wait3A_336] : memref<16416x128xf32, #tpu.memory_space<hbm>> -> memref<16416x128xf32, #tpu.memory_space<hbm>>
            tpu.wait_indirect_dma semaphore(%run_scoped3A_327 : memref<!tpu.dma_semaphore, #tpu.memory_space<semaphore_mem>>) src(%arg11 : memref<128x128xf32, #tpu.memory_space<vmem>>) dst(%dma_wait3A_337 : memref<16416x128xf32, #tpu.memory_space<hbm>>)
            tpu.yield
          }) : () -> ()
          %add3A_279 = arith.constant 0 : i32
          %add3A_280 = vector.broadcast %add3A_279 : i32 to vector<16xi32>
          %add3A_281 = arith.addi %iota3A, %add3A_280 : vector<16xi32>
          %scatter3A_282 = arith.constant 0 : i32
          %scatter3A_283 = arith.constant 0 : i32
          %scatter3A_284 = tpu.memref_slice %arg12[%scatter3A_282, %scatter3A_283] : memref<1x128xi32, #tpu.memory_space<vmem>> -> memref<1x128xi32, #tpu.memory_space<vmem>>
          tpu.vector_store_idx %scatter3A_284[%broadcast_in_dim3A_1, %add3A_281], %broadcast_in_dim3A_4 : memref<1x128xi32, #tpu.memory_space<vmem>>[vector<16xi32>, vector<16xi32>], vector<16xi32>,
          %add3A_285 = arith.constant 16 : i32
          %add3A_286 = vector.broadcast %add3A_285 : i32 to vector<16xi32>
          %add3A_287 = arith.addi %iota3A, %add3A_286 : vector<16xi32>
          %scatter3A_288 = arith.constant 0 : i32
          %scatter3A_289 = arith.constant 0 : i32
          %scatter3A_290 = tpu.memref_slice %arg12[%scatter3A_288, %scatter3A_289] : memref<1x128xi32, #tpu.memory_space<vmem>> -> memref<1x128xi32, #tpu.memory_space<vmem>>
          tpu.vector_store_idx %scatter3A_290[%broadcast_in_dim3A_1, %add3A_287], %broadcast_in_dim3A_4 : memref<1x128xi32, #tpu.memory_space<vmem>>[vector<16xi32>, vector<16xi32>], vector<16xi32>,
          %add3A_291 = arith.constant 32 : i32
          %add3A_292 = vector.broadcast %add3A_291 : i32 to vector<16xi32>
          %add3A_293 = arith.addi %iota3A, %add3A_292 : vector<16xi32>
          %scatter3A_294 = arith.constant 0 : i32
          %scatter3A_295 = arith.constant 0 : i32
          %scatter3A_296 = tpu.memref_slice %arg12[%scatter3A_294, %scatter3A_295] : memref<1x128xi32, #tpu.memory_space<vmem>> -> memref<1x128xi32, #tpu.memory_space<vmem>>
          tpu.vector_store_idx %scatter3A_296[%broadcast_in_dim3A_1, %add3A_293], %broadcast_in_dim3A_4 : memref<1x128xi32, #tpu.memory_space<vmem>>[vector<16xi32>, vector<16xi32>], vector<16xi32>,
          %add3A_297 = arith.constant 48 : i32
          %add3A_298 = vector.broadcast %add3A_297 : i32 to vector<16xi32>
          %add3A_299 = arith.addi %iota3A, %add3A_298 : vector<16xi32>
          %scatter3A_300 = arith.constant 0 : i32
          %scatter3A_301 = arith.constant 0 : i32
          %scatter3A_302 = tpu.memref_slice %arg12[%scatter3A_300, %scatter3A_301] : memref<1x128xi32, #tpu.memory_space<vmem>> -> memref<1x128xi32, #tpu.memory_space<vmem>>
          tpu.vector_store_idx %scatter3A_302[%broadcast_in_dim3A_1, %add3A_299], %broadcast_in_dim3A_4 : memref<1x128xi32, #tpu.memory_space<vmem>>[vector<16xi32>, vector<16xi32>], vector<16xi32>,
          %add3A_303 = arith.constant 64 : i32
          %add3A_304 = vector.broadcast %add3A_303 : i32 to vector<16xi32>
          %add3A_305 = arith.addi %iota3A, %add3A_304 : vector<16xi32>
          %scatter3A_306 = arith.constant 0 : i32
          %scatter3A_307 = arith.constant 0 : i32
          %scatter3A_308 = tpu.memref_slice %arg12[%scatter3A_306, %scatter3A_307] : memref<1x128xi32, #tpu.memory_space<vmem>> -> memref<1x128xi32, #tpu.memory_space<vmem>>
          tpu.vector_store_idx %scatter3A_308[%broadcast_in_dim3A_1, %add3A_305], %broadcast_in_dim3A_4 : memref<1x128xi32, #tpu.memory_space<vmem>>[vector<16xi32>, vector<16xi32>], vector<16xi32>,
          %add3A_309 = arith.constant 80 : i32
          %add3A_310 = vector.broadcast %add3A_309 : i32 to vector<16xi32>
          %add3A_311 = arith.addi %iota3A, %add3A_310 : vector<16xi32>
          %scatter3A_312 = arith.constant 0 : i32
          %scatter3A_313 = arith.constant 0 : i32
          %scatter3A_314 = tpu.memref_slice %arg12[%scatter3A_312, %scatter3A_313] : memref<1x128xi32, #tpu.memory_space<vmem>> -> memref<1x128xi32, #tpu.memory_space<vmem>>
          tpu.vector_store_idx %scatter3A_314[%broadcast_in_dim3A_1, %add3A_311], %broadcast_in_dim3A_4 : memref<1x128xi32, #tpu.memory_space<vmem>>[vector<16xi32>, vector<16xi32>], vector<16xi32>,
          %add3A_315 = arith.constant 96 : i32
          %add3A_316 = vector.broadcast %add3A_315 : i32 to vector<16xi32>
          %add3A_317 = arith.addi %iota3A, %add3A_316 : vector<16xi32>
          %scatter3A_318 = arith.constant 0 : i32
          %scatter3A_319 = arith.constant 0 : i32
          %scatter3A_320 = tpu.memref_slice %arg12[%scatter3A_318, %scatter3A_319] : memref<1x128xi32, #tpu.memory_space<vmem>> -> memref<1x128xi32, #tpu.memory_space<vmem>>
          tpu.vector_store_idx %scatter3A_320[%broadcast_in_dim3A_1, %add3A_317], %broadcast_in_dim3A_4 : memref<1x128xi32, #tpu.memory_space<vmem>>[vector<16xi32>, vector<16xi32>], vector<16xi32>,
          %add3A_321 = arith.constant 112 : i32
          %add3A_322 = vector.broadcast %add3A_321 : i32 to vector<16xi32>
          %add3A_323 = arith.addi %iota3A, %add3A_322 : vector<16xi32>
          %scatter3A_324 = arith.constant 0 : i32
          %scatter3A_325 = arith.constant 0 : i32
          %scatter3A_326 = tpu.memref_slice %arg12[%scatter3A_324, %scatter3A_325] : memref<1x128xi32, #tpu.memory_space<vmem>> -> memref<1x128xi32, #tpu.memory_space<vmem>>
          tpu.vector_store_idx %scatter3A_326[%broadcast_in_dim3A_1, %add3A_323], %broadcast_in_dim3A_4 : memref<1x128xi32, #tpu.memory_space<vmem>>[vector<16xi32>, vector<16xi32>], vector<16xi32>,
        } else {
        }
        %eq3A_274 = arith.constant 128 : i32
        %eq3A_275 = arith.cmpi eq, %add3A_268, %eq3A_274 : i32
        %jit3A_276 = arith.constant 0 : i32
        %select_n3A_277 = arith.select %eq3A_275, %jit3A_276, %add3A_268 : i32
        scf.yield %select_n3A_277 : i32
      }
      scf.yield %while3A_214 : i32
    }
    %run_scoped3A = arith.constant 0 : i32
    "tpu.region"() ({
      %run_scoped3A_178 = tpu.sem_alloc : memref<!tpu.dma_semaphore, #tpu.memory_space<semaphore_mem>>
      %dma_start3A = arith.constant 0 : i32
      %dma_start3A_179 = tpu.memref_slice %arg12[%run_scoped3A, %dma_start3A] : memref<1x128xi32, #tpu.memory_space<vmem>> -> memref<1x128xi32, #tpu.memory_space<vmem>>
      %dma_start3A_180 = tpu.memref_squeeze %dma_start3A_179 : memref<1x128xi32, #tpu.memory_space<vmem>> -> memref<128xi32, #tpu.memory_space<vmem>>
      %dma_start3A_181 = arith.constant 0 : i32
      %dma_start3A_182 = arith.constant 0 : i32
      %dma_start3A_183 = tpu.memref_slice %arg5[%dma_start3A_181, %dma_start3A_182] : memref<16416x128xf32, #tpu.memory_space<hbm>> -> memref<16416x128xf32, #tpu.memory_space<hbm>>
      tpu.enqueue_indirect_dma source(%arg11 : memref<128x128xf32, #tpu.memory_space<vmem>>) target(%dma_start3A_183 : memref<16416x128xf32, #tpu.memory_space<hbm>>) offsets(%dma_start3A_180 : memref<128xi32, #tpu.memory_space<vmem>>) semaphore(%run_scoped3A_178 : memref<!tpu.dma_semaphore, #tpu.memory_space<semaphore_mem>>)
      %dma_wait3A = arith.constant 0 : i32
      %dma_wait3A_184 = tpu.memref_slice %arg12[%run_scoped3A, %dma_wait3A] : memref<1x128xi32, #tpu.memory_space<vmem>> -> memref<1x128xi32, #tpu.memory_space<vmem>>
      %dma_wait3A_185 = tpu.memref_squeeze %dma_wait3A_184 : memref<1x128xi32, #tpu.memory_space<vmem>> -> memref<128xi32, #tpu.memory_space<vmem>>
      %dma_wait3A_186 = arith.constant 0 : i32
      %dma_wait3A_187 = arith.constant 0 : i32
      %dma_wait3A_188 = tpu.memref_slice %arg5[%dma_wait3A_186, %dma_wait3A_187] : memref<16416x128xf32, #tpu.memory_space<hbm>> -> memref<16416x128xf32, #tpu.memory_space<hbm>>
      tpu.wait_indirect_dma semaphore(%run_scoped3A_178 : memref<!tpu.dma_semaphore, #tpu.memory_space<semaphore_mem>>) src(%arg11 : memref<128x128xf32, #tpu.memory_space<vmem>>) dst(%dma_wait3A_188 : memref<16416x128xf32, #tpu.memory_space<hbm>>)
      tpu.yield
    }) : () -> ()
    %add3A_130 = arith.constant 0 : i32
    %add3A_131 = vector.broadcast %add3A_130 : i32 to vector<16xi32>
    %add3A_132 = arith.addi %iota3A, %add3A_131 : vector<16xi32>
    %scatter3A_133 = arith.constant 0 : i32
    %scatter3A_134 = arith.constant 0 : i32
    %scatter3A_135 = tpu.memref_slice %arg12[%scatter3A_133, %scatter3A_134] : memref<1x128xi32, #tpu.memory_space<vmem>> -> memref<1x128xi32, #tpu.memory_space<vmem>>
    tpu.vector_store_idx %scatter3A_135[%broadcast_in_dim3A_1, %add3A_132], %broadcast_in_dim3A_4 : memref<1x128xi32, #tpu.memory_space<vmem>>[vector<16xi32>, vector<16xi32>], vector<16xi32>,
    %add3A_136 = arith.constant 16 : i32
    %add3A_137 = vector.broadcast %add3A_136 : i32 to vector<16xi32>
    %add3A_138 = arith.addi %iota3A, %add3A_137 : vector<16xi32>
    %scatter3A_139 = arith.constant 0 : i32
    %scatter3A_140 = arith.constant 0 : i32
    %scatter3A_141 = tpu.memref_slice %arg12[%scatter3A_139, %scatter3A_140] : memref<1x128xi32, #tpu.memory_space<vmem>> -> memref<1x128xi32, #tpu.memory_space<vmem>>
    tpu.vector_store_idx %scatter3A_141[%broadcast_in_dim3A_1, %add3A_138], %broadcast_in_dim3A_4 : memref<1x128xi32, #tpu.memory_space<vmem>>[vector<16xi32>, vector<16xi32>], vector<16xi32>,
    %add3A_142 = arith.constant 32 : i32
    %add3A_143 = vector.broadcast %add3A_142 : i32 to vector<16xi32>
    %add3A_144 = arith.addi %iota3A, %add3A_143 : vector<16xi32>
    %scatter3A_145 = arith.constant 0 : i32
    %scatter3A_146 = arith.constant 0 : i32
    %scatter3A_147 = tpu.memref_slice %arg12[%scatter3A_145, %scatter3A_146] : memref<1x128xi32, #tpu.memory_space<vmem>> -> memref<1x128xi32, #tpu.memory_space<vmem>>
    tpu.vector_store_idx %scatter3A_147[%broadcast_in_dim3A_1, %add3A_144], %broadcast_in_dim3A_4 : memref<1x128xi32, #tpu.memory_space<vmem>>[vector<16xi32>, vector<16xi32>], vector<16xi32>,
    %add3A_148 = arith.constant 48 : i32
    %add3A_149 = vector.broadcast %add3A_148 : i32 to vector<16xi32>
    %add3A_150 = arith.addi %iota3A, %add3A_149 : vector<16xi32>
    %scatter3A_151 = arith.constant 0 : i32
    %scatter3A_152 = arith.constant 0 : i32
    %scatter3A_153 = tpu.memref_slice %arg12[%scatter3A_151, %scatter3A_152] : memref<1x128xi32, #tpu.memory_space<vmem>> -> memref<1x128xi32, #tpu.memory_space<vmem>>
    tpu.vector_store_idx %scatter3A_153[%broadcast_in_dim3A_1, %add3A_150], %broadcast_in_dim3A_4 : memref<1x128xi32, #tpu.memory_space<vmem>>[vector<16xi32>, vector<16xi32>], vector<16xi32>,
    %add3A_154 = arith.constant 64 : i32
    %add3A_155 = vector.broadcast %add3A_154 : i32 to vector<16xi32>
    %add3A_156 = arith.addi %iota3A, %add3A_155 : vector<16xi32>
    %scatter3A_157 = arith.constant 0 : i32
    %scatter3A_158 = arith.constant 0 : i32
    %scatter3A_159 = tpu.memref_slice %arg12[%scatter3A_157, %scatter3A_158] : memref<1x128xi32, #tpu.memory_space<vmem>> -> memref<1x128xi32, #tpu.memory_space<vmem>>
    tpu.vector_store_idx %scatter3A_159[%broadcast_in_dim3A_1, %add3A_156], %broadcast_in_dim3A_4 : memref<1x128xi32, #tpu.memory_space<vmem>>[vector<16xi32>, vector<16xi32>], vector<16xi32>,
    %add3A_160 = arith.constant 80 : i32
    %add3A_161 = vector.broadcast %add3A_160 : i32 to vector<16xi32>
    %add3A_162 = arith.addi %iota3A, %add3A_161 : vector<16xi32>
    %scatter3A_163 = arith.constant 0 : i32
    %scatter3A_164 = arith.constant 0 : i32
    %scatter3A_165 = tpu.memref_slice %arg12[%scatter3A_163, %scatter3A_164] : memref<1x128xi32, #tpu.memory_space<vmem>> -> memref<1x128xi32, #tpu.memory_space<vmem>>
    tpu.vector_store_idx %scatter3A_165[%broadcast_in_dim3A_1, %add3A_162], %broadcast_in_dim3A_4 : memref<1x128xi32, #tpu.memory_space<vmem>>[vector<16xi32>, vector<16xi32>], vector<16xi32>,
    %add3A_166 = arith.constant 96 : i32
    %add3A_167 = vector.broadcast %add3A_166 : i32 to vector<16xi32>
    %add3A_168 = arith.addi %iota3A, %add3A_167 : vector<16xi32>
    %scatter3A_169 = arith.constant 0 : i32
    %scatter3A_170 = arith.constant 0 : i32
    %scatter3A_171 = tpu.memref_slice %arg12[%scatter3A_169, %scatter3A_170] : memref<1x128xi32, #tpu.memory_space<vmem>> -> memref<1x128xi32, #tpu.memory_space<vmem>>
    tpu.vector_store_idx %scatter3A_171[%broadcast_in_dim3A_1, %add3A_168], %broadcast_in_dim3A_4 : memref<1x128xi32, #tpu.memory_space<vmem>>[vector<16xi32>, vector<16xi32>], vector<16xi32>,
    %add3A_172 = arith.constant 112 : i32
    %add3A_173 = vector.broadcast %add3A_172 : i32 to vector<16xi32>
    %add3A_174 = arith.addi %iota3A, %add3A_173 : vector<16xi32>
    %scatter3A_175 = arith.constant 0 : i32
    %scatter3A_176 = arith.constant 0 : i32
    %scatter3A_177 = tpu.memref_slice %arg12[%scatter3A_175, %scatter3A_176] : memref<1x128xi32, #tpu.memory_space<vmem>> -> memref<1x128xi32, #tpu.memory_space<vmem>>
    tpu.vector_store_idx %scatter3A_177[%broadcast_in_dim3A_1, %add3A_174], %broadcast_in_dim3A_4 : memref<1x128xi32, #tpu.memory_space<vmem>>[vector<16xi32>, vector<16xi32>], vector<16xi32>,
    return
  }
}

</mosaic_0001>

<sc_bundles>
// kernel: kernel.3.cloned.1.call-start
scs
__scs_entry_jumppad:
0x0: {  	(pc) =	sbr.rel $0x88, $3  }
0x1: {  	(tag) =	ssettag $0x0;
	lr =	simm.s32 $0x1  }
0x2: {  	[smem:$0x3F9F] =	sst lr;
	_ =	strace $0xD0000000  }
0x3: {  	_ = 	snop  }
0x4: {  	_ = 	snop  }
0x5: {  	_ = 	snop  }
0x6: {  	_ = 	snop  }
0x7: {  	_ = 	snop  }
__scs_overlays_trampoline_lowered:
0x8: {  	[smem:$0x3FAE] =	sst s0  }
0x9: {  	[smem:$0x3FAF] =	sst s1  }
0xa: {  	[smem:$0x3FB0] =	sst s2  }
0xb: {  	[smem:$0x3FB1] =	sst s3  }
0xc: {  	[smem:$0x3FB2] =	sst s4  }
0xd: {  	[smem:$0x3FB3] =	sst s5  }
0xe: {  	[smem:$0x3FB4] =	sst s6  }
0xf: {  	[smem:$0x3FB5] =	sst s7  }
0x10: {  	[smem:$0x3FB6] =	sst s8  }
0x11: {  	[smem:$0x3FB7] =	sst s9;
	s0 =	simm.s32 @!p0 $0x0  }
0x12: {  	s1 =	sld [smem:$0x3F9D];
	s0 =	simm.s32 @p0 $0x1  }
0x13: {  	[smem:$0x3FB8] =	sst s0;
	s0 =	simm.s32 @!p1 $0x0  }
0x14: {  	s2 =	sld [smem:$0x3F9C];
	s0 =	simm.s32 @p1 $0x1  }
0x15: {  	[smem:$0x3FB9] =	sst s0;
	s0 =	simm.s32 @!p2 $0x0  }
0x16: {  	s3 =	sld [smem:$0x3FDB];
	s0 =	simm.s32 @p2 $0x1  }
0x17: {  	s4 =	simm.s32 $0x1BF5;
	[smem:$0x3FBB] =	sst s0  }
0x18: {  	s0 =	sld [smem:$0x3F9E];
	_ =	swait.ge [sflag:s4], $0x0  }
0x19: {  	s7 =	sld [smem:$0x3F9F]  }
0x1a: {  	s8 =	sadd.s32 $0xFFFFE003, lr  }
0x1b: {  	s9 =	sadd.s32 $0xFFFFFEF7, lr;
	s5 =	simm.s32 $0xFFFFFFFF;
	p2 =	slt.u32 s8, $0xFFFFF086  }
0x1c: {  	p1 =	slt.u32 s9, $0xF7A;
	s5 =	simm.s32 @!p2 $0x0  }
0x1d: {  	s5 =	simm.s32 @p1 $0x1;
	p0 =	seq.s32 s7, s2  }
0x1e: {  	s7 =	smul.u32 @!p0 $0xF7A, s2;
	p2 =	seq.s32 @!p0 s5, $0x0  }
0x1f: {  	s9 =	smul.u32 $0xF7A, s1;
	s8 =	simm.s32 @!p0 $0x1BF5;
	p2 =	por !p2, p0  }
0x20: {  	[sflag:s8] =	ssyncset.s32 @!p0 $0xFFFFF086;
	s6 =	sadd.s32 @!p0 s3, s7;
	s7 =	simm.s32 @!p0 $0x108  }
0x21: {  	s3 =	sadd.s32 s3, s9;
	s6 =	sadd.s32 @!p0 $0x88, s6;
	s7 =	simm.s32 @p2 $0x1082  }
0x22: {  	[simem:s7], [sflag:s8] =	dma.local @!p0 [hbm:s6], $0xF7A  }
0x23: {  	s9 =	sor.u32 $0xD0000000, s2;
	s6 =	simm.s32 $0x108;
	_ =	swait.ge @!p0 [sflag:s8], $0x0  }
0x24: {  	s3 =	sadd.s32 $0x88, s3;
	s6 =	simm.s32 @!p1 $0x1082;
	[sflag:s4] =	ssyncset.s32 $0xFFFFF086  }
0x25: {  	[simem:s6], [sflag:s4] =	dma.local [hbm:s3], $0xF7A  }
0x26: {  	[smem:$0x3F9F] =	sst s1;
	(tag) =	ssettag s2;
	_ =	strace s9  }
0x27: {  	s1 =	sld [smem:$0x3FAF]  }
0x28: {  	s2 =	sld [smem:$0x3FB0]  }
0x29: {  	s4 =	sld [smem:$0x3FB2]  }
0x2a: {  	p0 =	seq.s32 s5, $0x0;
	s5 =	sld [smem:$0x3FB3]  }
0x2b: {  	s6 =	sld [smem:$0x3FB4]  }
0x2c: {  	s7 =	sld [smem:$0x3FB5]  }
0x2d: {  	s3 =	simm.s32 $0x108;
	s8 =	sld [smem:$0x3FB6]  }
0x2e: {  	s3 =	simm.s32 @!p0 $0x1082;
	s9 =	sld [smem:$0x3FB7]  }
0x2f: {  	lr =	sadd.s32 s0, s3;
	s0 =	sld [smem:$0x3FAE]  }
0x30: {  	s3 =	sld [smem:$0x3FB1]  }
0x31: {  	[smem:$0x3FBA] =	sst s10  }
0x32: {  	s10 =	sld [smem:$0x3FB8];
	_ =	sdelay $0x3  }
0x33: {  	p0 =	seq.s32 s10, $0x1;
	s10 =	sld [smem:$0x3FBA];
	_ =	sdelay $0x3  }
0x34: {  	[smem:$0x3FBA] =	sst s10  }
0x35: {  	s10 =	sld [smem:$0x3FB9];
	_ =	sdelay $0x3  }
0x36: {  	p1 =	seq.s32 s10, $0x1;
	s10 =	sld [smem:$0x3FBA];
	_ =	sdelay $0x3  }
0x37: {  	[smem:$0x3FBA] =	sst s10  }
0x38: {  	s10 =	sld [smem:$0x3FBB]  }
0x39: {  	_ = 	snop;
	(pc) =	sbr.ind lr, $3  }
0x3a: {  	_ = 	snop  }
0x3b: {  	_ = 	snop  }
0x3c: {  	p2 =	seq.s32 s10, $0x1;
	s10 =	sld [smem:$0x3FBA]  }
0x3d: {  	_ =	shalt  }
0x3e: {  	_ =	shalt  }
0x3f: {  	_ =	shalt  }
0x40: {  	_ =	shalt  }
0x41: {  	_ =	shalt  }
0x42: {  	_ =	shalt  }
0x43: {  	_ =	shalt  }
0x44: {  	_ =	shalt  }
0x45: {  	_ =	shalt  }
0x46: {  	_ =	shalt  }
0x47: {  	_ =	shalt  }
0x48: {  	_ =	shalt  }
0x49: {  	_ =	shalt  }
0x4a: {  	_ =	shalt  }
0x4b: {  	_ =	shalt  }
0x4c: {  	_ =	shalt  }
0x4d: {  	_ =	shalt  }
0x4e: {  	_ =	shalt  }
0x4f: {  	_ =	shalt  }
0x50: {  	_ =	shalt  }
0x51: {  	_ =	shalt  }
0x52: {  	_ =	shalt  }
0x53: {  	_ =	shalt  }
0x54: {  	_ =	shalt  }
0x55: {  	_ =	shalt  }
0x56: {  	_ =	shalt  }
0x57: {  	_ =	shalt  }
0x58: {  	_ =	shalt  }
0x59: {  	_ =	shalt  }
0x5a: {  	_ =	shalt  }
0x5b: {  	_ =	shalt  }
0x5c: {  	_ =	shalt  }
0x5d: {  	_ =	shalt  }
0x5e: {  	_ =	shalt  }
0x5f: {  	_ =	shalt  }
0x60: {  	_ =	shalt  }
0x61: {  	_ =	shalt  }
0x62: {  	_ =	shalt  }
0x63: {  	_ =	shalt  }
0x64: {  	_ =	shalt  }
0x65: {  	_ =	shalt  }
0x66: {  	_ =	shalt  }
0x67: {  	_ =	shalt  }
0x68: {  	_ =	shalt  }
0x69: {  	_ =	shalt  }
0x6a: {  	_ =	shalt  }
0x6b: {  	_ =	shalt  }
0x6c: {  	_ =	shalt  }
0x6d: {  	_ =	shalt  }
0x6e: {  	_ =	shalt  }
0x6f: {  	_ =	shalt  }
0x70: {  	_ =	shalt  }
0x71: {  	_ =	shalt  }
0x72: {  	_ =	shalt  }
0x73: {  	_ =	shalt  }
0x74: {  	_ =	shalt  }
0x75: {  	_ =	shalt  }
0x76: {  	_ =	shalt  }
0x77: {  	_ =	shalt  }
0x78: {  	_ =	shalt  }
0x79: {  	_ =	shalt  }
0x7a: {  	_ =	shalt  }
0x7b: {  	_ =	shalt  }
0x7c: {  	_ =	shalt  }
0x7d: {  	_ =	shalt  }
0x7e: {  	_ =	shalt  }
0x7f: {  	_ =	shalt  }
0x80: {  	_ =	shalt  }
0x81: {  	_ =	shalt  }
0x82: {  	_ =	shalt  }
0x83: {  	_ =	shalt  }
0x84: {  	_ =	shalt  }
0x85: {  	_ =	shalt  }
0x86: {  	_ =	shalt  }
0x87: {  	_ =	shalt  }
.Lfunc_end0:
.L_simem_size_0:
called_computation_lowered:
.L_overlay_start_0:
0x88: {  	s2 =	sld [smem:$0x3FD9]  }
0x89: {  	s3 =	sld [smem:$0x3FFE];
	_ =	sdelay $0x1  }
0x8a: {  	s1 =	srdreg.scid  }
0x8b: {  	s0 =	sand.u32 $0x1, s1  }
0x8c: {  	s17 =	sshll.u32 s0, $0xA;
	s2 =	sadd.s32 s3, s2  }
0x8d: {  	s2 =	sadd.s32 s2, s17  }
0x8e: {  	[smem:$0x3FC6] =	sst s2  }
0x8f: {  	_ = 	snop  }
0x90: {  	s2 =	sld [smem:$0x3FC9]  }
0x91: {  	s18 =	sld [smem:$0x3FC8]  }
0x92: {  	s4 =	sld [smem:$0x3FD0];
	(tm) =	ssettm $0x1  }
0x93: {  	s5 =	sld [smem:$0x3FFB];
	_ =	sdelay $0x3  }
0x94: {  	_ =	strace s5  }
0x95: {  	s5 =	sld [smem:$0x3FFC];
	_ =	sdelay $0x3  }
0x96: {  	_ =	strace s5  }
0x97: {  	s5 =	sld [smem:$0x3FFD];
	_ =	sdelay $0x3  }
0x98: {  	_ =	strace s5  }
0x99: {  	_ =	strace $0x8FFFFFFF  }
0x9a: {  	s19 =	sld [smem:$0x3FDB];
	_ =	sdelay $0x1  }
0x9b: {  	s6 =	simm.s32 $_scs_section_size  }
0x9c: {  	s7 =	simm.s32 $_size__tile_overlayer_lowered;
	s8 =	simm.s32 $_tile_overlayer_lowered  }
0x9d: {  	s22 =	simm.s32 $0x1BFF;
	s21 =	sshll.u32 s8, $0x1;
	s5 =	sadd.s32 s6, s19  }
0x9e: {  	s9 =	simm.s32 $0x0;
	s20 =	sshll.u32 s7, $0x1;
	s7 =	sadd.s32 s21, s5  }
0x9f: {  	[timem:s9], [sflag:s22] =	dma.local [hbm:s7], s20  }
0xa0: {  	_ =	swait.ge [sflag:s22], s20  }
0xa1: {  	s6 =	ssub.s32 $0x0, s20;
	[sflag:s22] =	ssyncset.done $0x0  }
0xa2: {  	[sflag:s22] =	ssyncadd.s32 s6;
	_ =	sdelay $0x1  }
0xa3: {  	s23 =	simm.s32 $0x1B8B  }
0xa4: {  	_ =	swait.ge [sflag:s23], $0x1  }
0xa5: {  	[sflag:s23] =	ssyncset.done $0x0  }
0xa6: {  	s25 =	simm.s32 $0x1B8E;
	s24 =	sld [smem:$0x3FFE];
	[sflag:s23] =	ssyncadd.s32 $0xFFFFFFFF  }
0xa7: {  	s26 =	simm.s32 $execute0_lowered;
	[smem:$0x3FD2] =	sst s25  }
0xa8: {  	s7 =	sshll.u32 s26, $0x1;
	_ =	strace $0x80000046;
	[dreg:$0x1] =	wrdreg $0xFFFFFFFF  }
0xa9: {  	s28 =	simm.s32 $_size_execute0_lowered;
	s5 =	sadd.s32 s5, s7;
	[dreg:$0x0] =	wrdreg $0x0  }
0xaa: {  	s7 =	sshll.u32 s28, $0x1;
	[dreg:$0x2] =	wrdreg s5  }
0xab: {  	[dreg:$0x3] =	wrdreg s7  }
0xac: {  	[dreg:$0x4] =	wrdreg $0xC0  }
0xad: {  	_ =	task [dreg:s9], $0x5FFFF  }
0xae: {  	[dreg:$0x1] =	wrdreg $0xFFFFFFFF  }
0xaf: {  	[dreg:$0x0] =	wrdreg $0x60  }
0xb0: {  	[dreg:$0x2] =	wrdreg s2  }
0xb1: {  	[dreg:$0x3] =	wrdreg s18  }
0xb2: {  	[dreg:$0x4] =	wrdreg s4  }
0xb3: {  	[dreg:$0x5] =	wrdreg s24  }
0xb4: {  	[dreg:$0x6] =	wrdreg $0x9  }
0xb5: {  	_ =	task.clear_ibuf [dreg:s9], $0x7FFFF;
	_ =	strace $0x90000046  }
0xb6: {  	s29 =	simm.s32 $0x9;
	_ =	strace $0x80000048  }
0xb7: {  	_ =	swait.ge [sflag:s29], $0x1  }
0xb8: {  	[sflag:s29] =	ssyncadd.s32 $0xFFFFFFFF  }
0xb9: {  	_ =	strace $0x90000048  }
0xba: {  	_ =	sfence  }
0xbb: {  	s30 =	sld [smem:$0x0];
	_ =	sdelay $0x2  }
0xbc: {  	s31 =	sshll.u32 s1, $0xD;
	s1 =	sshrl.u32 s1, $0x2  }
0xbd: {  	s3 =	sand.u32 $0x4000, s31;
	s1 =	sadd.s32 s1, s30  }
0xbe: {  	s0 =	sor.u32 s3, s0;
	s1 =	sshll.u32 s1, $0x11  }
0xbf: {  	s0 =	sor.u32 s1, s0  }
0xc0: {  	s0 =	sadd.s32 $0x8F2B, s0  }
0xc1: {  	[sflag:s0] =	ssyncadd.remote.s32 $0x1  }
0xc2: {  	_ =	sfence.sel $0xFFFF  }
0xc3: {  	[dreg:$0x0] =	wrdreg $0xFFFFFFFF;
	(pc) =	sbr.abs _section_cstart, $3  }
0xc4: {  	[dreg:$0x1] =	wrdreg $0xFFFFFFFF  }
0xc5: {  	_ =	task.clear_ibuf [dreg:s9], $0x2FFFF;
	_ =	strace $0x9FFFFFFF  }
0xc6: {  	(tm) =	ssettm $0x7FFFFFFF  }
0xc7: {  	_ =	shalt  }
tec
execute0_lowered:
.L_overlay_start_1:
0x0: {  	(tag) =	ssettag $0x1  }
0x1: {  	v0 =	vimm.s32 $0x1380  }
0x2: {  	vm4 =	vcmask $0x300;
	vm6 =	vcmask $0x704;
	vm8 =	vcmask $0xB08  }
0x3: {  	vm10 =	vcmask $0xF0C;
	vm11 =	vcmask $0x1310;
	vm13 =	vcmask $0x1714  }
0x4: {  	vm14 =	vcmask $0x1B18;
	vm12 =	vcmask $0x1F1C;
	vm9 =	vcmask $0x2320  }
0x5: {  	vm7 =	vcmask $0x2724;
	vm5 =	vcmask $0x2B28;
	vm3 =	vcmask $0x2F2C  }
0x6: {  	vm2 =	vcmask $0x3330;
	vm1 =	vcmask $0x3734;
	vm0 =	vcmask $0x3B38  }
0x7: {  	v12 =	vimm.s32 $0x3380;
	v13 =	vimm.s32 $0x5380;
	v14 =	vimm.s32 $0x7380  }
0x8: {  	s1 =	srdreg.scid;
	s0 =	stileid.u32;
	v0 =	vsel vm4, $0x0, v0;
	v12 =	vsel vm4, $0x2000, v12;
	v13 =	vsel vm4, $0x4000, v13  }
0x9: {  	s8 =	sand.u32 $0x1, s1;
	s29 =	sshll.u32 s0, $0x1;
	v14 =	vsel vm4, $0x6000, v14;
	v0 =	vsel vm6, $0x80, v0;
	v12 =	vsel vm6, $0x2080, v12  }
0xa: {  	s18 =	sor.u32 s8, s29;
	v13 =	vsel vm6, $0x4080, v13;
	v14 =	vsel vm6, $0x6080, v14;
	v0 =	vsel vm8, $0x100, v0  }
0xb: {  	s30 =	sor.u32 $0x4000, s18;
	v12 =	vsel vm8, $0x2100, v12;
	v13 =	vsel vm8, $0x4100, v13;
	v14 =	vsel vm8, $0x6100, v14  }
0xc: {  	s3 =	simm.s32 $0x1;
	s2 =	smul.u32 $0x3D, s18;
	p0 =	sne.s32 s18, $0x0;
	v1 =	vsel vm10, $0x180, v0;
	v0 =	vmov s30;
	v12 =	vsel vm10, $0x2180, v12  }
0xd: {  	s3 =	simm.s32 @!p0 $0x0;
	v13 =	vsel vm10, $0x4180, v13;
	v14 =	vsel vm10, $0x6180, v14;
	v2 =	vsel vm11, $0x200, v1  }
0xe: {  	s2 =	sadd.s32 s3, s2;
	v12 =	vsel vm11, $0x2200, v12;
	v13 =	vsel vm11, $0x4200, v13;
	v14 =	vsel vm11, $0x6200, v14  }
0xf: {  	s1 =	simm.s32 $0x3E;
	p0 =	seq.s32 s18, $0x0;
	s31 =	sshll.u32 s2, $0x9;
	v3 =	vsel vm13, $0x280, v2;
	v12 =	vsel vm13, $0x2280, v12;
	v13 =	vsel vm13, $0x4280, v13  }
0x10: {  	s1 =	simm.s32 @!p0 $0x3D;
	v14 =	vsel vm13, $0x6280, v14;
	v1 =	vmov s31;
	v4 =	vsel vm14, $0x300, v3  }
0x11: {  	s4 =	sadd.s32 s1, s2;
	v3 =	vlaneseq.u32;
	v12 =	vsel vm14, $0x2300, v12;
	v13 =	vsel vm14, $0x4300, v13  }
0x12: {  	p0 =	seq.s32 s18, $0x1F;
	s4 =	sshll.u32 s4, $0x9;
	v14 =	vsel vm14, $0x6300, v14;
	v5 =	vsel vm12, $0x380, v4;
	v4 =	vor.u32 $0x10, v3  }
0x13: {  	s4 =	simm.s32 @p0 $0xF4240;
	v12 =	vsel vm12, $0x2380, v12;
	v13 =	vsel vm12, $0x4380, v13;
	v14 =	vsel vm12, $0x6380, v14  }
0x14: {  	v2 =	vmov s4;
	v6 =	vsel vm9, $0x1000, v5;
	v5 =	vor.u32 $0x20, v3  }
0x15: {  	v12 =	vsel vm9, $0x3000, v12;
	v13 =	vsel vm9, $0x5000, v13;
	v14 =	vsel vm9, $0x7000, v14  }
0x16: {  	v7 =	vsel vm7, $0x1080, v6;
	v6 =	vor.u32 $0x30, v3;
	v12 =	vsel vm7, $0x3080, v12  }
0x17: {  	v13 =	vsel vm7, $0x5080, v13;
	v14 =	vsel vm7, $0x7080, v14;
	v8 =	vsel vm5, $0x1100, v7  }
0x18: {  	s5 =	rddreg [dreg:$0x2];
	v7 =	vor.u32 $0x40, v3;
	v12 =	vsel vm5, $0x3100, v12;
	v13 =	vsel vm5, $0x5100, v13  }
0x19: {  	s9 =	rddreg [dreg:$0x3];
	s7 =	simm.s32 $0x0;
	s12 =	simm.s32 $0x7A1400;
	v14 =	vsel vm5, $0x7100, v14;
	v9 =	vsel vm3, $0x1180, v8;
	v8 =	vor.u32 $0x50, v3  }
0x1a: {  	s13 =	simm.s32 $0x1000;
	s14 =	simm.s32 $0xC100;
	s15 =	simm.s32 $0x1A180;
	v12 =	vsel vm3, $0x3180, v12;
	v13 =	vsel vm3, $0x5180, v13;
	v14 =	vsel vm3, $0x7180, v14  }
0x1b: {  	s16 =	simm.s32 $0x1A200;
	s17 =	simm.s32 $0x16100;
	s19 =	simm.s32 $0x80;
	v10 =	vsel vm2, $0x1200, v9;
	v9 =	vor.u32 $0x60, v3;
	v12 =	vsel vm2, $0x3200, v12  }
.Ltmp0:
0x1c: {  	s20 =	simm.s32 $0x0;
	s10 =	ssub.s32 $0x2, s8;
	v11 =	vsel vm1, $0x1280, v10;
	v10 =	vor.u32 $0x70, v3;
	v15 =	vsel vm1, $0x3280, v12;
	(pc) =	sbr.rel .LBB2_1-.Ltmp0, $4  }
0x1d: {  	[smem:$0x7FF] =	sst s7;
	s8 =	sadd.s32 $0x400, s9;
	s11 =	sshrl.u32 s10, $0x1;
	v12 =	vsel vm2, $0x5200, v13;
	v13 =	vsel vm2, $0x7200, v14;
	v11 =	vsel vm0, $0x1300, v11  }
0x1e: {  	s9 =	simm.s32 $0x1;
	s10 =	ssub.s32 s10, s11;
	s11 =	simm.s32 $0x1A100;
	v14 =	vsel vm1, $0x5280, v12;
	v16 =	vsel vm1, $0x7280, v13;
	v12 =	vmul.u32 $0x80, v3  }
0x1f: {  	s3 =	rddreg [dreg:$0x0];
	s10 =	smax.u32 s10, $0x1;
	p0 =	sne.s32 s18, $0x1F;
	v13 =	vsel vm0, $0x3300, v15;
	v14 =	vsel vm0, $0x5300, v14;
	v15 =	vsel vm0, $0x7300, v16  }
0x20: {  	s18 =	simm.s32 $0x14100;
	s4 =	rddreg [dreg:$0x1];
	_ =	strace $0x80000047;
	v16 =	vor.u32 $0x800, v12;
	v17 =	vor.u32 $0x1000, v12;
	v18 =	vor.u32 $0x1800, v12  }
.LBB2_23:
0x21: {  	[hbm4b:s8+s19] =	stream.indirect.scatter [tilespmem:s17], [sflag:$0x1], $0x80, s11, s19, $0xb8;
	[tilespmem:$0x1A280] =	vst v63  }
0x22: {  	_ =	swait.ge [sflag:s9], $0x4000  }
0x23: {  	[sflag:s9] =	ssyncset.done $0x0  }
0x24: {  	[sflag:s9] =	ssyncadd.s32 $0xFFFFC000  }
0x25: {  	[tilespmem:v3+s11+$0x0] =	vst.idx.msk $0xffff, v0  }
0x26: {  	s20 =	sadd.s32 $0x1, s20;
	[tilespmem:v4+s11+$0x0] =	vst.idx.msk $0xffff, v0  }
0x27: {  	p1 =	sne.s32 s20, s10;
	[tilespmem:v5+s11+$0x0] =	vst.idx.msk $0xffff, v0  }
.Ltmp1:
0x28: {  	[tilespmem:v6+s11+$0x0] =	vst.idx.msk $0xffff, v0;
	(pc) =	sbr.rel @!p1 .LBB2_24-.Ltmp1, $4  }
0x29: {  	[tilespmem:v7+s11+$0x0] =	vst.idx.msk $0xffff, v0  }
0x2a: {  	[tilespmem:v8+s11+$0x0] =	vst.idx.msk $0xffff, v0  }
0x2b: {  	[tilespmem:v9+s11+$0x0] =	vst.idx.msk $0xffff, v0  }
0x2c: {  	[tilespmem:v10+s11+$0x0] =	vst.idx.msk $0xffff, v0  }
.LBB2_1:
0x2d: {  	[tilespmem:s7], [sflag:$0x1] =	stream.linear.gather [hbm4b:s3+s7], $0x4000, $0x38;
	[tilespmem:$0x1A280] =	vst v63  }
0x2e: {  	_ =	swait.ge [sflag:s9], $0x4000  }
0x2f: {  	[sflag:s9] =	ssyncset.done $0x0  }
0x30: {  	[sflag:s9] =	ssyncadd.s32 $0xFFFFC000  }
0x31: {  	[tilespmem:v3+s11+$0x0] =	vst.idx.msk $0xffff, v0  }
0x32: {  	[tilespmem:v4+s11+$0x0] =	vst.idx.msk $0xffff, v0  }
0x33: {  	[tilespmem:v5+s11+$0x0] =	vst.idx.msk $0xffff, v0  }
0x34: {  	[tilespmem:v6+s11+$0x0] =	vst.idx.msk $0xffff, v0  }
0x35: {  	[tilespmem:v7+s11+$0x0] =	vst.idx.msk $0xffff, v0  }
0x36: {  	[tilespmem:v8+s11+$0x0] =	vst.idx.msk $0xffff, v0  }
0x37: {  	[tilespmem:v9+s11+$0x0] =	vst.idx.msk $0xffff, v0  }
0x38: {  	[tilespmem:v10+s11+$0x0] =	vst.idx.msk $0xffff, v0  }
0x39: {  	v19 =	vld [tilespmem:s7+$0x0];
	_ =	sdelay $0x4  }
0x3a: {  	vm0 =	vge.s32 v19, v1;
	vm1 =	vlt.s32 v19, v2  }
0x3b: {  	vm0 =	vmand vm0, vm1  }
0x3c: {  	v20 =	vmpcnt.ones.xlane vm0;
	_ =	sdelay $0x1  }
0x3d: {  	(v2sf) =	vpush v20, $0x0;
	_ =	sdelay $0x4  }
0x3e: {  	[tilespmem:s7+$0x4000] =	vst.msk vm0, v19;
	v19 =	vor.u32 s7, v3  }
0x3f: {  	s21 =	simm.s32 $0x10;
	[tilespmem:s7+$0x8080] =	vst.msk vm0, v19  }
0x40: {  	s23 =	simm.s32 $0x20;
	s22 =	simm.s32 $0x0;
	s24 =	simm.s32 $0x10;
	v19 =	vld [tilespmem:s21+$0x0]  }
.LBB2_2:
0x41: {  	p1 =	sne.s32 s23, $0x3FF0;
	_ =	sdelay $0x3  }
0x42: {  	vm0 =	vge.s32 v19, v1;
	vm1 =	vlt.s32 v19, v2  }
0x43: {  	vm0 =	vmand vm0, vm1  }
0x44: {  	v20 =	vmpcnt.ones.xlane vm0  }
0x45: {  	s25 =	spop (v2sf)  }
0x46: {  	(v2sf) =	vpush v20, $0x0;
	s22 =	sadd.s32 s22, s25  }
0x47: {  	v20 =	vor.u32 s21, v3;
	s21 =	smov.u32 s23;
	[tilespmem:s22+$0x4000] =	vst.msk vm0, v19  }
0x48: {  	[tilespmem:s22+$0x8080] =	vst.msk vm0, v20  }
.Ltmp2:
0x49: {  	(pc) =	sbr.rel @p1 .LBB2_2-.Ltmp2, $3  }
0x4a: {  	_ =	sdelay $0x1  }
0x4b: {  	s24 =	sadd.s32 $0x10, s24  }
0x4c: {  	s23 =	sadd.s32 $0x10, s23;
	v19 =	vld [tilespmem:s24+$0x0]  }
0x4d: {  	_ =	sdelay $0x3  }
0x4e: {  	vm0 =	vge.s32 v19, v1;
	vm1 =	vlt.s32 v19, v2  }
0x4f: {  	vm0 =	vmand vm0, vm1  }
0x50: {  	v20 =	vmpcnt.ones.xlane vm0;
	_ =	sdelay $0x1  }
0x51: {  	(v2sf) =	vpush v20, $0x0;
	_ =	sdelay $0xd  }
0x52: {  	s23 =	spop (v2sf)  }
0x53: {  	s22 =	sadd.s32 s22, s23;
	s30 =	spop (v2sf)  }
0x54: {  	s23 =	sadd.s32 s22, s30  }
0x55: {  	s24 =	sadd.s32 $0xF, s23  }
0x56: {  	s25 =	sand.u32 $0xF, s24  }
0x57: {  	s31 =	sshra.s32 s24, $0x1F;
	p2 =	slt.s32 s24, $0x1;
	p1 =	sne.s32 s25, $0x0  }
.Ltmp3:
0x58: {  	s25 =	sshrl.u32 s31, $0x1C;
	p1 =	por !p2, !p1;
	(pc) =	sbr.rel .LBB2_4-.Ltmp3, $4  }
0x59: {  	s24 =	sadd.s32 s25, s24;
	s25 =	simm.s32 $0x1;
	p1 =	por !p1, !p1  }
0x5a: {  	s24 =	sshra.s32 s24, $0x4;
	s25 =	simm.s32 @!p1 $0x0  }
0x5b: {  	v20 =	vor.u32 s21, v3;
	[tilespmem:s22+$0x4000] =	vst.msk vm0, v19;
	s21 =	ssub.s32 s24, s25  }
0x5c: {  	[tilespmem:s22+$0x8080] =	vst.msk vm0, v20;
	s22 =	simm.s32 $0x0;
	v19 =	vmov s23;
	s23 =	simm.s32 $0x0;
	p1 =	slt.s32 s21, $0x1  }
.LBB2_13:
0x5d: {  	s23 =	sadd.s32 $0x1, s23  }
0x5e: {  	p2 =	sne.s32 s23, s1  }
.Ltmp4:
0x5f: {  	_ = 	snop;
	(pc) =	sbr.rel @!p2 .LBB2_14-.Ltmp4, $1  }
0x60: {  	_ =	sdelay $0x3  }
.LBB2_4:
0x61: {  	s24 =	sadd.s32 s2, s23  }
0x62: {  	s24 =	sshll.u32 s24, $0x9  }
0x63: {  	s25 =	sand.u32 $0x1FFFFE00, s24  }
.Ltmp5:
0x64: {  	s25 =	sadd.s32 s4, s25;
	(pc) =	sbr.rel @p1 .LBB2_13-.Ltmp5, $4  }
0x65: {  	[tilespmem:s14], [sflag:$0x1] =	stream.strided.gather [hbm4b:s25+s13], $0x8000, s12, s13, $0x38;
	[tilespmem:$0x1A280] =	vst v63  }
0x66: {  	_ =	swait.ge [sflag:s9], $0x8000  }
0x67: {  	[sflag:s9] =	ssyncset.done $0x0  }
0x68: {  	[sflag:s9] =	ssyncadd.s32 $0xFFFF8000  }
.Ltmp6:
0x69: {  	(pc) =	sbr.rel .LBB2_6-.Ltmp6, $3  }
0x6a: {  	_ =	sdelay $0x1  }
0x6b: {  	s25 =	sadd.s32 $0x200, s24  }
0x6c: {  	v20 =	vmov s24;
	s24 =	simm.s32 $0x0;
	v21 =	vmov s25;
	s25 =	simm.s32 $0x0  }
.LBB2_8:
0x6d: {  	_ = 	snop  }
.LBB2_11:
0x6e: {  	_ =	sdelay $0x2  }
0x6f: {  	p2 =	por p4, !p2  }
0x70: {  	[tilespmem:v23+s30+$0x0] =	vst.idx.msk @!p2 $0xffff, v0  }
0x71: {  	[tilespmem:v24+s30+$0x0] =	vst.idx.msk @!p2 $0xffff, v0  }
0x72: {  	v23 =	vld.idx.msk [tilespmem:v22+s15+$0x0], $0xffff;
	_ =	sdelay $0x4  }
0x73: {  	v59 =	vshll.u32 v23, $0x3  }
0x74: {  	v23 =	vand.u32 $0x7F, v23;
	v24 =	vand.u32 $0xFFFFFC00, v59  }
0x75: {  	v23 =	vor.u32 v23, v24  }
0x76: {  	v24 =	vadd.s32 v11, v23;
	_ =	sdelay $0x2  }
0x77: {  	v25 =	vmov s22  }
0x78: {  	v26 =	vshll.u32 v25, $0x7  }
0x79: {  	v27 =	vor.u32 v3, v26;
	v24 =	vld.idx.msk [tilespmem:v24+s14+$0x0], $0xffff  }
0x7a: {  	v28 =	vadd.s32 v13, v23;
	_ =	sdelay $0x3  }
0x7b: {  	v22 =	vld.idx.msk [tilespmem:v22+s16+$0x0], $0xffff;
	[tilespmem:v27+s17+$0x0] =	vst.idx.msk $0xffff, v24  }
0x7c: {  	v60 =	vor.u32 v4, v26;
	v24 =	vld.idx.msk [tilespmem:v28+s14+$0x0], $0xffff  }
0x7d: {  	v61 =	vadd.s32 v14, v23;
	_ =	sdelay $0x3  }
0x7e: {  	[tilespmem:v60+s17+$0x0] =	vst.idx.msk $0xffff, v24  }
0x7f: {  	v62 =	vor.u32 v5, v26;
	v24 =	vld.idx.msk [tilespmem:v61+s14+$0x0], $0xffff  }
0x80: {  	v23 =	vadd.s32 v15, v23;
	_ =	sdelay $0x3  }
0x81: {  	[tilespmem:v62+s17+$0x0] =	vst.idx.msk $0xffff, v24  }
0x82: {  	v63 =	vor.u32 v6, v26;
	v23 =	vld.idx.msk [tilespmem:v23+s14+$0x0], $0xffff;
	_ =	sdelay $0x2  }
0x83: {  	s22 =	sadd.s32 $0x1, s22  }
0x84: {  	p2 =	sne.s32 s22, $0x80  }
0x85: {  	s0 =	simm.s32 @!p2 $0x80;
	[tilespmem:v63+s17+$0x0] =	vst.idx.msk $0xffff, v23  }
0x86: {  	s6 =	simm.s32 @!p2 $0x1A100;
	s26 =	simm.s32 @!p2 $0x16100;
	s28 =	simm.s32 @!p2 $0x1;
	v23 =	vlaneseq.u32 @!p2;
	[tilespmem:v25+s11+$0x0] =	vst.idx.msk $0x1, v22  }
0x87: {  	v22 =	vor.u32 @!p2 $0x10, v23;
	[hbm4b:s8+s0] =	stream.indirect.scatter @!p2 [tilespmem:s26], [sflag:$0x1], $0x80, s6, s0, $0xb8;
	[tilespmem:$0x1A280] =	vst v63  }
0x88: {  	v24 =	vor.u32 @!p2 $0x20, v23;
	_ =	swait.ge @!p2 [sflag:s28], $0x4000  }
0x89: {  	v25 =	vor.u32 @!p2 $0x30, v23;
	[sflag:s28] =	ssyncset.done @!p2 $0x0  }
0x8a: {  	v26 =	vor.u32 @!p2 $0x40, v23;
	[sflag:s28] =	ssyncadd.s32 @!p2 $0xFFFFC000  }
0x8b: {  	v27 =	vor.u32 @!p2 $0x50, v23;
	[tilespmem:v23+s6+$0x0] =	vst.idx.msk @!p2 $0xffff, v0  }
0x8c: {  	v28 =	vor.u32 @!p2 $0x60, v23;
	[tilespmem:v22+s6+$0x0] =	vst.idx.msk @!p2 $0xffff, v0  }
0x8d: {  	v22 =	vor.u32 @!p2 $0x70, v23;
	[tilespmem:v24+s6+$0x0] =	vst.idx.msk @!p2 $0xffff, v0  }
0x8e: {  	[tilespmem:v25+s6+$0x0] =	vst.idx.msk @!p2 $0xffff, v0  }
0x8f: {  	[tilespmem:v26+s6+$0x0] =	vst.idx.msk @!p2 $0xffff, v0  }
0x90: {  	[tilespmem:v27+s6+$0x0] =	vst.idx.msk @!p2 $0xffff, v0  }
0x91: {  	[tilespmem:v28+s6+$0x0] =	vst.idx.msk @!p2 $0xffff, v0  }
0x92: {  	s22 =	simm.s32 @!p2 $0x0;
	[tilespmem:v22+s6+$0x0] =	vst.idx.msk @!p2 $0xffff, v0  }
.LBB2_12:
0x93: {  	s25 =	sadd.s32 $0x1, s25  }
0x94: {  	p2 =	sne.s32 s25, s21  }
.Ltmp7:
0x95: {  	_ = 	snop;
	(pc) =	sbr.rel @!p2 .LBB2_13-.Ltmp7, $1  }
0x96: {  	_ =	sdelay $0x3  }
.LBB2_6:
0x97: {  	s26 =	sshll.u32 s25, $0x4  }
0x98: {  	v22 =	vld [tilespmem:s26+$0x4000];
	_ =	sdelay $0x3  }
0x99: {  	v23 =	vor.u32 s26, v3  }
0x9a: {  	vm0 =	vlt.s32 v23, v19;
	vm1 =	vlt.s32 v22, v21  }
0x9b: {  	vm2 =	vge.s32 v22, v20;
	vm0 =	vmand vm0, vm1  }
0x9c: {  	vm0 =	vmand vm0, vm2  }
0x9d: {  	v23 =	vmpcnt.ones.xlane vm0;
	_ =	sdelay $0x1  }
0x9e: {  	(v2sf) =	vpush v23, $0x0;
	_ =	sdelay $0xe  }
0x9f: {  	v23 =	vld [tilespmem:s26+$0x8080];
	s26 =	spop (v2sf)  }
0xa0: {  	p2 =	slt.s32 s26, $0x1  }
.Ltmp8:
0xa1: {  	_ = 	snop;
	(pc) =	sbr.rel @p2 .LBB2_12-.Ltmp8, $4  }
0xa2: {  	_ = 	snop  }
0xa3: {  	v22 =	vsub.s32 v22, v20  }
0xa4: {  	[tilespmem:s15+$0x0] =	vst.msk vm0, v22  }
0xa5: {  	[tilespmem:s16+$0x0] =	vst.msk vm0, v23  }
0xa6: {  	p3 =	sne.s32 s26, $0x1  }
.Ltmp9:
0xa7: {  	_ = 	snop;
	(pc) =	sbr.rel @!p3 .LBB2_8-.Ltmp9, $2  }
0xa8: {  	_ =	sdelay $0x2  }
0xa9: {  	s29 =	simm.s32 $0x1;
	v22 =	vmov s24;
	p2 =	por $0x0, $0x0  }
0xaa: {  	_ =	sdelay $0x3  }
0xab: {  	v23 =	vld.idx.msk [tilespmem:v22+s15+$0x0], $0xffff;
	_ =	sdelay $0x4  }
0xac: {  	v24 =	vshll.u32 v23, $0x3  }
0xad: {  	v23 =	vand.u32 $0x7F, v23;
	v24 =	vand.u32 $0xFFFFFC00, v24  }
0xae: {  	v23 =	vor.u32 v23, v24  }
0xaf: {  	v24 =	vadd.s32 v11, v23;
	_ =	sdelay $0x2  }
0xb0: {  	v25 =	vmov s22  }
0xb1: {  	v26 =	vshll.u32 v25, $0x7  }
0xb2: {  	v27 =	vor.u32 v3, v26;
	v24 =	vld.idx.msk [tilespmem:v24+s14+$0x0], $0xffff  }
0xb3: {  	v28 =	vadd.s32 v13, v23;
	_ =	sdelay $0x3  }
0xb4: {  	v22 =	vld.idx.msk [tilespmem:v22+s16+$0x0], $0xffff;
	[tilespmem:v27+s17+$0x0] =	vst.idx.msk $0xffff, v24  }
0xb5: {  	v27 =	vor.u32 v4, v26;
	v24 =	vld.idx.msk [tilespmem:v28+s14+$0x0], $0xffff  }
0xb6: {  	v63 =	vadd.s32 v14, v23;
	_ =	sdelay $0x3  }
0xb7: {  	[tilespmem:v27+s17+$0x0] =	vst.idx.msk $0xffff, v24  }
0xb8: {  	v27 =	vor.u32 v5, v26;
	v24 =	vld.idx.msk [tilespmem:v63+s14+$0x0], $0xffff  }
0xb9: {  	v23 =	vadd.s32 v15, v23;
	_ =	sdelay $0x3  }
0xba: {  	[tilespmem:v27+s17+$0x0] =	vst.idx.msk $0xffff, v24  }
0xbb: {  	v24 =	vor.u32 v6, v26;
	v23 =	vld.idx.msk [tilespmem:v23+s14+$0x0], $0xffff;
	_ =	sdelay $0x2  }
0xbc: {  	s22 =	sadd.s32 $0x1, s22  }
0xbd: {  	p4 =	sne.s32 s22, $0x80  }
0xbe: {  	s28 =	simm.s32 @!p4 $0x80;
	[tilespmem:v24+s17+$0x0] =	vst.idx.msk $0xffff, v23  }
0xbf: {  	s30 =	simm.s32 @!p4 $0x1A100;
	s31 =	simm.s32 @!p4 $0x16100;
	s6 =	simm.s32 @!p4 $0x1;
	v24 =	vlaneseq.u32 @!p4;
	[tilespmem:v25+s11+$0x0] =	vst.idx.msk $0x1, v22  }
0xc0: {  	v22 =	vor.u32 @!p4 $0x10, v24;
	[hbm4b:s8+s28] =	stream.indirect.scatter @!p4 [tilespmem:s31], [sflag:$0x1], $0x80, s30, s28, $0xb8;
	[tilespmem:$0x1A280] =	vst v63  }
0xc1: {  	v23 =	vor.u32 @!p4 $0x20, v24;
	_ =	swait.ge @!p4 [sflag:s6], $0x4000  }
0xc2: {  	[sflag:s6] =	ssyncset.done @!p4 $0x0  }
0xc3: {  	v25 =	vor.u32 @!p4 $0x30, v24;
	[sflag:s6] =	ssyncadd.s32 @!p4 $0xFFFFC000  }
0xc4: {  	v26 =	vor.u32 @!p4 $0x40, v24;
	[tilespmem:v24+s30+$0x0] =	vst.idx.msk @!p4 $0xffff, v0  }
0xc5: {  	p3 =	sne.s32 s26, $0x2;
	v27 =	vor.u32 @!p4 $0x50, v24;
	[tilespmem:v22+s30+$0x0] =	vst.idx.msk @!p4 $0xffff, v0  }
.Ltmp10:
0xc6: {  	[tilespmem:v23+s30+$0x0] =	vst.idx.msk @!p4 $0xffff, v0;
	v23 =	vor.u32 @!p4 $0x60, v24;
	(pc) =	sbr.rel @!p3 .LBB2_11-.Ltmp10, $4  }
0xc7: {  	v24 =	vor.u32 @!p4 $0x70, v24  }
0xc8: {  	v22 =	vmov s29;
	[tilespmem:v25+s30+$0x0] =	vst.idx.msk @!p4 $0xffff, v0  }
0xc9: {  	[tilespmem:v26+s30+$0x0] =	vst.idx.msk @!p4 $0xffff, v0  }
0xca: {  	p2 =	por $0x1, $0x1;
	s22 =	simm.s32 @!p4 $0x0;
	s28 =	simm.s32 $0x2;
	[tilespmem:v27+s30+$0x0] =	vst.idx.msk @!p4 $0xffff, v0  }
.LBB2_10:
0xcb: {  	[tilespmem:v23+s30+$0x0] =	vst.idx.msk @!p4 $0xffff, v0;
	s29 =	smov.u32 s28;
	s28 =	sadd.s32 $0x1, s28  }
0xcc: {  	p3 =	sne.s32 s26, s28;
	[tilespmem:v24+s30+$0x0] =	vst.idx.msk @!p4 $0xffff, v0  }
0xcd: {  	v23 =	vld.idx.msk [tilespmem:v22+s15+$0x0], $0xffff;
	_ =	sdelay $0x5  }
0xce: {  	v24 =	vand.u32 $0x7F, v23;
	v23 =	vshll.u32 v23, $0x3  }
0xcf: {  	v23 =	vand.u32 $0xFFFFFC00, v23  }
0xd0: {  	v23 =	vor.u32 v24, v23  }
0xd1: {  	v24 =	vadd.s32 v11, v23;
	_ =	sdelay $0x2  }
0xd2: {  	v25 =	vmov s22  }
0xd3: {  	v26 =	vshll.u32 v25, $0x7  }
0xd4: {  	v27 =	vor.u32 v3, v26;
	v24 =	vld.idx.msk [tilespmem:v24+s14+$0x0], $0xffff  }
0xd5: {  	v28 =	vadd.s32 v13, v23;
	_ =	sdelay $0x2  }
0xd6: {  	v22 =	vld.idx.msk [tilespmem:v22+s16+$0x0], $0xffff;
	_ =	sdelay $0x1  }
0xd7: {  	[tilespmem:v27+s17+$0x0] =	vst.idx.msk $0xffff, v24  }
0xd8: {  	v27 =	vor.u32 v4, v26;
	v24 =	vld.idx.msk [tilespmem:v28+s14+$0x0], $0xffff  }
0xd9: {  	v28 =	vadd.s32 v14, v23;
	_ =	sdelay $0x4  }
0xda: {  	[tilespmem:v27+s17+$0x0] =	vst.idx.msk $0xffff, v24  }
0xdb: {  	v27 =	vor.u32 v5, v26;
	v24 =	vld.idx.msk [tilespmem:v28+s14+$0x0], $0xffff  }
0xdc: {  	v23 =	vadd.s32 v15, v23;
	_ =	sdelay $0x4  }
0xdd: {  	[tilespmem:v27+s17+$0x0] =	vst.idx.msk $0xffff, v24  }
0xde: {  	v24 =	vor.u32 v6, v26;
	v23 =	vld.idx.msk [tilespmem:v23+s14+$0x0], $0xffff;
	_ =	sdelay $0x3  }
0xdf: {  	s22 =	sadd.s32 $0x1, s22  }
0xe0: {  	p4 =	sne.s32 s22, $0x80  }
0xe1: {  	s6 =	simm.s32 @!p4 $0x80;
	s30 =	simm.s32 @!p4 $0x1A100;
	s31 =	simm.s32 @!p4 $0x16100;
	v26 =	vlaneseq.u32 @!p4;
	[tilespmem:v24+s17+$0x0] =	vst.idx.msk $0xffff, v23  }
0xe2: {  	s0 =	simm.s32 @!p4 $0x1;
	s22 =	simm.s32 @!p4 $0x0;
	v27 =	vor.u32 @!p4 $0x30, v26;
	[tilespmem:v25+s11+$0x0] =	vst.idx.msk $0x1, v22;
	v22 =	vor.u32 @!p4 $0x10, v26;
	v25 =	vor.u32 @!p4 $0x20, v26  }
0xe3: {  	v28 =	vor.u32 @!p4 $0x40, v26;
	v29 =	vor.u32 @!p4 $0x50, v26;
	v23 =	vor.u32 @!p4 $0x60, v26;
	[hbm4b:s8+s6] =	stream.indirect.scatter @!p4 [tilespmem:s31], [sflag:$0x1], $0x80, s30, s6, $0xb8;
	[tilespmem:$0x1A280] =	vst v63  }
0xe4: {  	v24 =	vor.u32 @!p4 $0x70, v26;
	_ =	swait.ge @!p4 [sflag:s0], $0x4000  }
0xe5: {  	[sflag:s0] =	ssyncset.done @!p4 $0x0  }
0xe6: {  	[sflag:s0] =	ssyncadd.s32 @!p4 $0xFFFFC000  }
0xe7: {  	[tilespmem:v26+s30+$0x0] =	vst.idx.msk @!p4 $0xffff, v0  }
.Ltmp11:
0xe8: {  	[tilespmem:v22+s30+$0x0] =	vst.idx.msk @!p4 $0xffff, v0;
	(pc) =	sbr.rel @p3 .LBB2_10-.Ltmp11, $4  }
0xe9: {  	v22 =	vmov s29;
	[tilespmem:v25+s30+$0x0] =	vst.idx.msk @!p4 $0xffff, v0  }
0xea: {  	[tilespmem:v27+s30+$0x0] =	vst.idx.msk @!p4 $0xffff, v0  }
0xeb: {  	[tilespmem:v28+s30+$0x0] =	vst.idx.msk @!p4 $0xffff, v0  }
0xec: {  	[tilespmem:v29+s30+$0x0] =	vst.idx.msk @!p4 $0xffff, v0  }
.Ltmp12:
0xed: {  	_ = 	snop;
	(pc) =	sbr.rel .LBB2_11-.Ltmp12, $1  }
0xee: {  	_ =	sdelay $0x3  }
.LBB2_14:
0xef: {  	s0 =	simm.s32 @!p0 $0x0;
	s6 =	simm.s32 @!p0 $0x14100  }
0xf0: {  	[tilespmem:s6], [sflag:$0x1] =	stream.linear.gather @!p0 [hbm4b:s5+s0], $0x2000, $0x38;
	[tilespmem:$0x1A280] =	vst v63  }
.Ltmp13:
0xf1: {  	_ = 	snop;
	(pc) =	sbr.rel @p1 .LBB2_23-.Ltmp13, $4  }
0xf2: {  	s0 =	simm.s32 @!p0 $0x1  }
0xf3: {  	_ =	swait.ge @!p0 [sflag:s0], $0x2000  }
0xf4: {  	[sflag:s0] =	ssyncset.done @!p0 $0x0  }
0xf5: {  	[sflag:s0] =	ssyncadd.s32 @!p0 $0xFFFFE000  }
.Ltmp14:
0xf6: {  	(pc) =	sbr.rel .LBB2_16-.Ltmp14, $4  }
0xf7: {  	_ = 	snop  }
0xf8: {  	s0 =	simm.s32 @!p0 $0xF4240  }
0xf9: {  	s0 =	simm.s32 @p0 $0xF4200  }
0xfa: {  	s23 =	simm.s32 $0x0;
	s24 =	simm.s32 $0x0;
	v20 =	vmov s0  }
.LBB2_18:
0xfb: {  	_ = 	snop  }
.LBB2_21:
0xfc: {  	_ =	sdelay $0x2  }
0xfd: {  	p1 =	por p3, !p1  }
0xfe: {  	[tilespmem:v22+s29+$0x0] =	vst.idx.msk @!p1 $0xffff, v0  }
0xff: {  	[tilespmem:v23+s29+$0x0] =	vst.idx.msk @!p1 $0xffff, v0  }
0x100: {  	v22 =	vld.idx.msk [tilespmem:v21+s15+$0x0], $0xffff;
	_ =	sdelay $0x4  }
0x101: {  	v23 =	vadd.s32 v12, v22;
	_ =	sdelay $0x2  }
0x102: {  	v24 =	vmov s22  }
0x103: {  	v25 =	vshll.u32 v24, $0x7  }
0x104: {  	v26 =	vor.u32 v3, v25;
	v23 =	vld.idx.msk [tilespmem:v23+s18+$0x0], $0xffff  }
0x105: {  	v27 =	vadd.s32 v16, v22;
	_ =	sdelay $0x3  }
0x106: {  	v21 =	vld.idx.msk [tilespmem:v21+s16+$0x0], $0xffff;
	[tilespmem:v26+s17+$0x0] =	vst.idx.msk $0xffff, v23  }
0x107: {  	v61 =	vor.u32 v4, v25;
	v23 =	vld.idx.msk [tilespmem:v27+s18+$0x0], $0xffff  }
0x108: {  	v62 =	vadd.s32 v17, v22;
	_ =	sdelay $0x3  }
0x109: {  	[tilespmem:v61+s17+$0x0] =	vst.idx.msk $0xffff, v23  }
0x10a: {  	v63 =	vor.u32 v5, v25;
	v23 =	vld.idx.msk [tilespmem:v62+s18+$0x0], $0xffff  }
0x10b: {  	v22 =	vadd.s32 v18, v22;
	_ =	sdelay $0x3  }
0x10c: {  	[tilespmem:v63+s17+$0x0] =	vst.idx.msk $0xffff, v23  }
0x10d: {  	v23 =	vor.u32 v6, v25;
	v22 =	vld.idx.msk [tilespmem:v22+s18+$0x0], $0xffff;
	_ =	sdelay $0x2  }
0x10e: {  	s22 =	sadd.s32 $0x1, s22  }
0x10f: {  	p1 =	sne.s32 s22, $0x80  }
0x110: {  	s0 =	simm.s32 @!p1 $0x80;
	[tilespmem:v23+s17+$0x0] =	vst.idx.msk $0xffff, v22  }
0x111: {  	s6 =	simm.s32 @!p1 $0x1A100;
	s25 =	simm.s32 @!p1 $0x16100;
	s26 =	simm.s32 @!p1 $0x1;
	v22 =	vlaneseq.u32 @!p1;
	[tilespmem:v24+s11+$0x0] =	vst.idx.msk $0x1, v21  }
0x112: {  	v21 =	vor.u32 @!p1 $0x10, v22;
	[hbm4b:s8+s0] =	stream.indirect.scatter @!p1 [tilespmem:s25], [sflag:$0x1], $0x80, s6, s0, $0xb8;
	[tilespmem:$0x1A280] =	vst v63  }
0x113: {  	v23 =	vor.u32 @!p1 $0x20, v22;
	_ =	swait.ge @!p1 [sflag:s26], $0x4000  }
0x114: {  	v24 =	vor.u32 @!p1 $0x30, v22;
	[sflag:s26] =	ssyncset.done @!p1 $0x0  }
0x115: {  	v25 =	vor.u32 @!p1 $0x40, v22;
	[sflag:s26] =	ssyncadd.s32 @!p1 $0xFFFFC000  }
0x116: {  	v26 =	vor.u32 @!p1 $0x50, v22;
	[tilespmem:v22+s6+$0x0] =	vst.idx.msk @!p1 $0xffff, v0  }
0x117: {  	v27 =	vor.u32 @!p1 $0x60, v22;
	[tilespmem:v21+s6+$0x0] =	vst.idx.msk @!p1 $0xffff, v0  }
0x118: {  	v21 =	vor.u32 @!p1 $0x70, v22;
	[tilespmem:v23+s6+$0x0] =	vst.idx.msk @!p1 $0xffff, v0  }
0x119: {  	[tilespmem:v24+s6+$0x0] =	vst.idx.msk @!p1 $0xffff, v0  }
0x11a: {  	[tilespmem:v25+s6+$0x0] =	vst.idx.msk @!p1 $0xffff, v0  }
0x11b: {  	[tilespmem:v26+s6+$0x0] =	vst.idx.msk @!p1 $0xffff, v0  }
0x11c: {  	[tilespmem:v27+s6+$0x0] =	vst.idx.msk @!p1 $0xffff, v0  }
0x11d: {  	s22 =	simm.s32 @!p1 $0x0;
	[tilespmem:v21+s6+$0x0] =	vst.idx.msk @!p1 $0xffff, v0  }
.LBB2_22:
0x11e: {  	s24 =	sadd.s32 $0x1, s24  }
0x11f: {  	p1 =	sne.s32 s24, s21  }
.Ltmp15:
0x120: {  	_ = 	snop;
	(pc) =	sbr.rel @!p1 .LBB2_23-.Ltmp15, $1  }
0x121: {  	_ =	sdelay $0x3  }
.LBB2_16:
0x122: {  	s0 =	sshll.u32 s24, $0x4  }
0x123: {  	v21 =	vld [tilespmem:s0+$0x4000];
	_ =	sdelay $0x3  }
0x124: {  	v22 =	vor.u32 s0, v3  }
0x125: {  	vm0 =	vlt.s32 v22, v19;
	vm1 =	vlt.s32 v21, v20  }
0x126: {  	vm2 =	vgt.s32 v21, $0xF41FF;
	vm0 =	vmand vm0, vm1  }
0x127: {  	vm0 =	vmand vm0, vm2  }
0x128: {  	v22 =	vmpcnt.ones.xlane vm0;
	_ =	sdelay $0x1  }
0x129: {  	(v2sf) =	vpush v22, $0x0;
	_ =	sdelay $0xe  }
0x12a: {  	s25 =	spop (v2sf)  }
0x12b: {  	v22 =	vld [tilespmem:s0+$0x8080];
	p1 =	slt.s32 s25, $0x1  }
.Ltmp16:
0x12c: {  	_ = 	snop;
	(pc) =	sbr.rel @p1 .LBB2_22-.Ltmp16, $4  }
0x12d: {  	_ = 	snop  }
0x12e: {  	v21 =	vadd.s32 $0xFFF0BE00, v21  }
0x12f: {  	[tilespmem:s15+$0x0] =	vst.msk vm0, v21  }
0x130: {  	[tilespmem:s16+$0x0] =	vst.msk vm0, v22  }
0x131: {  	p2 =	sne.s32 s25, $0x1  }
.Ltmp17:
0x132: {  	_ = 	snop;
	(pc) =	sbr.rel @!p2 .LBB2_18-.Ltmp17, $2  }
0x133: {  	_ =	sdelay $0x2  }
0x134: {  	s28 =	simm.s32 $0x1;
	v21 =	vmov s23;
	p1 =	por $0x0, $0x0  }
0x135: {  	_ =	sdelay $0x3  }
0x136: {  	v22 =	vld.idx.msk [tilespmem:v21+s15+$0x0], $0xffff;
	_ =	sdelay $0x4  }
0x137: {  	v23 =	vadd.s32 v12, v22;
	_ =	sdelay $0x2  }
0x138: {  	v24 =	vmov s22  }
0x139: {  	v25 =	vshll.u32 v24, $0x7  }
0x13a: {  	v26 =	vor.u32 v3, v25;
	v23 =	vld.idx.msk [tilespmem:v23+s18+$0x0], $0xffff  }
0x13b: {  	v27 =	vadd.s32 v16, v22;
	_ =	sdelay $0x3  }
0x13c: {  	v21 =	vld.idx.msk [tilespmem:v21+s16+$0x0], $0xffff;
	[tilespmem:v26+s17+$0x0] =	vst.idx.msk $0xffff, v23  }
0x13d: {  	v61 =	vor.u32 v4, v25;
	v23 =	vld.idx.msk [tilespmem:v27+s18+$0x0], $0xffff  }
0x13e: {  	v62 =	vadd.s32 v17, v22;
	_ =	sdelay $0x3  }
0x13f: {  	[tilespmem:v61+s17+$0x0] =	vst.idx.msk $0xffff, v23  }
0x140: {  	v63 =	vor.u32 v5, v25;
	v23 =	vld.idx.msk [tilespmem:v62+s18+$0x0], $0xffff  }
0x141: {  	v22 =	vadd.s32 v18, v22;
	_ =	sdelay $0x3  }
0x142: {  	[tilespmem:v63+s17+$0x0] =	vst.idx.msk $0xffff, v23  }
0x143: {  	v23 =	vor.u32 v6, v25;
	v22 =	vld.idx.msk [tilespmem:v22+s18+$0x0], $0xffff;
	_ =	sdelay $0x2  }
0x144: {  	s22 =	sadd.s32 $0x1, s22  }
0x145: {  	p3 =	sne.s32 s22, $0x80  }
0x146: {  	s0 =	simm.s32 @!p3 $0x80;
	[tilespmem:v23+s17+$0x0] =	vst.idx.msk $0xffff, v22  }
0x147: {  	s29 =	simm.s32 @!p3 $0x1A100;
	s6 =	simm.s32 @!p3 $0x16100;
	s26 =	simm.s32 @!p3 $0x1;
	v23 =	vlaneseq.u32 @!p3;
	[tilespmem:v24+s11+$0x0] =	vst.idx.msk $0x1, v21  }
0x148: {  	v21 =	vor.u32 @!p3 $0x10, v23;
	[hbm4b:s8+s0] =	stream.indirect.scatter @!p3 [tilespmem:s6], [sflag:$0x1], $0x80, s29, s0, $0xb8;
	[tilespmem:$0x1A280] =	vst v63  }
0x149: {  	v22 =	vor.u32 @!p3 $0x20, v23;
	_ =	swait.ge @!p3 [sflag:s26], $0x4000  }
0x14a: {  	[sflag:s26] =	ssyncset.done @!p3 $0x0  }
0x14b: {  	v24 =	vor.u32 @!p3 $0x30, v23;
	[sflag:s26] =	ssyncadd.s32 @!p3 $0xFFFFC000  }
0x14c: {  	v25 =	vor.u32 @!p3 $0x40, v23;
	[tilespmem:v23+s29+$0x0] =	vst.idx.msk @!p3 $0xffff, v0  }
0x14d: {  	p2 =	sne.s32 s25, $0x2;
	v26 =	vor.u32 @!p3 $0x50, v23;
	[tilespmem:v21+s29+$0x0] =	vst.idx.msk @!p3 $0xffff, v0  }
.Ltmp18:
0x14e: {  	[tilespmem:v22+s29+$0x0] =	vst.idx.msk @!p3 $0xffff, v0;
	v22 =	vor.u32 @!p3 $0x60, v23;
	(pc) =	sbr.rel @!p2 .LBB2_21-.Ltmp18, $4  }
0x14f: {  	v23 =	vor.u32 @!p3 $0x70, v23  }
0x150: {  	v21 =	vmov s28;
	[tilespmem:v24+s29+$0x0] =	vst.idx.msk @!p3 $0xffff, v0  }
0x151: {  	[tilespmem:v25+s29+$0x0] =	vst.idx.msk @!p3 $0xffff, v0  }
0x152: {  	p1 =	por $0x1, $0x1;
	s22 =	simm.s32 @!p3 $0x0;
	s26 =	simm.s32 $0x2;
	[tilespmem:v26+s29+$0x0] =	vst.idx.msk @!p3 $0xffff, v0  }
.LBB2_20:
0x153: {  	[tilespmem:v22+s29+$0x0] =	vst.idx.msk @!p3 $0xffff, v0;
	s28 =	smov.u32 s26;
	s26 =	sadd.s32 $0x1, s26  }
0x154: {  	p2 =	sne.s32 s25, s26;
	[tilespmem:v23+s29+$0x0] =	vst.idx.msk @!p3 $0xffff, v0  }
0x155: {  	v22 =	vld.idx.msk [tilespmem:v21+s15+$0x0], $0xffff;
	_ =	sdelay $0x5  }
0x156: {  	v23 =	vadd.s32 v12, v22;
	_ =	sdelay $0x2  }
0x157: {  	v24 =	vmov s22  }
0x158: {  	v25 =	vshll.u32 v24, $0x7  }
0x159: {  	v26 =	vor.u32 v3, v25;
	v23 =	vld.idx.msk [tilespmem:v23+s18+$0x0], $0xffff  }
0x15a: {  	v27 =	vadd.s32 v16, v22;
	_ =	sdelay $0x2  }
0x15b: {  	v21 =	vld.idx.msk [tilespmem:v21+s16+$0x0], $0xffff;
	_ =	sdelay $0x1  }
0x15c: {  	[tilespmem:v26+s17+$0x0] =	vst.idx.msk $0xffff, v23  }
0x15d: {  	v26 =	vor.u32 v4, v25;
	v23 =	vld.idx.msk [tilespmem:v27+s18+$0x0], $0xffff  }
0x15e: {  	v27 =	vadd.s32 v17, v22;
	_ =	sdelay $0x4  }
0x15f: {  	[tilespmem:v26+s17+$0x0] =	vst.idx.msk $0xffff, v23  }
0x160: {  	v26 =	vor.u32 v5, v25;
	v23 =	vld.idx.msk [tilespmem:v27+s18+$0x0], $0xffff  }
0x161: {  	v22 =	vadd.s32 v18, v22;
	_ =	sdelay $0x4  }
0x162: {  	[tilespmem:v26+s17+$0x0] =	vst.idx.msk $0xffff, v23  }
0x163: {  	v23 =	vor.u32 v6, v25;
	v22 =	vld.idx.msk [tilespmem:v22+s18+$0x0], $0xffff;
	_ =	sdelay $0x3  }
0x164: {  	s22 =	sadd.s32 $0x1, s22  }
0x165: {  	p3 =	sne.s32 s22, $0x80  }
0x166: {  	s0 =	simm.s32 @!p3 $0x80;
	s29 =	simm.s32 @!p3 $0x1A100;
	s6 =	simm.s32 @!p3 $0x16100;
	v25 =	vlaneseq.u32 @!p3;
	[tilespmem:v23+s17+$0x0] =	vst.idx.msk $0xffff, v22  }
0x167: {  	s30 =	simm.s32 @!p3 $0x1;
	s22 =	simm.s32 @!p3 $0x0;
	v26 =	vor.u32 @!p3 $0x30, v25;
	[tilespmem:v24+s11+$0x0] =	vst.idx.msk $0x1, v21;
	v21 =	vor.u32 @!p3 $0x10, v25;
	v24 =	vor.u32 @!p3 $0x20, v25  }
0x168: {  	v27 =	vor.u32 @!p3 $0x40, v25;
	v28 =	vor.u32 @!p3 $0x50, v25;
	v22 =	vor.u32 @!p3 $0x60, v25;
	[hbm4b:s8+s0] =	stream.indirect.scatter @!p3 [tilespmem:s6], [sflag:$0x1], $0x80, s29, s0, $0xb8;
	[tilespmem:$0x1A280] =	vst v63  }
0x169: {  	v23 =	vor.u32 @!p3 $0x70, v25;
	_ =	swait.ge @!p3 [sflag:s30], $0x4000  }
0x16a: {  	[sflag:s30] =	ssyncset.done @!p3 $0x0  }
0x16b: {  	[sflag:s30] =	ssyncadd.s32 @!p3 $0xFFFFC000  }
0x16c: {  	[tilespmem:v25+s29+$0x0] =	vst.idx.msk @!p3 $0xffff, v0  }
.Ltmp19:
0x16d: {  	[tilespmem:v21+s29+$0x0] =	vst.idx.msk @!p3 $0xffff, v0;
	(pc) =	sbr.rel @p2 .LBB2_20-.Ltmp19, $4  }
0x16e: {  	v21 =	vmov s28;
	[tilespmem:v24+s29+$0x0] =	vst.idx.msk @!p3 $0xffff, v0  }
0x16f: {  	[tilespmem:v26+s29+$0x0] =	vst.idx.msk @!p3 $0xffff, v0  }
0x170: {  	[tilespmem:v27+s29+$0x0] =	vst.idx.msk @!p3 $0xffff, v0  }
0x171: {  	[tilespmem:v28+s29+$0x0] =	vst.idx.msk @!p3 $0xffff, v0  }
.Ltmp20:
0x172: {  	_ = 	snop;
	(pc) =	sbr.rel .LBB2_21-.Ltmp20, $1  }
0x173: {  	_ =	sdelay $0x3  }
.LBB2_24:
0x174: {  	_ =	sfence.sel $0x180000  }
0x175: {  	[bflag:$0x0] =	sbarrier.arrive $0xFFFF  }
0x176: {  	_ =	strace $0x90000047  }
0x177: {  	s0 =	stileid.u32;
	[bflag:$0x2] =	sbarrier.arrive $0xFFFF  }
0x178: {  	p0 =	sne.s32 s0, $0x0;
	s0 =	rddreg [dreg:$0x4]  }
0x179: {  	s0 =	sadd.s32 @!p0 $0x100000, s0  }
0x17a: {  	[sflag:s0] =	ssyncadd.tile.s32 @!p0 $0x1;
	_ =	shalt  }
.Lfunc_end2:
_tile_overlayer_lowered:
.L_overlay_start_2:
0x17b: {  	(tag) =	ssettag $0x2  }
0x17c: {  	s0 =	rddreg [dreg:$0x0];
	s2 =	stileid.u32  }
0x17d: {  	s1 =	rddreg [dreg:$0x1];
	p0 =	sne.s32 s2, $0x0  }
0x17e: {  	s3 =	rddreg [dreg:$0x2];
	[bflag:$0x3] =	sbarrier.arrive $0xFFFF;
	s2 =	simm.s32 @!p0 $0x1C01  }
0x17f: {  	[timem:s3], [sflag:s2] =	dma.local @!p0 [hbm:s0], s1  }
0x180: {  	s0 =	simm.s32 @!p0 $0x1  }
0x181: {  	_ =	swait.ge @!p0 [sflag:s0], s1  }
0x182: {  	s1 =	ssub.s32 @!p0 $0x0, s1;
	[sflag:s0] =	ssyncset.done @!p0 $0x0  }
0x183: {  	[sflag:s0] =	ssyncadd.s32 @!p0 s1  }
0x184: {  	[bflag:$0x3] =	sbarrier.arrive $0xFFFF  }
0x185: {  	_ =	shalt  }

</sc_bundles>
